<compile_context>
chip_gen: v7x
topology: tpu7x:2x2x1
jax: 0.10.2.dev20260603
libtpu: 0.0.44.dev20260713+nightly
codegen_flags: <defaults>
</compile_context>

<pallas_src>
import functools

import jax
import jax.numpy as jnp
from jax import lax
from jax.experimental import pallas as pl
from jax.experimental.pallas import tpu as pltpu
from jax.experimental.pallas import tpu_sc as plsc

N = 10000
E = 320000
D = 128

NC = 2
NS = 16
CHUNK = 80
EPT = E // (NC * NS)
ITERS = EPT // CHUNK
NBLK = N // CHUNK
BLK_ROUNDS = -(-NBLK // NS)


def _init_acc(sh_ref, zbuf, s):
    for k in range(BLK_ROUNDS):
        b = k * NS + s

        @pl.when(b < NBLK)
        def _():
            pltpu.sync_copy(zbuf, sh_ref.at[pl.ds(b * CHUNK, CHUNK)])


def _drain_acc(sh_ref, bbuf, out_hbm, c, s):
    for k in range(BLK_ROUNDS):
        b = k * NS + s

        @pl.when(b < NBLK)
        def _():
            pltpu.sync_copy(sh_ref.at[pl.ds(b * CHUNK, CHUNK)], bbuf)
            pltpu.sync_copy(bbuf, out_hbm.at[pl.ds(c * N + b * CHUNK, CHUNK)])


def _sc_body(x_hbm, ea_hbm, ei4_hbm, zeros_hbm, ones_hbm,
             outa_hbm, outd_hbm,
             a_sh, idx_v, rows_v,
             sem_g0, sem_g1, sem_g2, sem_s0, sem_s1, sem_s2):
    c = lax.axis_index("c")
    s = lax.axis_index("s")
    tid = c * NS + s
    base = tid * EPT

    slots = [rows_v.at[pl.ds(k * CHUNK, CHUNK)] for k in range(3)]
    ea_s = slots[0]

    pltpu.sync_copy(zeros_hbm, slots[0])
    _init_acc(a_sh, slots[0], s)
    pltpu.sync_copy(ei4_hbm.at[1, tid], idx_v.at[pl.ds(0, ITERS)])
    plsc.subcore_barrier()

    def fire_src(j, slot, sem):
        pltpu.async_copy(ei4_hbm.at[0, tid, pl.ds(j, 1)],
                         idx_v.at[pl.ds(slot, 1)], sem)

    def fire_gather(k, sg):
        pltpu.async_copy(x_hbm.at[idx_v.at[ITERS + k]], slots[k], sg)

    def wait_ld(buf, sem):
        pltpu.make_async_copy(ea_hbm.at[pl.ds(0, CHUNK)], buf, sem).wait()

    def wait_src(k, sem):
        pltpu.make_async_copy(ei4_hbm.at[0, 0, pl.ds(0, 1)],
                              idx_v.at[pl.ds(ITERS + k, 1)], sem).wait()

    def scatter(j, k):
        pltpu.sync_copy(slots[k], a_sh.at[idx_v.at[j]], add=True)
        pltpu.sync_copy(ea_hbm.at[pl.ds(base + j * CHUNK, CHUNK)], slots[k])
        pltpu.sync_copy(slots[k], a_sh.at[idx_v.at[j]], add=True)

    sem_g = [sem_g0, sem_g1, sem_g2]
    sem_s = [sem_s0, sem_s1, sem_s2]

    fire_src(0, ITERS + 0, sem_s[0])
    fire_src(1, ITERS + 1, sem_s[1])
    fire_src(2, ITERS + 2, sem_s[2])
    wait_src(0, sem_s[0])
    fire_gather(0, sem_g[0])
    wait_src(1, sem_s[1])
    fire_gather(1, sem_g[1])

    def sub(j, q):
        p = (q + 2) % 3
        wait_ld(slots[q], sem_g[q])

        @pl.when(j + 3 < ITERS)
        def _():
            fire_src(j + 3, ITERS + q, sem_s[q])

        @pl.when(j + 2 < ITERS)
        def _():
            wait_src(p, sem_s[p])
            fire_gather(p, sem_g[p])

        scatter(j, q)

    def triple(t, carry):
        j0 = 3 * t
        sub(j0, 0)
        sub(j0 + 1, 1)
        sub(j0 + 2, 2)
        return carry

    lax.fori_loop(0, ITERS // 3, triple, 0)
    sub(ITERS - 2, (ITERS - 2) % 3)
    sub(ITERS - 1, (ITERS - 1) % 3)
    plsc.subcore_barrier()
    _drain_acc(a_sh, slots[0], outa_hbm, c, s)

    pltpu.sync_copy(zeros_hbm, slots[1])
    _init_acc(a_sh, slots[1], s)
    pltpu.sync_copy(ones_hbm, ea_s)
    plsc.subcore_barrier()

    def dstep(j, carry):
        pltpu.sync_copy(ea_s, a_sh.at[idx_v.at[j]], add=True)
        return carry

    lax.fori_loop(0, ITERS, dstep, 0)
    plsc.subcore_barrier()
    _drain_acc(a_sh, slots[1], outd_hbm, c, s)


@jax.jit
def _sc_aggregate(x, edge_attr, ei4):
    zeros = jnp.zeros((CHUNK, D), jnp.float32)
    ones = jnp.ones((CHUNK, D), jnp.float32)
    mesh = plsc.VectorSubcoreMesh(core_axis_name="c", subcore_axis_name="s")
    fn = functools.partial(
        pl.kernel,
        _sc_body,
        out_type=[
            jax.ShapeDtypeStruct((NC * N, D), jnp.float32),
            jax.ShapeDtypeStruct((NC * N, D), jnp.float32),
        ],
        mesh=mesh,
        scratch_types=[
            pltpu.VMEM_SHARED((N, D), jnp.float32),
            pltpu.VMEM((ITERS + 3, CHUNK), jnp.int32),
            pltpu.VMEM((3 * CHUNK, D), jnp.float32),
            pltpu.SemaphoreType.DMA,
            pltpu.SemaphoreType.DMA,
            pltpu.SemaphoreType.DMA,
            pltpu.SemaphoreType.DMA,
            pltpu.SemaphoreType.DMA,
            pltpu.SemaphoreType.DMA,
        ],
    )()
    a_flat, d_flat = fn(x, edge_attr, ei4, zeros, ones)
    return a_flat, d_flat


def _tc_body(a0_ref, a1_ref, d0_ref, d1_ref, w_ref, b_ref, out_ref):
    a = a0_ref[...] + a1_ref[...]
    deg = d0_ref[:, :1] + d1_ref[:, :1]
    norm = jnp.where(deg > 0.0, 1.0 / jnp.sqrt(deg), 0.0)
    out_ref[...] = (
        jnp.dot(a * norm, w_ref[...], preferred_element_type=jnp.float32)
        + b_ref[...]
    )


@jax.jit
def _tc_finish(a_flat, d_flat, weights, h_bias):
    bn = 400
    off1 = N // bn
    return pl.pallas_call(
        _tc_body,
        grid=(N // bn,),
        in_specs=[
            pl.BlockSpec((bn, D), lambda i: (i, 0)),
            pl.BlockSpec((bn, D), lambda i: (i + off1, 0)),
            pl.BlockSpec((bn, D), lambda i: (i, 0)),
            pl.BlockSpec((bn, D), lambda i: (i + off1, 0)),
            pl.BlockSpec((D, D), lambda i: (0, 0)),
            pl.BlockSpec((1, D), lambda i: (0, 0)),
        ],
        out_specs=pl.BlockSpec((bn, D), lambda i: (i, 0)),
        out_shape=jax.ShapeDtypeStruct((N, D), jnp.float32),
    )(a_flat, a_flat, d_flat, d_flat, weights, h_bias.reshape(1, D))


def kernel(x, edge_attr, weights, h_bias, edge_index):
    ei4 = edge_index.reshape(2, NC * NS, ITERS, CHUNK)
    a_flat, d_flat = _sc_aggregate(x, edge_attr, ei4)
    return _tc_finish(a_flat, d_flat, weights, h_bias)

# --- scband reference (transcript-rebuilt; emitter-appended) ---
"""Pipeline reference for scband-graph-convwith-edge-feat-31688268709951 (READ-ONLY COPY).

The authoritative reference and input builder live on the scoring server;
editing this copy changes nothing except your own understanding.
"""

import jax, jax.numpy as jnp
import numpy as np

N = 10000
E = 320000
D_IN = 128
D_OUT = 128


def setup_inputs(seed: int = 0) -> dict:
    key = jax.random.key(seed)
    k1, k2, k3, k4 = jax.random.split(key, 4)
    x = jax.random.normal(k1, (N, D_IN), dtype=jnp.float32)
    edge_attr = jax.random.normal(k2, (E, D_IN), dtype=jnp.float32)
    edge_index = jax.random.randint(k3, (2, E), 0, N, dtype=jnp.int32)
    # xavier_uniform init for weights of shape (in_feat, out_feat)
    limit = float(np.sqrt(6.0 / (D_IN + D_OUT)))
    weights = jax.random.uniform(k4, (D_IN, D_OUT), dtype=jnp.float32, minval=-limit, maxval=limit)
    h_bias = jnp.zeros((D_OUT,), dtype=jnp.float32)
    return {"x": x, "edge_attr": edge_attr, "weights": weights, "h_bias": h_bias, "edge_index": edge_index}


def reference(x, edge_attr, weights, h_bias, edge_index):
    src = edge_index[0]
    dst = edge_index[1]
    # edge_feat_mp_op == 'add': message = (src_feat + edge_feat) @ W  (per edge)
    m = (x[src] + edge_attr) @ weights
    # in-degree normalization: norm = in_deg^{-0.5} on destination nodes
    in_deg = jax.ops.segment_sum(jnp.ones((E,), dtype=jnp.float32), dst, num_segments=N)
    norm = jnp.power(in_deg, -0.5)
    # e_mul_v: multiply each edge message by dst-node norm, then sum-aggregate to dst
    n_m = m * norm[dst][:, None]
    h = jax.ops.segment_sum(n_m, dst, num_segments=N)
    h = h + h_bias
    return h

if __name__ == "__main__":
    import jax
    _d = setup_inputs()
    print(jax.jit(kernel)(*tuple(_d.values())))

</pallas_src>

<mosaic_0001>
#map = affine_map<(d0, d1) -> (0, 0)>
#map1 = affine_map<(d0, d1) -> (0, 0, 0, 0)>
module attributes {stable_mosaic.version = 14 : i64} {
  func.func @_sc_body(%arg0: i32, %arg1: i32, %arg2: memref<10000x128xf32, #tpu.memory_space<hbm>>, %arg3: memref<320000x128xf32, #tpu.memory_space<hbm>>, %arg4: memref<2x32x125x80xi32, #tpu.memory_space<hbm>>, %arg5: memref<80x128xf32, #tpu.memory_space<hbm>>, %arg6: memref<80x128xf32, #tpu.memory_space<hbm>>, %arg7: memref<20000x128xf32, #tpu.memory_space<hbm>>, %arg8: memref<20000x128xf32, #tpu.memory_space<hbm>>, %arg9: memref<10000x128xf32, #tpu.memory_space<vmem_shared>>, %arg10: memref<128x80xi32, #tpu.memory_space<vmem>>, %arg11: memref<240x128xf32, #tpu.memory_space<vmem>>, %arg12: memref<!tpu.dma_semaphore, #tpu.memory_space<semaphore_mem>>, %arg13: memref<!tpu.dma_semaphore, #tpu.memory_space<semaphore_mem>>, %arg14: memref<!tpu.dma_semaphore, #tpu.memory_space<semaphore_mem>>, %arg15: memref<!tpu.dma_semaphore, #tpu.memory_space<semaphore_mem>>, %arg16: memref<!tpu.dma_semaphore, #tpu.memory_space<semaphore_mem>>, %arg17: memref<!tpu.dma_semaphore, #tpu.memory_space<semaphore_mem>>) attributes {dimension_semantics = [#tpu.dimension_semantics<core_parallel>, #tpu.dimension_semantics<subcore_parallel>], iteration_bounds = array<i64: 2, 16>, scalar_prefetch = 0 : i64, scratch_operands = 9 : i64, tpu.core_type = #tpu.core_type<sc_vector_subcore>, window_params = [{transform_indices = #map}, {transform_indices = #map}, {transform_indices = #map1}, {transform_indices = #map}, {transform_indices = #map}, {transform_indices = #map}, {transform_indices = #map}]} {
    %mul3A = arith.constant 16 : i32
    %mul3A_0 = arith.muli %arg0, %mul3A : i32
    %add3A = arith.addi %mul3A_0, %arg1 : i32
    %mul3A_1 = arith.constant 10000 : i32
    %mul3A_2 = arith.muli %add3A, %mul3A_1 : i32
    "tpu.region"() ({
      %run_scoped3A_365 = tpu.sem_alloc : memref<!tpu.dma_semaphore, #tpu.memory_space<semaphore_mem>>
      %dma_start3A_366 = arith.constant 0 : i32
      %dma_start3A_367 = arith.constant 0 : i32
      %dma_start3A_368 = tpu.memref_slice %arg11[%dma_start3A_366, %dma_start3A_367] : memref<240x128xf32, #tpu.memory_space<vmem>> -> memref<80x128xf32, #tpu.memory_space<vmem>>
      %dma_start3A_369 = arith.constant 0 : i32
      %dma_start3A_370 = arith.constant 0 : i32
      %dma_start3A_371 = tpu.memref_slice %arg11[%dma_start3A_369, %dma_start3A_370] : memref<240x128xf32, #tpu.memory_space<vmem>> -> memref<80x128xf32, #tpu.memory_space<vmem>>
      tpu.enqueue_dma source(%arg5 : memref<80x128xf32, #tpu.memory_space<hbm>>) target(%dma_start3A_371 : memref<80x128xf32, #tpu.memory_space<vmem>>) target_semaphore(%run_scoped3A_365 : memref<!tpu.dma_semaphore, #tpu.memory_space<semaphore_mem>>)
      %dma_wait3A_372 = arith.constant 0 : i32
      %dma_wait3A_373 = arith.constant 0 : i32
      %dma_wait3A_374 = tpu.memref_slice %arg11[%dma_wait3A_372, %dma_wait3A_373] : memref<240x128xf32, #tpu.memory_space<vmem>> -> memref<80x128xf32, #tpu.memory_space<vmem>>
      %dma_wait3A_375 = arith.constant 0 : i32
      %dma_wait3A_376 = arith.constant 0 : i32
      %dma_wait3A_377 = tpu.memref_slice %arg11[%dma_wait3A_375, %dma_wait3A_376] : memref<240x128xf32, #tpu.memory_space<vmem>> -> memref<80x128xf32, #tpu.memory_space<vmem>>
      tpu.wait_dma2 semaphore(%run_scoped3A_365 : memref<!tpu.dma_semaphore, #tpu.memory_space<semaphore_mem>>) src(%arg5 : memref<80x128xf32, #tpu.memory_space<hbm>>) dst(%dma_wait3A_377 : memref<80x128xf32, #tpu.memory_space<vmem>>)
      tpu.yield
    }) : () -> ()
    %add3A_3 = arith.constant 0 : i32
    %add3A_4 = arith.addi %add3A_3, %arg1 : i32
    %lt3A = arith.constant 125 : i32
    %lt3A_5 = arith.cmpi slt, %add3A_4, %lt3A : i32
    %convert_element_type3A = arith.extui %lt3A_5 : i1 to i32
    %cond3A = arith.constant 0 : i32
    %cond3A_6 = arith.cmpi ne, %convert_element_type3A, %cond3A : i32
    scf.if %cond3A_6 {
      %mul3A_365 = arith.constant 80 : i32
      %mul3A_366 = arith.muli %add3A_4, %mul3A_365 : i32
      "tpu.region"() ({
        %run_scoped3A_367 = tpu.sem_alloc : memref<!tpu.dma_semaphore, #tpu.memory_space<semaphore_mem>>
        %dma_start3A_368 = arith.constant 0 : i32
        %dma_start3A_369 = arith.constant 0 : i32
        %dma_start3A_370 = tpu.memref_slice %arg11[%dma_start3A_368, %dma_start3A_369] : memref<240x128xf32, #tpu.memory_space<vmem>> -> memref<80x128xf32, #tpu.memory_space<vmem>>
        %dma_start3A_371 = arith.constant 0 : i32
        %dma_start3A_372 = tpu.memref_slice %arg9[%mul3A_366, %dma_start3A_371] : memref<10000x128xf32, #tpu.memory_space<vmem_shared>> -> memref<80x128xf32, #tpu.memory_space<vmem_shared>>
        %dma_start3A_373 = arith.constant 0 : i32
        %dma_start3A_374 = tpu.memref_slice %arg9[%mul3A_366, %dma_start3A_373] : memref<10000x128xf32, #tpu.memory_space<vmem_shared>> -> memref<80x128xf32, #tpu.memory_space<vmem_shared>>
        %dma_start3A_375 = arith.constant 0 : i32
        %dma_start3A_376 = arith.constant 0 : i32
        %dma_start3A_377 = tpu.memref_slice %arg11[%dma_start3A_375, %dma_start3A_376] : memref<240x128xf32, #tpu.memory_space<vmem>> -> memref<80x128xf32, #tpu.memory_space<vmem>>
        tpu.enqueue_dma source(%dma_start3A_377 : memref<80x128xf32, #tpu.memory_space<vmem>>) target(%dma_start3A_374 : memref<80x128xf32, #tpu.memory_space<vmem_shared>>) target_semaphore(%run_scoped3A_367 : memref<!tpu.dma_semaphore, #tpu.memory_space<semaphore_mem>>)
        %dma_wait3A_378 = arith.constant 0 : i32
        %dma_wait3A_379 = arith.constant 0 : i32
        %dma_wait3A_380 = tpu.memref_slice %arg11[%dma_wait3A_378, %dma_wait3A_379] : memref<240x128xf32, #tpu.memory_space<vmem>> -> memref<80x128xf32, #tpu.memory_space<vmem>>
        %dma_wait3A_381 = arith.constant 0 : i32
        %dma_wait3A_382 = tpu.memref_slice %arg9[%mul3A_366, %dma_wait3A_381] : memref<10000x128xf32, #tpu.memory_space<vmem_shared>> -> memref<80x128xf32, #tpu.memory_space<vmem_shared>>
        %dma_wait3A_383 = arith.constant 0 : i32
        %dma_wait3A_384 = tpu.memref_slice %arg9[%mul3A_366, %dma_wait3A_383] : memref<10000x128xf32, #tpu.memory_space<vmem_shared>> -> memref<80x128xf32, #tpu.memory_space<vmem_shared>>
        %dma_wait3A_385 = arith.constant 0 : i32
        %dma_wait3A_386 = arith.constant 0 : i32
        %dma_wait3A_387 = tpu.memref_slice %arg11[%dma_wait3A_385, %dma_wait3A_386] : memref<240x128xf32, #tpu.memory_space<vmem>> -> memref<80x128xf32, #tpu.memory_space<vmem>>
        tpu.wait_dma2 semaphore(%run_scoped3A_367 : memref<!tpu.dma_semaphore, #tpu.memory_space<semaphore_mem>>) src(%dma_wait3A_387 : memref<80x128xf32, #tpu.memory_space<vmem>>) dst(%dma_wait3A_384 : memref<80x128xf32, #tpu.memory_space<vmem_shared>>)
        tpu.yield
      }) : () -> ()
    } else {
    }
    %add3A_7 = arith.constant 16 : i32
    %add3A_8 = arith.addi %add3A_7, %arg1 : i32
    %lt3A_9 = arith.constant 125 : i32
    %lt3A_10 = arith.cmpi slt, %add3A_8, %lt3A_9 : i32
    %convert_element_type3A_11 = arith.extui %lt3A_10 : i1 to i32
    %cond3A_12 = arith.constant 0 : i32
    %cond3A_13 = arith.cmpi ne, %convert_element_type3A_11, %cond3A_12 : i32
    scf.if %cond3A_13 {
      %mul3A_365 = arith.constant 80 : i32
      %mul3A_366 = arith.muli %add3A_8, %mul3A_365 : i32
      "tpu.region"() ({
        %run_scoped3A_367 = tpu.sem_alloc : memref<!tpu.dma_semaphore, #tpu.memory_space<semaphore_mem>>
        %dma_start3A_368 = arith.constant 0 : i32
        %dma_start3A_369 = arith.constant 0 : i32
        %dma_start3A_370 = tpu.memref_slice %arg11[%dma_start3A_368, %dma_start3A_369] : memref<240x128xf32, #tpu.memory_space<vmem>> -> memref<80x128xf32, #tpu.memory_space<vmem>>
        %dma_start3A_371 = arith.constant 0 : i32
        %dma_start3A_372 = tpu.memref_slice %arg9[%mul3A_366, %dma_start3A_371] : memref<10000x128xf32, #tpu.memory_space<vmem_shared>> -> memref<80x128xf32, #tpu.memory_space<vmem_shared>>
        %dma_start3A_373 = arith.constant 0 : i32
        %dma_start3A_374 = tpu.memref_slice %arg9[%mul3A_366, %dma_start3A_373] : memref<10000x128xf32, #tpu.memory_space<vmem_shared>> -> memref<80x128xf32, #tpu.memory_space<vmem_shared>>
        %dma_start3A_375 = arith.constant 0 : i32
        %dma_start3A_376 = arith.constant 0 : i32
        %dma_start3A_377 = tpu.memref_slice %arg11[%dma_start3A_375, %dma_start3A_376] : memref<240x128xf32, #tpu.memory_space<vmem>> -> memref<80x128xf32, #tpu.memory_space<vmem>>
        tpu.enqueue_dma source(%dma_start3A_377 : memref<80x128xf32, #tpu.memory_space<vmem>>) target(%dma_start3A_374 : memref<80x128xf32, #tpu.memory_space<vmem_shared>>) target_semaphore(%run_scoped3A_367 : memref<!tpu.dma_semaphore, #tpu.memory_space<semaphore_mem>>)
        %dma_wait3A_378 = arith.constant 0 : i32
        %dma_wait3A_379 = arith.constant 0 : i32
        %dma_wait3A_380 = tpu.memref_slice %arg11[%dma_wait3A_378, %dma_wait3A_379] : memref<240x128xf32, #tpu.memory_space<vmem>> -> memref<80x128xf32, #tpu.memory_space<vmem>>
        %dma_wait3A_381 = arith.constant 0 : i32
        %dma_wait3A_382 = tpu.memref_slice %arg9[%mul3A_366, %dma_wait3A_381] : memref<10000x128xf32, #tpu.memory_space<vmem_shared>> -> memref<80x128xf32, #tpu.memory_space<vmem_shared>>
        %dma_wait3A_383 = arith.constant 0 : i32
        %dma_wait3A_384 = tpu.memref_slice %arg9[%mul3A_366, %dma_wait3A_383] : memref<10000x128xf32, #tpu.memory_space<vmem_shared>> -> memref<80x128xf32, #tpu.memory_space<vmem_shared>>
        %dma_wait3A_385 = arith.constant 0 : i32
        %dma_wait3A_386 = arith.constant 0 : i32
        %dma_wait3A_387 = tpu.memref_slice %arg11[%dma_wait3A_385, %dma_wait3A_386] : memref<240x128xf32, #tpu.memory_space<vmem>> -> memref<80x128xf32, #tpu.memory_space<vmem>>
        tpu.wait_dma2 semaphore(%run_scoped3A_367 : memref<!tpu.dma_semaphore, #tpu.memory_space<semaphore_mem>>) src(%dma_wait3A_387 : memref<80x128xf32, #tpu.memory_space<vmem>>) dst(%dma_wait3A_384 : memref<80x128xf32, #tpu.memory_space<vmem_shared>>)
        tpu.yield
      }) : () -> ()
    } else {
    }
    %add3A_14 = arith.constant 32 : i32
    %add3A_15 = arith.addi %add3A_14, %arg1 : i32
    %lt3A_16 = arith.constant 125 : i32
    %lt3A_17 = arith.cmpi slt, %add3A_15, %lt3A_16 : i32
    %convert_element_type3A_18 = arith.extui %lt3A_17 : i1 to i32
    %cond3A_19 = arith.constant 0 : i32
    %cond3A_20 = arith.cmpi ne, %convert_element_type3A_18, %cond3A_19 : i32
    scf.if %cond3A_20 {
      %mul3A_365 = arith.constant 80 : i32
      %mul3A_366 = arith.muli %add3A_15, %mul3A_365 : i32
      "tpu.region"() ({
        %run_scoped3A_367 = tpu.sem_alloc : memref<!tpu.dma_semaphore, #tpu.memory_space<semaphore_mem>>
        %dma_start3A_368 = arith.constant 0 : i32
        %dma_start3A_369 = arith.constant 0 : i32
        %dma_start3A_370 = tpu.memref_slice %arg11[%dma_start3A_368, %dma_start3A_369] : memref<240x128xf32, #tpu.memory_space<vmem>> -> memref<80x128xf32, #tpu.memory_space<vmem>>
        %dma_start3A_371 = arith.constant 0 : i32
        %dma_start3A_372 = tpu.memref_slice %arg9[%mul3A_366, %dma_start3A_371] : memref<10000x128xf32, #tpu.memory_space<vmem_shared>> -> memref<80x128xf32, #tpu.memory_space<vmem_shared>>
        %dma_start3A_373 = arith.constant 0 : i32
        %dma_start3A_374 = tpu.memref_slice %arg9[%mul3A_366, %dma_start3A_373] : memref<10000x128xf32, #tpu.memory_space<vmem_shared>> -> memref<80x128xf32, #tpu.memory_space<vmem_shared>>
        %dma_start3A_375 = arith.constant 0 : i32
        %dma_start3A_376 = arith.constant 0 : i32
        %dma_start3A_377 = tpu.memref_slice %arg11[%dma_start3A_375, %dma_start3A_376] : memref<240x128xf32, #tpu.memory_space<vmem>> -> memref<80x128xf32, #tpu.memory_space<vmem>>
        tpu.enqueue_dma source(%dma_start3A_377 : memref<80x128xf32, #tpu.memory_space<vmem>>) target(%dma_start3A_374 : memref<80x128xf32, #tpu.memory_space<vmem_shared>>) target_semaphore(%run_scoped3A_367 : memref<!tpu.dma_semaphore, #tpu.memory_space<semaphore_mem>>)
        %dma_wait3A_378 = arith.constant 0 : i32
        %dma_wait3A_379 = arith.constant 0 : i32
        %dma_wait3A_380 = tpu.memref_slice %arg11[%dma_wait3A_378, %dma_wait3A_379] : memref<240x128xf32, #tpu.memory_space<vmem>> -> memref<80x128xf32, #tpu.memory_space<vmem>>
        %dma_wait3A_381 = arith.constant 0 : i32
        %dma_wait3A_382 = tpu.memref_slice %arg9[%mul3A_366, %dma_wait3A_381] : memref<10000x128xf32, #tpu.memory_space<vmem_shared>> -> memref<80x128xf32, #tpu.memory_space<vmem_shared>>
        %dma_wait3A_383 = arith.constant 0 : i32
        %dma_wait3A_384 = tpu.memref_slice %arg9[%mul3A_366, %dma_wait3A_383] : memref<10000x128xf32, #tpu.memory_space<vmem_shared>> -> memref<80x128xf32, #tpu.memory_space<vmem_shared>>
        %dma_wait3A_385 = arith.constant 0 : i32
        %dma_wait3A_386 = arith.constant 0 : i32
        %dma_wait3A_387 = tpu.memref_slice %arg11[%dma_wait3A_385, %dma_wait3A_386] : memref<240x128xf32, #tpu.memory_space<vmem>> -> memref<80x128xf32, #tpu.memory_space<vmem>>
        tpu.wait_dma2 semaphore(%run_scoped3A_367 : memref<!tpu.dma_semaphore, #tpu.memory_space<semaphore_mem>>) src(%dma_wait3A_387 : memref<80x128xf32, #tpu.memory_space<vmem>>) dst(%dma_wait3A_384 : memref<80x128xf32, #tpu.memory_space<vmem_shared>>)
        tpu.yield
      }) : () -> ()
    } else {
    }
    %add3A_21 = arith.constant 48 : i32
    %add3A_22 = arith.addi %add3A_21, %arg1 : i32
    %lt3A_23 = arith.constant 125 : i32
    %lt3A_24 = arith.cmpi slt, %add3A_22, %lt3A_23 : i32
    %convert_element_type3A_25 = arith.extui %lt3A_24 : i1 to i32
    %cond3A_26 = arith.constant 0 : i32
    %cond3A_27 = arith.cmpi ne, %convert_element_type3A_25, %cond3A_26 : i32
    scf.if %cond3A_27 {
      %mul3A_365 = arith.constant 80 : i32
      %mul3A_366 = arith.muli %add3A_22, %mul3A_365 : i32
      "tpu.region"() ({
        %run_scoped3A_367 = tpu.sem_alloc : memref<!tpu.dma_semaphore, #tpu.memory_space<semaphore_mem>>
        %dma_start3A_368 = arith.constant 0 : i32
        %dma_start3A_369 = arith.constant 0 : i32
        %dma_start3A_370 = tpu.memref_slice %arg11[%dma_start3A_368, %dma_start3A_369] : memref<240x128xf32, #tpu.memory_space<vmem>> -> memref<80x128xf32, #tpu.memory_space<vmem>>
        %dma_start3A_371 = arith.constant 0 : i32
        %dma_start3A_372 = tpu.memref_slice %arg9[%mul3A_366, %dma_start3A_371] : memref<10000x128xf32, #tpu.memory_space<vmem_shared>> -> memref<80x128xf32, #tpu.memory_space<vmem_shared>>
        %dma_start3A_373 = arith.constant 0 : i32
        %dma_start3A_374 = tpu.memref_slice %arg9[%mul3A_366, %dma_start3A_373] : memref<10000x128xf32, #tpu.memory_space<vmem_shared>> -> memref<80x128xf32, #tpu.memory_space<vmem_shared>>
        %dma_start3A_375 = arith.constant 0 : i32
        %dma_start3A_376 = arith.constant 0 : i32
        %dma_start3A_377 = tpu.memref_slice %arg11[%dma_start3A_375, %dma_start3A_376] : memref<240x128xf32, #tpu.memory_space<vmem>> -> memref<80x128xf32, #tpu.memory_space<vmem>>
        tpu.enqueue_dma source(%dma_start3A_377 : memref<80x128xf32, #tpu.memory_space<vmem>>) target(%dma_start3A_374 : memref<80x128xf32, #tpu.memory_space<vmem_shared>>) target_semaphore(%run_scoped3A_367 : memref<!tpu.dma_semaphore, #tpu.memory_space<semaphore_mem>>)
        %dma_wait3A_378 = arith.constant 0 : i32
        %dma_wait3A_379 = arith.constant 0 : i32
        %dma_wait3A_380 = tpu.memref_slice %arg11[%dma_wait3A_378, %dma_wait3A_379] : memref<240x128xf32, #tpu.memory_space<vmem>> -> memref<80x128xf32, #tpu.memory_space<vmem>>
        %dma_wait3A_381 = arith.constant 0 : i32
        %dma_wait3A_382 = tpu.memref_slice %arg9[%mul3A_366, %dma_wait3A_381] : memref<10000x128xf32, #tpu.memory_space<vmem_shared>> -> memref<80x128xf32, #tpu.memory_space<vmem_shared>>
        %dma_wait3A_383 = arith.constant 0 : i32
        %dma_wait3A_384 = tpu.memref_slice %arg9[%mul3A_366, %dma_wait3A_383] : memref<10000x128xf32, #tpu.memory_space<vmem_shared>> -> memref<80x128xf32, #tpu.memory_space<vmem_shared>>
        %dma_wait3A_385 = arith.constant 0 : i32
        %dma_wait3A_386 = arith.constant 0 : i32
        %dma_wait3A_387 = tpu.memref_slice %arg11[%dma_wait3A_385, %dma_wait3A_386] : memref<240x128xf32, #tpu.memory_space<vmem>> -> memref<80x128xf32, #tpu.memory_space<vmem>>
        tpu.wait_dma2 semaphore(%run_scoped3A_367 : memref<!tpu.dma_semaphore, #tpu.memory_space<semaphore_mem>>) src(%dma_wait3A_387 : memref<80x128xf32, #tpu.memory_space<vmem>>) dst(%dma_wait3A_384 : memref<80x128xf32, #tpu.memory_space<vmem_shared>>)
        tpu.yield
      }) : () -> ()
    } else {
    }
    %add3A_28 = arith.constant 64 : i32
    %add3A_29 = arith.addi %add3A_28, %arg1 : i32
    %lt3A_30 = arith.constant 125 : i32
    %lt3A_31 = arith.cmpi slt, %add3A_29, %lt3A_30 : i32
    %convert_element_type3A_32 = arith.extui %lt3A_31 : i1 to i32
    %cond3A_33 = arith.constant 0 : i32
    %cond3A_34 = arith.cmpi ne, %convert_element_type3A_32, %cond3A_33 : i32
    scf.if %cond3A_34 {
      %mul3A_365 = arith.constant 80 : i32
      %mul3A_366 = arith.muli %add3A_29, %mul3A_365 : i32
      "tpu.region"() ({
        %run_scoped3A_367 = tpu.sem_alloc : memref<!tpu.dma_semaphore, #tpu.memory_space<semaphore_mem>>
        %dma_start3A_368 = arith.constant 0 : i32
        %dma_start3A_369 = arith.constant 0 : i32
        %dma_start3A_370 = tpu.memref_slice %arg11[%dma_start3A_368, %dma_start3A_369] : memref<240x128xf32, #tpu.memory_space<vmem>> -> memref<80x128xf32, #tpu.memory_space<vmem>>
        %dma_start3A_371 = arith.constant 0 : i32
        %dma_start3A_372 = tpu.memref_slice %arg9[%mul3A_366, %dma_start3A_371] : memref<10000x128xf32, #tpu.memory_space<vmem_shared>> -> memref<80x128xf32, #tpu.memory_space<vmem_shared>>
        %dma_start3A_373 = arith.constant 0 : i32
        %dma_start3A_374 = tpu.memref_slice %arg9[%mul3A_366, %dma_start3A_373] : memref<10000x128xf32, #tpu.memory_space<vmem_shared>> -> memref<80x128xf32, #tpu.memory_space<vmem_shared>>
        %dma_start3A_375 = arith.constant 0 : i32
        %dma_start3A_376 = arith.constant 0 : i32
        %dma_start3A_377 = tpu.memref_slice %arg11[%dma_start3A_375, %dma_start3A_376] : memref<240x128xf32, #tpu.memory_space<vmem>> -> memref<80x128xf32, #tpu.memory_space<vmem>>
        tpu.enqueue_dma source(%dma_start3A_377 : memref<80x128xf32, #tpu.memory_space<vmem>>) target(%dma_start3A_374 : memref<80x128xf32, #tpu.memory_space<vmem_shared>>) target_semaphore(%run_scoped3A_367 : memref<!tpu.dma_semaphore, #tpu.memory_space<semaphore_mem>>)
        %dma_wait3A_378 = arith.constant 0 : i32
        %dma_wait3A_379 = arith.constant 0 : i32
        %dma_wait3A_380 = tpu.memref_slice %arg11[%dma_wait3A_378, %dma_wait3A_379] : memref<240x128xf32, #tpu.memory_space<vmem>> -> memref<80x128xf32, #tpu.memory_space<vmem>>
        %dma_wait3A_381 = arith.constant 0 : i32
        %dma_wait3A_382 = tpu.memref_slice %arg9[%mul3A_366, %dma_wait3A_381] : memref<10000x128xf32, #tpu.memory_space<vmem_shared>> -> memref<80x128xf32, #tpu.memory_space<vmem_shared>>
        %dma_wait3A_383 = arith.constant 0 : i32
        %dma_wait3A_384 = tpu.memref_slice %arg9[%mul3A_366, %dma_wait3A_383] : memref<10000x128xf32, #tpu.memory_space<vmem_shared>> -> memref<80x128xf32, #tpu.memory_space<vmem_shared>>
        %dma_wait3A_385 = arith.constant 0 : i32
        %dma_wait3A_386 = arith.constant 0 : i32
        %dma_wait3A_387 = tpu.memref_slice %arg11[%dma_wait3A_385, %dma_wait3A_386] : memref<240x128xf32, #tpu.memory_space<vmem>> -> memref<80x128xf32, #tpu.memory_space<vmem>>
        tpu.wait_dma2 semaphore(%run_scoped3A_367 : memref<!tpu.dma_semaphore, #tpu.memory_space<semaphore_mem>>) src(%dma_wait3A_387 : memref<80x128xf32, #tpu.memory_space<vmem>>) dst(%dma_wait3A_384 : memref<80x128xf32, #tpu.memory_space<vmem_shared>>)
        tpu.yield
      }) : () -> ()
    } else {
    }
    %add3A_35 = arith.constant 80 : i32
    %add3A_36 = arith.addi %add3A_35, %arg1 : i32
    %lt3A_37 = arith.constant 125 : i32
    %lt3A_38 = arith.cmpi slt, %add3A_36, %lt3A_37 : i32
    %convert_element_type3A_39 = arith.extui %lt3A_38 : i1 to i32
    %cond3A_40 = arith.constant 0 : i32
    %cond3A_41 = arith.cmpi ne, %convert_element_type3A_39, %cond3A_40 : i32
    scf.if %cond3A_41 {
      %mul3A_365 = arith.constant 80 : i32
      %mul3A_366 = arith.muli %add3A_36, %mul3A_365 : i32
      "tpu.region"() ({
        %run_scoped3A_367 = tpu.sem_alloc : memref<!tpu.dma_semaphore, #tpu.memory_space<semaphore_mem>>
        %dma_start3A_368 = arith.constant 0 : i32
        %dma_start3A_369 = arith.constant 0 : i32
        %dma_start3A_370 = tpu.memref_slice %arg11[%dma_start3A_368, %dma_start3A_369] : memref<240x128xf32, #tpu.memory_space<vmem>> -> memref<80x128xf32, #tpu.memory_space<vmem>>
        %dma_start3A_371 = arith.constant 0 : i32
        %dma_start3A_372 = tpu.memref_slice %arg9[%mul3A_366, %dma_start3A_371] : memref<10000x128xf32, #tpu.memory_space<vmem_shared>> -> memref<80x128xf32, #tpu.memory_space<vmem_shared>>
        %dma_start3A_373 = arith.constant 0 : i32
        %dma_start3A_374 = tpu.memref_slice %arg9[%mul3A_366, %dma_start3A_373] : memref<10000x128xf32, #tpu.memory_space<vmem_shared>> -> memref<80x128xf32, #tpu.memory_space<vmem_shared>>
        %dma_start3A_375 = arith.constant 0 : i32
        %dma_start3A_376 = arith.constant 0 : i32
        %dma_start3A_377 = tpu.memref_slice %arg11[%dma_start3A_375, %dma_start3A_376] : memref<240x128xf32, #tpu.memory_space<vmem>> -> memref<80x128xf32, #tpu.memory_space<vmem>>
        tpu.enqueue_dma source(%dma_start3A_377 : memref<80x128xf32, #tpu.memory_space<vmem>>) target(%dma_start3A_374 : memref<80x128xf32, #tpu.memory_space<vmem_shared>>) target_semaphore(%run_scoped3A_367 : memref<!tpu.dma_semaphore, #tpu.memory_space<semaphore_mem>>)
        %dma_wait3A_378 = arith.constant 0 : i32
        %dma_wait3A_379 = arith.constant 0 : i32
        %dma_wait3A_380 = tpu.memref_slice %arg11[%dma_wait3A_378, %dma_wait3A_379] : memref<240x128xf32, #tpu.memory_space<vmem>> -> memref<80x128xf32, #tpu.memory_space<vmem>>
        %dma_wait3A_381 = arith.constant 0 : i32
        %dma_wait3A_382 = tpu.memref_slice %arg9[%mul3A_366, %dma_wait3A_381] : memref<10000x128xf32, #tpu.memory_space<vmem_shared>> -> memref<80x128xf32, #tpu.memory_space<vmem_shared>>
        %dma_wait3A_383 = arith.constant 0 : i32
        %dma_wait3A_384 = tpu.memref_slice %arg9[%mul3A_366, %dma_wait3A_383] : memref<10000x128xf32, #tpu.memory_space<vmem_shared>> -> memref<80x128xf32, #tpu.memory_space<vmem_shared>>
        %dma_wait3A_385 = arith.constant 0 : i32
        %dma_wait3A_386 = arith.constant 0 : i32
        %dma_wait3A_387 = tpu.memref_slice %arg11[%dma_wait3A_385, %dma_wait3A_386] : memref<240x128xf32, #tpu.memory_space<vmem>> -> memref<80x128xf32, #tpu.memory_space<vmem>>
        tpu.wait_dma2 semaphore(%run_scoped3A_367 : memref<!tpu.dma_semaphore, #tpu.memory_space<semaphore_mem>>) src(%dma_wait3A_387 : memref<80x128xf32, #tpu.memory_space<vmem>>) dst(%dma_wait3A_384 : memref<80x128xf32, #tpu.memory_space<vmem_shared>>)
        tpu.yield
      }) : () -> ()
    } else {
    }
    %add3A_42 = arith.constant 96 : i32
    %add3A_43 = arith.addi %add3A_42, %arg1 : i32
    %lt3A_44 = arith.constant 125 : i32
    %lt3A_45 = arith.cmpi slt, %add3A_43, %lt3A_44 : i32
    %convert_element_type3A_46 = arith.extui %lt3A_45 : i1 to i32
    %cond3A_47 = arith.constant 0 : i32
    %cond3A_48 = arith.cmpi ne, %convert_element_type3A_46, %cond3A_47 : i32
    scf.if %cond3A_48 {
      %mul3A_365 = arith.constant 80 : i32
      %mul3A_366 = arith.muli %add3A_43, %mul3A_365 : i32
      "tpu.region"() ({
        %run_scoped3A_367 = tpu.sem_alloc : memref<!tpu.dma_semaphore, #tpu.memory_space<semaphore_mem>>
        %dma_start3A_368 = arith.constant 0 : i32
        %dma_start3A_369 = arith.constant 0 : i32
        %dma_start3A_370 = tpu.memref_slice %arg11[%dma_start3A_368, %dma_start3A_369] : memref<240x128xf32, #tpu.memory_space<vmem>> -> memref<80x128xf32, #tpu.memory_space<vmem>>
        %dma_start3A_371 = arith.constant 0 : i32
        %dma_start3A_372 = tpu.memref_slice %arg9[%mul3A_366, %dma_start3A_371] : memref<10000x128xf32, #tpu.memory_space<vmem_shared>> -> memref<80x128xf32, #tpu.memory_space<vmem_shared>>
        %dma_start3A_373 = arith.constant 0 : i32
        %dma_start3A_374 = tpu.memref_slice %arg9[%mul3A_366, %dma_start3A_373] : memref<10000x128xf32, #tpu.memory_space<vmem_shared>> -> memref<80x128xf32, #tpu.memory_space<vmem_shared>>
        %dma_start3A_375 = arith.constant 0 : i32
        %dma_start3A_376 = arith.constant 0 : i32
        %dma_start3A_377 = tpu.memref_slice %arg11[%dma_start3A_375, %dma_start3A_376] : memref<240x128xf32, #tpu.memory_space<vmem>> -> memref<80x128xf32, #tpu.memory_space<vmem>>
        tpu.enqueue_dma source(%dma_start3A_377 : memref<80x128xf32, #tpu.memory_space<vmem>>) target(%dma_start3A_374 : memref<80x128xf32, #tpu.memory_space<vmem_shared>>) target_semaphore(%run_scoped3A_367 : memref<!tpu.dma_semaphore, #tpu.memory_space<semaphore_mem>>)
        %dma_wait3A_378 = arith.constant 0 : i32
        %dma_wait3A_379 = arith.constant 0 : i32
        %dma_wait3A_380 = tpu.memref_slice %arg11[%dma_wait3A_378, %dma_wait3A_379] : memref<240x128xf32, #tpu.memory_space<vmem>> -> memref<80x128xf32, #tpu.memory_space<vmem>>
        %dma_wait3A_381 = arith.constant 0 : i32
        %dma_wait3A_382 = tpu.memref_slice %arg9[%mul3A_366, %dma_wait3A_381] : memref<10000x128xf32, #tpu.memory_space<vmem_shared>> -> memref<80x128xf32, #tpu.memory_space<vmem_shared>>
        %dma_wait3A_383 = arith.constant 0 : i32
        %dma_wait3A_384 = tpu.memref_slice %arg9[%mul3A_366, %dma_wait3A_383] : memref<10000x128xf32, #tpu.memory_space<vmem_shared>> -> memref<80x128xf32, #tpu.memory_space<vmem_shared>>
        %dma_wait3A_385 = arith.constant 0 : i32
        %dma_wait3A_386 = arith.constant 0 : i32
        %dma_wait3A_387 = tpu.memref_slice %arg11[%dma_wait3A_385, %dma_wait3A_386] : memref<240x128xf32, #tpu.memory_space<vmem>> -> memref<80x128xf32, #tpu.memory_space<vmem>>
        tpu.wait_dma2 semaphore(%run_scoped3A_367 : memref<!tpu.dma_semaphore, #tpu.memory_space<semaphore_mem>>) src(%dma_wait3A_387 : memref<80x128xf32, #tpu.memory_space<vmem>>) dst(%dma_wait3A_384 : memref<80x128xf32, #tpu.memory_space<vmem_shared>>)
        tpu.yield
      }) : () -> ()
    } else {
    }
    %add3A_49 = arith.constant 112 : i32
    %add3A_50 = arith.addi %add3A_49, %arg1 : i32
    %lt3A_51 = arith.constant 125 : i32
    %lt3A_52 = arith.cmpi slt, %add3A_50, %lt3A_51 : i32
    %convert_element_type3A_53 = arith.extui %lt3A_52 : i1 to i32
    %cond3A_54 = arith.constant 0 : i32
    %cond3A_55 = arith.cmpi ne, %convert_element_type3A_53, %cond3A_54 : i32
    scf.if %cond3A_55 {
      %mul3A_365 = arith.constant 80 : i32
      %mul3A_366 = arith.muli %add3A_50, %mul3A_365 : i32
      "tpu.region"() ({
        %run_scoped3A_367 = tpu.sem_alloc : memref<!tpu.dma_semaphore, #tpu.memory_space<semaphore_mem>>
        %dma_start3A_368 = arith.constant 0 : i32
        %dma_start3A_369 = arith.constant 0 : i32
        %dma_start3A_370 = tpu.memref_slice %arg11[%dma_start3A_368, %dma_start3A_369] : memref<240x128xf32, #tpu.memory_space<vmem>> -> memref<80x128xf32, #tpu.memory_space<vmem>>
        %dma_start3A_371 = arith.constant 0 : i32
        %dma_start3A_372 = tpu.memref_slice %arg9[%mul3A_366, %dma_start3A_371] : memref<10000x128xf32, #tpu.memory_space<vmem_shared>> -> memref<80x128xf32, #tpu.memory_space<vmem_shared>>
        %dma_start3A_373 = arith.constant 0 : i32
        %dma_start3A_374 = tpu.memref_slice %arg9[%mul3A_366, %dma_start3A_373] : memref<10000x128xf32, #tpu.memory_space<vmem_shared>> -> memref<80x128xf32, #tpu.memory_space<vmem_shared>>
        %dma_start3A_375 = arith.constant 0 : i32
        %dma_start3A_376 = arith.constant 0 : i32
        %dma_start3A_377 = tpu.memref_slice %arg11[%dma_start3A_375, %dma_start3A_376] : memref<240x128xf32, #tpu.memory_space<vmem>> -> memref<80x128xf32, #tpu.memory_space<vmem>>
        tpu.enqueue_dma source(%dma_start3A_377 : memref<80x128xf32, #tpu.memory_space<vmem>>) target(%dma_start3A_374 : memref<80x128xf32, #tpu.memory_space<vmem_shared>>) target_semaphore(%run_scoped3A_367 : memref<!tpu.dma_semaphore, #tpu.memory_space<semaphore_mem>>)
        %dma_wait3A_378 = arith.constant 0 : i32
        %dma_wait3A_379 = arith.constant 0 : i32
        %dma_wait3A_380 = tpu.memref_slice %arg11[%dma_wait3A_378, %dma_wait3A_379] : memref<240x128xf32, #tpu.memory_space<vmem>> -> memref<80x128xf32, #tpu.memory_space<vmem>>
        %dma_wait3A_381 = arith.constant 0 : i32
        %dma_wait3A_382 = tpu.memref_slice %arg9[%mul3A_366, %dma_wait3A_381] : memref<10000x128xf32, #tpu.memory_space<vmem_shared>> -> memref<80x128xf32, #tpu.memory_space<vmem_shared>>
        %dma_wait3A_383 = arith.constant 0 : i32
        %dma_wait3A_384 = tpu.memref_slice %arg9[%mul3A_366, %dma_wait3A_383] : memref<10000x128xf32, #tpu.memory_space<vmem_shared>> -> memref<80x128xf32, #tpu.memory_space<vmem_shared>>
        %dma_wait3A_385 = arith.constant 0 : i32
        %dma_wait3A_386 = arith.constant 0 : i32
        %dma_wait3A_387 = tpu.memref_slice %arg11[%dma_wait3A_385, %dma_wait3A_386] : memref<240x128xf32, #tpu.memory_space<vmem>> -> memref<80x128xf32, #tpu.memory_space<vmem>>
        tpu.wait_dma2 semaphore(%run_scoped3A_367 : memref<!tpu.dma_semaphore, #tpu.memory_space<semaphore_mem>>) src(%dma_wait3A_387 : memref<80x128xf32, #tpu.memory_space<vmem>>) dst(%dma_wait3A_384 : memref<80x128xf32, #tpu.memory_space<vmem_shared>>)
        tpu.yield
      }) : () -> ()
    } else {
    }
    %run_scoped3A = arith.constant 1 : i32
    "tpu.region"() ({
      %run_scoped3A_365 = tpu.sem_alloc : memref<!tpu.dma_semaphore, #tpu.memory_space<semaphore_mem>>
      %dma_start3A_366 = arith.constant 0 : i32
      %dma_start3A_367 = arith.constant 0 : i32
      %dma_start3A_368 = tpu.memref_slice %arg10[%dma_start3A_366, %dma_start3A_367] : memref<128x80xi32, #tpu.memory_space<vmem>> -> memref<125x80xi32, #tpu.memory_space<vmem>>
      %dma_start3A_369 = arith.constant 0 : i32
      %dma_start3A_370 = arith.constant 0 : i32
      %dma_start3A_371 = tpu.memref_slice %arg4[%run_scoped3A, %add3A, %dma_start3A_369, %dma_start3A_370] : memref<2x32x125x80xi32, #tpu.memory_space<hbm>> -> memref<1x1x125x80xi32, #tpu.memory_space<hbm>>
      %dma_start3A_372 = tpu.memref_squeeze %dma_start3A_371 : memref<1x1x125x80xi32, #tpu.memory_space<hbm>> -> memref<125x80xi32, #tpu.memory_space<hbm>>
      %dma_start3A_373 = arith.constant 0 : i32
      %dma_start3A_374 = arith.constant 0 : i32
      %dma_start3A_375 = tpu.memref_slice %arg10[%dma_start3A_373, %dma_start3A_374] : memref<128x80xi32, #tpu.memory_space<vmem>> -> memref<125x80xi32, #tpu.memory_space<vmem>>
      %dma_start3A_376 = arith.constant 0 : i32
      %dma_start3A_377 = arith.constant 0 : i32
      %dma_start3A_378 = tpu.memref_slice %arg4[%run_scoped3A, %add3A, %dma_start3A_376, %dma_start3A_377] : memref<2x32x125x80xi32, #tpu.memory_space<hbm>> -> memref<1x1x125x80xi32, #tpu.memory_space<hbm>>
      %dma_start3A_379 = tpu.memref_squeeze %dma_start3A_378 : memref<1x1x125x80xi32, #tpu.memory_space<hbm>> -> memref<125x80xi32, #tpu.memory_space<hbm>>
      tpu.enqueue_dma source(%dma_start3A_379 : memref<125x80xi32, #tpu.memory_space<hbm>>) target(%dma_start3A_375 : memref<125x80xi32, #tpu.memory_space<vmem>>) target_semaphore(%run_scoped3A_365 : memref<!tpu.dma_semaphore, #tpu.memory_space<semaphore_mem>>)
      %dma_wait3A_380 = arith.constant 0 : i32
      %dma_wait3A_381 = arith.constant 0 : i32
      %dma_wait3A_382 = tpu.memref_slice %arg10[%dma_wait3A_380, %dma_wait3A_381] : memref<128x80xi32, #tpu.memory_space<vmem>> -> memref<125x80xi32, #tpu.memory_space<vmem>>
      %dma_wait3A_383 = arith.constant 0 : i32
      %dma_wait3A_384 = arith.constant 0 : i32
      %dma_wait3A_385 = tpu.memref_slice %arg4[%run_scoped3A, %add3A, %dma_wait3A_383, %dma_wait3A_384] : memref<2x32x125x80xi32, #tpu.memory_space<hbm>> -> memref<1x1x125x80xi32, #tpu.memory_space<hbm>>
      %dma_wait3A_386 = tpu.memref_squeeze %dma_wait3A_385 : memref<1x1x125x80xi32, #tpu.memory_space<hbm>> -> memref<125x80xi32, #tpu.memory_space<hbm>>
      %dma_wait3A_387 = arith.constant 0 : i32
      %dma_wait3A_388 = arith.constant 0 : i32
      %dma_wait3A_389 = tpu.memref_slice %arg10[%dma_wait3A_387, %dma_wait3A_388] : memref<128x80xi32, #tpu.memory_space<vmem>> -> memref<125x80xi32, #tpu.memory_space<vmem>>
      %dma_wait3A_390 = arith.constant 0 : i32
      %dma_wait3A_391 = arith.constant 0 : i32
      %dma_wait3A_392 = tpu.memref_slice %arg4[%run_scoped3A, %add3A, %dma_wait3A_390, %dma_wait3A_391] : memref<2x32x125x80xi32, #tpu.memory_space<hbm>> -> memref<1x1x125x80xi32, #tpu.memory_space<hbm>>
      %dma_wait3A_393 = tpu.memref_squeeze %dma_wait3A_392 : memref<1x1x125x80xi32, #tpu.memory_space<hbm>> -> memref<125x80xi32, #tpu.memory_space<hbm>>
      tpu.wait_dma2 semaphore(%run_scoped3A_365 : memref<!tpu.dma_semaphore, #tpu.memory_space<semaphore_mem>>) src(%dma_wait3A_393 : memref<125x80xi32, #tpu.memory_space<hbm>>) dst(%dma_wait3A_389 : memref<125x80xi32, #tpu.memory_space<vmem>>)
      tpu.yield
    }) : () -> ()
    %barrier3A = arith.constant 0 : index
    tpu.barrier barrier_id(%barrier3A)
    %dma_start3A = arith.constant 0 : i32
    %dma_start3A_56 = arith.constant 125 : i32
    %dma_start3A_57 = arith.constant 0 : i32
    %dma_start3A_58 = tpu.memref_slice %arg10[%dma_start3A_56, %dma_start3A_57] : memref<128x80xi32, #tpu.memory_space<vmem>> -> memref<1x80xi32, #tpu.memory_space<vmem>>
    %dma_start3A_59 = arith.constant 0 : i32
    %dma_start3A_60 = arith.constant 0 : i32
    %dma_start3A_61 = tpu.memref_slice %arg4[%dma_start3A, %add3A, %dma_start3A_59, %dma_start3A_60] : memref<2x32x125x80xi32, #tpu.memory_space<hbm>> -> memref<1x1x1x80xi32, #tpu.memory_space<hbm>>
    %dma_start3A_62 = tpu.memref_squeeze %dma_start3A_61 : memref<1x1x1x80xi32, #tpu.memory_space<hbm>> -> memref<1x80xi32, #tpu.memory_space<hbm>>
    %dma_start3A_63 = arith.constant 125 : i32
    %dma_start3A_64 = arith.constant 0 : i32
    %dma_start3A_65 = tpu.memref_slice %arg10[%dma_start3A_63, %dma_start3A_64] : memref<128x80xi32, #tpu.memory_space<vmem>> -> memref<1x80xi32, #tpu.memory_space<vmem>>
    %dma_start3A_66 = arith.constant 0 : i32
    %dma_start3A_67 = arith.constant 0 : i32
    %dma_start3A_68 = tpu.memref_slice %arg4[%dma_start3A, %add3A, %dma_start3A_66, %dma_start3A_67] : memref<2x32x125x80xi32, #tpu.memory_space<hbm>> -> memref<1x1x1x80xi32, #tpu.memory_space<hbm>>
    %dma_start3A_69 = tpu.memref_squeeze %dma_start3A_68 : memref<1x1x1x80xi32, #tpu.memory_space<hbm>> -> memref<1x80xi32, #tpu.memory_space<hbm>>
    tpu.enqueue_dma source(%dma_start3A_69 : memref<1x80xi32, #tpu.memory_space<hbm>>) target(%dma_start3A_65 : memref<1x80xi32, #tpu.memory_space<vmem>>) target_semaphore(%arg15 : memref<!tpu.dma_semaphore, #tpu.memory_space<semaphore_mem>>)
    %dma_start3A_70 = arith.constant 0 : i32
    %dma_start3A_71 = arith.constant 126 : i32
    %dma_start3A_72 = arith.constant 0 : i32
    %dma_start3A_73 = tpu.memref_slice %arg10[%dma_start3A_71, %dma_start3A_72] : memref<128x80xi32, #tpu.memory_space<vmem>> -> memref<1x80xi32, #tpu.memory_space<vmem>>
    %dma_start3A_74 = arith.constant 1 : i32
    %dma_start3A_75 = arith.constant 0 : i32
    %dma_start3A_76 = tpu.memref_slice %arg4[%dma_start3A_70, %add3A, %dma_start3A_74, %dma_start3A_75] : memref<2x32x125x80xi32, #tpu.memory_space<hbm>> -> memref<1x1x1x80xi32, #tpu.memory_space<hbm>>
    %dma_start3A_77 = tpu.memref_squeeze %dma_start3A_76 : memref<1x1x1x80xi32, #tpu.memory_space<hbm>> -> memref<1x80xi32, #tpu.memory_space<hbm>>
    %dma_start3A_78 = arith.constant 126 : i32
    %dma_start3A_79 = arith.constant 0 : i32
    %dma_start3A_80 = tpu.memref_slice %arg10[%dma_start3A_78, %dma_start3A_79] : memref<128x80xi32, #tpu.memory_space<vmem>> -> memref<1x80xi32, #tpu.memory_space<vmem>>
    %dma_start3A_81 = arith.constant 1 : i32
    %dma_start3A_82 = arith.constant 0 : i32
    %dma_start3A_83 = tpu.memref_slice %arg4[%dma_start3A_70, %add3A, %dma_start3A_81, %dma_start3A_82] : memref<2x32x125x80xi32, #tpu.memory_space<hbm>> -> memref<1x1x1x80xi32, #tpu.memory_space<hbm>>
    %dma_start3A_84 = tpu.memref_squeeze %dma_start3A_83 : memref<1x1x1x80xi32, #tpu.memory_space<hbm>> -> memref<1x80xi32, #tpu.memory_space<hbm>>
    tpu.enqueue_dma source(%dma_start3A_84 : memref<1x80xi32, #tpu.memory_space<hbm>>) target(%dma_start3A_80 : memref<1x80xi32, #tpu.memory_space<vmem>>) target_semaphore(%arg16 : memref<!tpu.dma_semaphore, #tpu.memory_space<semaphore_mem>>)
    %dma_start3A_85 = arith.constant 0 : i32
    %dma_start3A_86 = arith.constant 127 : i32
    %dma_start3A_87 = arith.constant 0 : i32
    %dma_start3A_88 = tpu.memref_slice %arg10[%dma_start3A_86, %dma_start3A_87] : memref<128x80xi32, #tpu.memory_space<vmem>> -> memref<1x80xi32, #tpu.memory_space<vmem>>
    %dma_start3A_89 = arith.constant 2 : i32
    %dma_start3A_90 = arith.constant 0 : i32
    %dma_start3A_91 = tpu.memref_slice %arg4[%dma_start3A_85, %add3A, %dma_start3A_89, %dma_start3A_90] : memref<2x32x125x80xi32, #tpu.memory_space<hbm>> -> memref<1x1x1x80xi32, #tpu.memory_space<hbm>>
    %dma_start3A_92 = tpu.memref_squeeze %dma_start3A_91 : memref<1x1x1x80xi32, #tpu.memory_space<hbm>> -> memref<1x80xi32, #tpu.memory_space<hbm>>
    %dma_start3A_93 = arith.constant 127 : i32
    %dma_start3A_94 = arith.constant 0 : i32
    %dma_start3A_95 = tpu.memref_slice %arg10[%dma_start3A_93, %dma_start3A_94] : memref<128x80xi32, #tpu.memory_space<vmem>> -> memref<1x80xi32, #tpu.memory_space<vmem>>
    %dma_start3A_96 = arith.constant 2 : i32
    %dma_start3A_97 = arith.constant 0 : i32
    %dma_start3A_98 = tpu.memref_slice %arg4[%dma_start3A_85, %add3A, %dma_start3A_96, %dma_start3A_97] : memref<2x32x125x80xi32, #tpu.memory_space<hbm>> -> memref<1x1x1x80xi32, #tpu.memory_space<hbm>>
    %dma_start3A_99 = tpu.memref_squeeze %dma_start3A_98 : memref<1x1x1x80xi32, #tpu.memory_space<hbm>> -> memref<1x80xi32, #tpu.memory_space<hbm>>
    tpu.enqueue_dma source(%dma_start3A_99 : memref<1x80xi32, #tpu.memory_space<hbm>>) target(%dma_start3A_95 : memref<1x80xi32, #tpu.memory_space<vmem>>) target_semaphore(%arg17 : memref<!tpu.dma_semaphore, #tpu.memory_space<semaphore_mem>>)
    %dma_wait3A = arith.constant 0 : i32
    %dma_wait3A_100 = arith.constant 0 : i32
    %dma_wait3A_101 = arith.constant 125 : i32
    %dma_wait3A_102 = arith.constant 0 : i32
    %dma_wait3A_103 = tpu.memref_slice %arg10[%dma_wait3A_101, %dma_wait3A_102] : memref<128x80xi32, #tpu.memory_space<vmem>> -> memref<1x80xi32, #tpu.memory_space<vmem>>
    %dma_wait3A_104 = arith.constant 0 : i32
    %dma_wait3A_105 = arith.constant 0 : i32
    %dma_wait3A_106 = tpu.memref_slice %arg4[%dma_wait3A, %dma_wait3A_100, %dma_wait3A_104, %dma_wait3A_105] : memref<2x32x125x80xi32, #tpu.memory_space<hbm>> -> memref<1x1x1x80xi32, #tpu.memory_space<hbm>>
    %dma_wait3A_107 = tpu.memref_squeeze %dma_wait3A_106 : memref<1x1x1x80xi32, #tpu.memory_space<hbm>> -> memref<1x80xi32, #tpu.memory_space<hbm>>
    %dma_wait3A_108 = arith.constant 125 : i32
    %dma_wait3A_109 = arith.constant 0 : i32
    %dma_wait3A_110 = tpu.memref_slice %arg10[%dma_wait3A_108, %dma_wait3A_109] : memref<128x80xi32, #tpu.memory_space<vmem>> -> memref<1x80xi32, #tpu.memory_space<vmem>>
    %dma_wait3A_111 = arith.constant 0 : i32
    %dma_wait3A_112 = arith.constant 0 : i32
    %dma_wait3A_113 = tpu.memref_slice %arg4[%dma_wait3A, %dma_wait3A_100, %dma_wait3A_111, %dma_wait3A_112] : memref<2x32x125x80xi32, #tpu.memory_space<hbm>> -> memref<1x1x1x80xi32, #tpu.memory_space<hbm>>
    %dma_wait3A_114 = tpu.memref_squeeze %dma_wait3A_113 : memref<1x1x1x80xi32, #tpu.memory_space<hbm>> -> memref<1x80xi32, #tpu.memory_space<hbm>>
    tpu.wait_dma2 semaphore(%arg15 : memref<!tpu.dma_semaphore, #tpu.memory_space<semaphore_mem>>) src(%dma_wait3A_114 : memref<1x80xi32, #tpu.memory_space<hbm>>) dst(%dma_wait3A_110 : memref<1x80xi32, #tpu.memory_space<vmem>>)
    %dma_start3A_115 = arith.constant 125 : i32
    %dma_start3A_116 = arith.constant 0 : i32
    %dma_start3A_117 = arith.constant 0 : i32
    %dma_start3A_118 = tpu.memref_slice %arg11[%dma_start3A_116, %dma_start3A_117] : memref<240x128xf32, #tpu.memory_space<vmem>> -> memref<80x128xf32, #tpu.memory_space<vmem>>
    %dma_start3A_119 = arith.constant 0 : i32
    %dma_start3A_120 = tpu.memref_slice %arg10[%dma_start3A_115, %dma_start3A_119] : memref<128x80xi32, #tpu.memory_space<vmem>> -> memref<1x80xi32, #tpu.memory_space<vmem>>
    %dma_start3A_121 = tpu.memref_squeeze %dma_start3A_120 : memref<1x80xi32, #tpu.memory_space<vmem>> -> memref<80xi32, #tpu.memory_space<vmem>>
    %dma_start3A_122 = arith.constant 0 : i32
    %dma_start3A_123 = arith.constant 0 : i32
    %dma_start3A_124 = tpu.memref_slice %arg2[%dma_start3A_122, %dma_start3A_123] : memref<10000x128xf32, #tpu.memory_space<hbm>> -> memref<10000x128xf32, #tpu.memory_space<hbm>>
    tpu.enqueue_indirect_dma source(%dma_start3A_124 : memref<10000x128xf32, #tpu.memory_space<hbm>>) target(%dma_start3A_118 : memref<80x128xf32, #tpu.memory_space<vmem>>) offsets(%dma_start3A_121 : memref<80xi32, #tpu.memory_space<vmem>>) semaphore(%arg12 : memref<!tpu.dma_semaphore, #tpu.memory_space<semaphore_mem>>)
    %dma_wait3A_125 = arith.constant 0 : i32
    %dma_wait3A_126 = arith.constant 0 : i32
    %dma_wait3A_127 = arith.constant 126 : i32
    %dma_wait3A_128 = arith.constant 0 : i32
    %dma_wait3A_129 = tpu.memref_slice %arg10[%dma_wait3A_127, %dma_wait3A_128] : memref<128x80xi32, #tpu.memory_space<vmem>> -> memref<1x80xi32, #tpu.memory_space<vmem>>
    %dma_wait3A_130 = arith.constant 0 : i32
    %dma_wait3A_131 = arith.constant 0 : i32
    %dma_wait3A_132 = tpu.memref_slice %arg4[%dma_wait3A_125, %dma_wait3A_126, %dma_wait3A_130, %dma_wait3A_131] : memref<2x32x125x80xi32, #tpu.memory_space<hbm>> -> memref<1x1x1x80xi32, #tpu.memory_space<hbm>>
    %dma_wait3A_133 = tpu.memref_squeeze %dma_wait3A_132 : memref<1x1x1x80xi32, #tpu.memory_space<hbm>> -> memref<1x80xi32, #tpu.memory_space<hbm>>
    %dma_wait3A_134 = arith.constant 126 : i32
    %dma_wait3A_135 = arith.constant 0 : i32
    %dma_wait3A_136 = tpu.memref_slice %arg10[%dma_wait3A_134, %dma_wait3A_135] : memref<128x80xi32, #tpu.memory_space<vmem>> -> memref<1x80xi32, #tpu.memory_space<vmem>>
    %dma_wait3A_137 = arith.constant 0 : i32
    %dma_wait3A_138 = arith.constant 0 : i32
    %dma_wait3A_139 = tpu.memref_slice %arg4[%dma_wait3A_125, %dma_wait3A_126, %dma_wait3A_137, %dma_wait3A_138] : memref<2x32x125x80xi32, #tpu.memory_space<hbm>> -> memref<1x1x1x80xi32, #tpu.memory_space<hbm>>
    %dma_wait3A_140 = tpu.memref_squeeze %dma_wait3A_139 : memref<1x1x1x80xi32, #tpu.memory_space<hbm>> -> memref<1x80xi32, #tpu.memory_space<hbm>>
    tpu.wait_dma2 semaphore(%arg16 : memref<!tpu.dma_semaphore, #tpu.memory_space<semaphore_mem>>) src(%dma_wait3A_140 : memref<1x80xi32, #tpu.memory_space<hbm>>) dst(%dma_wait3A_136 : memref<1x80xi32, #tpu.memory_space<vmem>>)
    %dma_start3A_141 = arith.constant 126 : i32
    %dma_start3A_142 = arith.constant 80 : i32
    %dma_start3A_143 = arith.constant 0 : i32
    %dma_start3A_144 = tpu.memref_slice %arg11[%dma_start3A_142, %dma_start3A_143] : memref<240x128xf32, #tpu.memory_space<vmem>> -> memref<80x128xf32, #tpu.memory_space<vmem>>
    %dma_start3A_145 = arith.constant 0 : i32
    %dma_start3A_146 = tpu.memref_slice %arg10[%dma_start3A_141, %dma_start3A_145] : memref<128x80xi32, #tpu.memory_space<vmem>> -> memref<1x80xi32, #tpu.memory_space<vmem>>
    %dma_start3A_147 = tpu.memref_squeeze %dma_start3A_146 : memref<1x80xi32, #tpu.memory_space<vmem>> -> memref<80xi32, #tpu.memory_space<vmem>>
    %dma_start3A_148 = arith.constant 0 : i32
    %dma_start3A_149 = arith.constant 0 : i32
    %dma_start3A_150 = tpu.memref_slice %arg2[%dma_start3A_148, %dma_start3A_149] : memref<10000x128xf32, #tpu.memory_space<hbm>> -> memref<10000x128xf32, #tpu.memory_space<hbm>>
    tpu.enqueue_indirect_dma source(%dma_start3A_150 : memref<10000x128xf32, #tpu.memory_space<hbm>>) target(%dma_start3A_144 : memref<80x128xf32, #tpu.memory_space<vmem>>) offsets(%dma_start3A_147 : memref<80xi32, #tpu.memory_space<vmem>>) semaphore(%arg13 : memref<!tpu.dma_semaphore, #tpu.memory_space<semaphore_mem>>)
    %scan3A = arith.constant 0 : i32
    %scan3A_151 = arith.constant 0 : i32
    %scan3A_152 = arith.constant 41 : i32
    %scan3A_153 = arith.addi %scan3A_151, %scan3A_152 : i32
    %scan3A_154 = arith.constant 1 : i32
    scf.for %scan3A_365 = %scan3A_151 to %scan3A_153 step %scan3A_154  : i32 {
      %mul3A_366 = arith.constant 3 : i32
      %mul3A_367 = arith.muli %mul3A_366, %scan3A_365 : i32
      %dma_wait3A_368 = arith.constant 0 : i32
      %dma_wait3A_369 = arith.constant 0 : i32
      %dma_wait3A_370 = tpu.memref_slice %arg11[%dma_wait3A_368, %dma_wait3A_369] : memref<240x128xf32, #tpu.memory_space<vmem>> -> memref<80x128xf32, #tpu.memory_space<vmem>>
      %dma_wait3A_371 = arith.constant 0 : i32
      %dma_wait3A_372 = arith.constant 0 : i32
      %dma_wait3A_373 = tpu.memref_slice %arg3[%dma_wait3A_371, %dma_wait3A_372] : memref<320000x128xf32, #tpu.memory_space<hbm>> -> memref<80x128xf32, #tpu.memory_space<hbm>>
      %dma_wait3A_374 = arith.constant 0 : i32
      %dma_wait3A_375 = arith.constant 0 : i32
      %dma_wait3A_376 = tpu.memref_slice %arg11[%dma_wait3A_374, %dma_wait3A_375] : memref<240x128xf32, #tpu.memory_space<vmem>> -> memref<80x128xf32, #tpu.memory_space<vmem>>
      %dma_wait3A_377 = arith.constant 0 : i32
      %dma_wait3A_378 = arith.constant 0 : i32
      %dma_wait3A_379 = tpu.memref_slice %arg3[%dma_wait3A_377, %dma_wait3A_378] : memref<320000x128xf32, #tpu.memory_space<hbm>> -> memref<80x128xf32, #tpu.memory_space<hbm>>
      tpu.wait_dma2 semaphore(%arg12 : memref<!tpu.dma_semaphore, #tpu.memory_space<semaphore_mem>>) src(%dma_wait3A_379 : memref<80x128xf32, #tpu.memory_space<hbm>>) dst(%dma_wait3A_376 : memref<80x128xf32, #tpu.memory_space<vmem>>)
      %add3A_380 = arith.constant 3 : i32
      %add3A_381 = arith.addi %mul3A_367, %add3A_380 : i32
      %lt3A_382 = arith.constant 125 : i32
      %lt3A_383 = arith.cmpi slt, %add3A_381, %lt3A_382 : i32
      %convert_element_type3A_384 = arith.extui %lt3A_383 : i1 to i32
      %cond3A_385 = arith.constant 0 : i32
      %cond3A_386 = arith.cmpi ne, %convert_element_type3A_384, %cond3A_385 : i32
      scf.if %cond3A_386 {
        %add3A_459 = arith.constant 3 : i32
        %add3A_460 = arith.addi %mul3A_367, %add3A_459 : i32
        %dma_start3A_461 = arith.constant 0 : i32
        %dma_start3A_462 = arith.constant 125 : i32
        %dma_start3A_463 = arith.constant 0 : i32
        %dma_start3A_464 = tpu.memref_slice %arg10[%dma_start3A_462, %dma_start3A_463] : memref<128x80xi32, #tpu.memory_space<vmem>> -> memref<1x80xi32, #tpu.memory_space<vmem>>
        %dma_start3A_465 = arith.constant 0 : i32
        %dma_start3A_466 = tpu.memref_slice %arg4[%dma_start3A_461, %add3A, %add3A_460, %dma_start3A_465] : memref<2x32x125x80xi32, #tpu.memory_space<hbm>> -> memref<1x1x1x80xi32, #tpu.memory_space<hbm>>
        %dma_start3A_467 = tpu.memref_squeeze %dma_start3A_466 : memref<1x1x1x80xi32, #tpu.memory_space<hbm>> -> memref<1x80xi32, #tpu.memory_space<hbm>>
        %dma_start3A_468 = arith.constant 125 : i32
        %dma_start3A_469 = arith.constant 0 : i32
        %dma_start3A_470 = tpu.memref_slice %arg10[%dma_start3A_468, %dma_start3A_469] : memref<128x80xi32, #tpu.memory_space<vmem>> -> memref<1x80xi32, #tpu.memory_space<vmem>>
        %dma_start3A_471 = arith.constant 0 : i32
        %dma_start3A_472 = tpu.memref_slice %arg4[%dma_start3A_461, %add3A, %add3A_460, %dma_start3A_471] : memref<2x32x125x80xi32, #tpu.memory_space<hbm>> -> memref<1x1x1x80xi32, #tpu.memory_space<hbm>>
        %dma_start3A_473 = tpu.memref_squeeze %dma_start3A_472 : memref<1x1x1x80xi32, #tpu.memory_space<hbm>> -> memref<1x80xi32, #tpu.memory_space<hbm>>
        tpu.enqueue_dma source(%dma_start3A_473 : memref<1x80xi32, #tpu.memory_space<hbm>>) target(%dma_start3A_470 : memref<1x80xi32, #tpu.memory_space<vmem>>) target_semaphore(%arg15 : memref<!tpu.dma_semaphore, #tpu.memory_space<semaphore_mem>>)
      } else {
      }
      %add3A_387 = arith.constant 2 : i32
      %add3A_388 = arith.addi %mul3A_367, %add3A_387 : i32
      %lt3A_389 = arith.constant 125 : i32
      %lt3A_390 = arith.cmpi slt, %add3A_388, %lt3A_389 : i32
      %convert_element_type3A_391 = arith.extui %lt3A_390 : i1 to i32
      %cond3A_392 = arith.constant 0 : i32
      %cond3A_393 = arith.cmpi ne, %convert_element_type3A_391, %cond3A_392 : i32
      scf.if %cond3A_393 {
        %dma_wait3A_459 = arith.constant 0 : i32
        %dma_wait3A_460 = arith.constant 0 : i32
        %dma_wait3A_461 = arith.constant 127 : i32
        %dma_wait3A_462 = arith.constant 0 : i32
        %dma_wait3A_463 = tpu.memref_slice %arg10[%dma_wait3A_461, %dma_wait3A_462] : memref<128x80xi32, #tpu.memory_space<vmem>> -> memref<1x80xi32, #tpu.memory_space<vmem>>
        %dma_wait3A_464 = arith.constant 0 : i32
        %dma_wait3A_465 = arith.constant 0 : i32
        %dma_wait3A_466 = tpu.memref_slice %arg4[%dma_wait3A_459, %dma_wait3A_460, %dma_wait3A_464, %dma_wait3A_465] : memref<2x32x125x80xi32, #tpu.memory_space<hbm>> -> memref<1x1x1x80xi32, #tpu.memory_space<hbm>>
        %dma_wait3A_467 = tpu.memref_squeeze %dma_wait3A_466 : memref<1x1x1x80xi32, #tpu.memory_space<hbm>> -> memref<1x80xi32, #tpu.memory_space<hbm>>
        %dma_wait3A_468 = arith.constant 127 : i32
        %dma_wait3A_469 = arith.constant 0 : i32
        %dma_wait3A_470 = tpu.memref_slice %arg10[%dma_wait3A_468, %dma_wait3A_469] : memref<128x80xi32, #tpu.memory_space<vmem>> -> memref<1x80xi32, #tpu.memory_space<vmem>>
        %dma_wait3A_471 = arith.constant 0 : i32
        %dma_wait3A_472 = arith.constant 0 : i32
        %dma_wait3A_473 = tpu.memref_slice %arg4[%dma_wait3A_459, %dma_wait3A_460, %dma_wait3A_471, %dma_wait3A_472] : memref<2x32x125x80xi32, #tpu.memory_space<hbm>> -> memref<1x1x1x80xi32, #tpu.memory_space<hbm>>
        %dma_wait3A_474 = tpu.memref_squeeze %dma_wait3A_473 : memref<1x1x1x80xi32, #tpu.memory_space<hbm>> -> memref<1x80xi32, #tpu.memory_space<hbm>>
        tpu.wait_dma2 semaphore(%arg17 : memref<!tpu.dma_semaphore, #tpu.memory_space<semaphore_mem>>) src(%dma_wait3A_474 : memref<1x80xi32, #tpu.memory_space<hbm>>) dst(%dma_wait3A_470 : memref<1x80xi32, #tpu.memory_space<vmem>>)
        %dma_start3A_475 = arith.constant 127 : i32
        %dma_start3A_476 = arith.constant 160 : i32
        %dma_start3A_477 = arith.constant 0 : i32
        %dma_start3A_478 = tpu.memref_slice %arg11[%dma_start3A_476, %dma_start3A_477] : memref<240x128xf32, #tpu.memory_space<vmem>> -> memref<80x128xf32, #tpu.memory_space<vmem>>
        %dma_start3A_479 = arith.constant 0 : i32
        %dma_start3A_480 = tpu.memref_slice %arg10[%dma_start3A_475, %dma_start3A_479] : memref<128x80xi32, #tpu.memory_space<vmem>> -> memref<1x80xi32, #tpu.memory_space<vmem>>
        %dma_start3A_481 = tpu.memref_squeeze %dma_start3A_480 : memref<1x80xi32, #tpu.memory_space<vmem>> -> memref<80xi32, #tpu.memory_space<vmem>>
        %dma_start3A_482 = arith.constant 0 : i32
        %dma_start3A_483 = arith.constant 0 : i32
        %dma_start3A_484 = tpu.memref_slice %arg2[%dma_start3A_482, %dma_start3A_483] : memref<10000x128xf32, #tpu.memory_space<hbm>> -> memref<10000x128xf32, #tpu.memory_space<hbm>>
        tpu.enqueue_indirect_dma source(%dma_start3A_484 : memref<10000x128xf32, #tpu.memory_space<hbm>>) target(%dma_start3A_478 : memref<80x128xf32, #tpu.memory_space<vmem>>) offsets(%dma_start3A_481 : memref<80xi32, #tpu.memory_space<vmem>>) semaphore(%arg14 : memref<!tpu.dma_semaphore, #tpu.memory_space<semaphore_mem>>)
      } else {
      }
      "tpu.region"() ({
        %run_scoped3A_459 = tpu.sem_alloc : memref<!tpu.dma_semaphore, #tpu.memory_space<semaphore_mem>>
        %dma_start3A_460 = arith.constant 0 : i32
        %dma_start3A_461 = arith.constant 0 : i32
        %dma_start3A_462 = tpu.memref_slice %arg11[%dma_start3A_460, %dma_start3A_461] : memref<240x128xf32, #tpu.memory_space<vmem>> -> memref<80x128xf32, #tpu.memory_space<vmem>>
        %dma_start3A_463 = arith.constant 0 : i32
        %dma_start3A_464 = tpu.memref_slice %arg10[%mul3A_367, %dma_start3A_463] : memref<128x80xi32, #tpu.memory_space<vmem>> -> memref<1x80xi32, #tpu.memory_space<vmem>>
        %dma_start3A_465 = tpu.memref_squeeze %dma_start3A_464 : memref<1x80xi32, #tpu.memory_space<vmem>> -> memref<80xi32, #tpu.memory_space<vmem>>
        %dma_start3A_466 = arith.constant 0 : i32
        %dma_start3A_467 = arith.constant 0 : i32
        %dma_start3A_468 = tpu.memref_slice %arg9[%dma_start3A_466, %dma_start3A_467] : memref<10000x128xf32, #tpu.memory_space<vmem_shared>> -> memref<10000x128xf32, #tpu.memory_space<vmem_shared>>
        tpu.enqueue_indirect_dma source(%dma_start3A_462 : memref<80x128xf32, #tpu.memory_space<vmem>>) target(%dma_start3A_468 : memref<10000x128xf32, #tpu.memory_space<vmem_shared>>) offsets(%dma_start3A_465 : memref<80xi32, #tpu.memory_space<vmem>>) semaphore(%run_scoped3A_459 : memref<!tpu.dma_semaphore, #tpu.memory_space<semaphore_mem>>) {add = true}
        %dma_wait3A_469 = arith.constant 0 : i32
        %dma_wait3A_470 = arith.constant 0 : i32
        %dma_wait3A_471 = tpu.memref_slice %arg11[%dma_wait3A_469, %dma_wait3A_470] : memref<240x128xf32, #tpu.memory_space<vmem>> -> memref<80x128xf32, #tpu.memory_space<vmem>>
        %dma_wait3A_472 = arith.constant 0 : i32
        %dma_wait3A_473 = tpu.memref_slice %arg10[%mul3A_367, %dma_wait3A_472] : memref<128x80xi32, #tpu.memory_space<vmem>> -> memref<1x80xi32, #tpu.memory_space<vmem>>
        %dma_wait3A_474 = tpu.memref_squeeze %dma_wait3A_473 : memref<1x80xi32, #tpu.memory_space<vmem>> -> memref<80xi32, #tpu.memory_space<vmem>>
        %dma_wait3A_475 = arith.constant 0 : i32
        %dma_wait3A_476 = arith.constant 0 : i32
        %dma_wait3A_477 = tpu.memref_slice %arg9[%dma_wait3A_475, %dma_wait3A_476] : memref<10000x128xf32, #tpu.memory_space<vmem_shared>> -> memref<10000x128xf32, #tpu.memory_space<vmem_shared>>
        tpu.wait_indirect_dma semaphore(%run_scoped3A_459 : memref<!tpu.dma_semaphore, #tpu.memory_space<semaphore_mem>>) src(%dma_wait3A_471 : memref<80x128xf32, #tpu.memory_space<vmem>>) dst(%dma_wait3A_477 : memref<10000x128xf32, #tpu.memory_space<vmem_shared>>)
        tpu.yield
      }) : () -> ()
      %mul3A_394 = arith.constant 80 : i32
      %mul3A_395 = arith.muli %mul3A_367, %mul3A_394 : i32
      %add3A_396 = arith.addi %mul3A_2, %mul3A_395 : i32
      "tpu.region"() ({
        %run_scoped3A_459 = tpu.sem_alloc : memref<!tpu.dma_semaphore, #tpu.memory_space<semaphore_mem>>
        %dma_start3A_460 = arith.constant 0 : i32
        %dma_start3A_461 = arith.constant 0 : i32
        %dma_start3A_462 = tpu.memref_slice %arg11[%dma_start3A_460, %dma_start3A_461] : memref<240x128xf32, #tpu.memory_space<vmem>> -> memref<80x128xf32, #tpu.memory_space<vmem>>
        %dma_start3A_463 = arith.constant 0 : i32
        %dma_start3A_464 = tpu.memref_slice %arg3[%add3A_396, %dma_start3A_463] : memref<320000x128xf32, #tpu.memory_space<hbm>> -> memref<80x128xf32, #tpu.memory_space<hbm>>
        %dma_start3A_465 = arith.constant 0 : i32
        %dma_start3A_466 = arith.constant 0 : i32
        %dma_start3A_467 = tpu.memref_slice %arg11[%dma_start3A_465, %dma_start3A_466] : memref<240x128xf32, #tpu.memory_space<vmem>> -> memref<80x128xf32, #tpu.memory_space<vmem>>
        %dma_start3A_468 = arith.constant 0 : i32
        %dma_start3A_469 = tpu.memref_slice %arg3[%add3A_396, %dma_start3A_468] : memref<320000x128xf32, #tpu.memory_space<hbm>> -> memref<80x128xf32, #tpu.memory_space<hbm>>
        tpu.enqueue_dma source(%dma_start3A_469 : memref<80x128xf32, #tpu.memory_space<hbm>>) target(%dma_start3A_467 : memref<80x128xf32, #tpu.memory_space<vmem>>) target_semaphore(%run_scoped3A_459 : memref<!tpu.dma_semaphore, #tpu.memory_space<semaphore_mem>>)
        %dma_wait3A_470 = arith.constant 0 : i32
        %dma_wait3A_471 = arith.constant 0 : i32
        %dma_wait3A_472 = tpu.memref_slice %arg11[%dma_wait3A_470, %dma_wait3A_471] : memref<240x128xf32, #tpu.memory_space<vmem>> -> memref<80x128xf32, #tpu.memory_space<vmem>>
        %dma_wait3A_473 = arith.constant 0 : i32
        %dma_wait3A_474 = tpu.memref_slice %arg3[%add3A_396, %dma_wait3A_473] : memref<320000x128xf32, #tpu.memory_space<hbm>> -> memref<80x128xf32, #tpu.memory_space<hbm>>
        %dma_wait3A_475 = arith.constant 0 : i32
        %dma_wait3A_476 = arith.constant 0 : i32
        %dma_wait3A_477 = tpu.memref_slice %arg11[%dma_wait3A_475, %dma_wait3A_476] : memref<240x128xf32, #tpu.memory_space<vmem>> -> memref<80x128xf32, #tpu.memory_space<vmem>>
        %dma_wait3A_478 = arith.constant 0 : i32
        %dma_wait3A_479 = tpu.memref_slice %arg3[%add3A_396, %dma_wait3A_478] : memref<320000x128xf32, #tpu.memory_space<hbm>> -> memref<80x128xf32, #tpu.memory_space<hbm>>
        tpu.wait_dma2 semaphore(%run_scoped3A_459 : memref<!tpu.dma_semaphore, #tpu.memory_space<semaphore_mem>>) src(%dma_wait3A_479 : memref<80x128xf32, #tpu.memory_space<hbm>>) dst(%dma_wait3A_477 : memref<80x128xf32, #tpu.memory_space<vmem>>)
        tpu.yield
      }) : () -> ()
      "tpu.region"() ({
        %run_scoped3A_459 = tpu.sem_alloc : memref<!tpu.dma_semaphore, #tpu.memory_space<semaphore_mem>>
        %dma_start3A_460 = arith.constant 0 : i32
        %dma_start3A_461 = arith.constant 0 : i32
        %dma_start3A_462 = tpu.memref_slice %arg11[%dma_start3A_460, %dma_start3A_461] : memref<240x128xf32, #tpu.memory_space<vmem>> -> memref<80x128xf32, #tpu.memory_space<vmem>>
        %dma_start3A_463 = arith.constant 0 : i32
        %dma_start3A_464 = tpu.memref_slice %arg10[%mul3A_367, %dma_start3A_463] : memref<128x80xi32, #tpu.memory_space<vmem>> -> memref<1x80xi32, #tpu.memory_space<vmem>>
        %dma_start3A_465 = tpu.memref_squeeze %dma_start3A_464 : memref<1x80xi32, #tpu.memory_space<vmem>> -> memref<80xi32, #tpu.memory_space<vmem>>
        %dma_start3A_466 = arith.constant 0 : i32
        %dma_start3A_467 = arith.constant 0 : i32
        %dma_start3A_468 = tpu.memref_slice %arg9[%dma_start3A_466, %dma_start3A_467] : memref<10000x128xf32, #tpu.memory_space<vmem_shared>> -> memref<10000x128xf32, #tpu.memory_space<vmem_shared>>
        tpu.enqueue_indirect_dma source(%dma_start3A_462 : memref<80x128xf32, #tpu.memory_space<vmem>>) target(%dma_start3A_468 : memref<10000x128xf32, #tpu.memory_space<vmem_shared>>) offsets(%dma_start3A_465 : memref<80xi32, #tpu.memory_space<vmem>>) semaphore(%run_scoped3A_459 : memref<!tpu.dma_semaphore, #tpu.memory_space<semaphore_mem>>) {add = true}
        %dma_wait3A_469 = arith.constant 0 : i32
        %dma_wait3A_470 = arith.constant 0 : i32
        %dma_wait3A_471 = tpu.memref_slice %arg11[%dma_wait3A_469, %dma_wait3A_470] : memref<240x128xf32, #tpu.memory_space<vmem>> -> memref<80x128xf32, #tpu.memory_space<vmem>>
        %dma_wait3A_472 = arith.constant 0 : i32
        %dma_wait3A_473 = tpu.memref_slice %arg10[%mul3A_367, %dma_wait3A_472] : memref<128x80xi32, #tpu.memory_space<vmem>> -> memref<1x80xi32, #tpu.memory_space<vmem>>
        %dma_wait3A_474 = tpu.memref_squeeze %dma_wait3A_473 : memref<1x80xi32, #tpu.memory_space<vmem>> -> memref<80xi32, #tpu.memory_space<vmem>>
        %dma_wait3A_475 = arith.constant 0 : i32
        %dma_wait3A_476 = arith.constant 0 : i32
        %dma_wait3A_477 = tpu.memref_slice %arg9[%dma_wait3A_475, %dma_wait3A_476] : memref<10000x128xf32, #tpu.memory_space<vmem_shared>> -> memref<10000x128xf32, #tpu.memory_space<vmem_shared>>
        tpu.wait_indirect_dma semaphore(%run_scoped3A_459 : memref<!tpu.dma_semaphore, #tpu.memory_space<semaphore_mem>>) src(%dma_wait3A_471 : memref<80x128xf32, #tpu.memory_space<vmem>>) dst(%dma_wait3A_477 : memref<10000x128xf32, #tpu.memory_space<vmem_shared>>)
        tpu.yield
      }) : () -> ()
      %add3A_397 = arith.constant 1 : i32
      %add3A_398 = arith.addi %mul3A_367, %add3A_397 : i32
      %dma_wait3A_399 = arith.constant 80 : i32
      %dma_wait3A_400 = arith.constant 0 : i32
      %dma_wait3A_401 = tpu.memref_slice %arg11[%dma_wait3A_399, %dma_wait3A_400] : memref<240x128xf32, #tpu.memory_space<vmem>> -> memref<80x128xf32, #tpu.memory_space<vmem>>
      %dma_wait3A_402 = arith.constant 0 : i32
      %dma_wait3A_403 = arith.constant 0 : i32
      %dma_wait3A_404 = tpu.memref_slice %arg3[%dma_wait3A_402, %dma_wait3A_403] : memref<320000x128xf32, #tpu.memory_space<hbm>> -> memref<80x128xf32, #tpu.memory_space<hbm>>
      %dma_wait3A_405 = arith.constant 80 : i32
      %dma_wait3A_406 = arith.constant 0 : i32
      %dma_wait3A_407 = tpu.memref_slice %arg11[%dma_wait3A_405, %dma_wait3A_406] : memref<240x128xf32, #tpu.memory_space<vmem>> -> memref<80x128xf32, #tpu.memory_space<vmem>>
      %dma_wait3A_408 = arith.constant 0 : i32
      %dma_wait3A_409 = arith.constant 0 : i32
      %dma_wait3A_410 = tpu.memref_slice %arg3[%dma_wait3A_408, %dma_wait3A_409] : memref<320000x128xf32, #tpu.memory_space<hbm>> -> memref<80x128xf32, #tpu.memory_space<hbm>>
      tpu.wait_dma2 semaphore(%arg13 : memref<!tpu.dma_semaphore, #tpu.memory_space<semaphore_mem>>) src(%dma_wait3A_410 : memref<80x128xf32, #tpu.memory_space<hbm>>) dst(%dma_wait3A_407 : memref<80x128xf32, #tpu.memory_space<vmem>>)
      %add3A_411 = arith.constant 3 : i32
      %add3A_412 = arith.addi %add3A_398, %add3A_411 : i32
      %lt3A_413 = arith.constant 125 : i32
      %lt3A_414 = arith.cmpi slt, %add3A_412, %lt3A_413 : i32
      %convert_element_type3A_415 = arith.extui %lt3A_414 : i1 to i32
      %cond3A_416 = arith.constant 0 : i32
      %cond3A_417 = arith.cmpi ne, %convert_element_type3A_415, %cond3A_416 : i32
      scf.if %cond3A_417 {
        %add3A_459 = arith.constant 3 : i32
        %add3A_460 = arith.addi %add3A_398, %add3A_459 : i32
        %dma_start3A_461 = arith.constant 0 : i32
        %dma_start3A_462 = arith.constant 126 : i32
        %dma_start3A_463 = arith.constant 0 : i32
        %dma_start3A_464 = tpu.memref_slice %arg10[%dma_start3A_462, %dma_start3A_463] : memref<128x80xi32, #tpu.memory_space<vmem>> -> memref<1x80xi32, #tpu.memory_space<vmem>>
        %dma_start3A_465 = arith.constant 0 : i32
        %dma_start3A_466 = tpu.memref_slice %arg4[%dma_start3A_461, %add3A, %add3A_460, %dma_start3A_465] : memref<2x32x125x80xi32, #tpu.memory_space<hbm>> -> memref<1x1x1x80xi32, #tpu.memory_space<hbm>>
        %dma_start3A_467 = tpu.memref_squeeze %dma_start3A_466 : memref<1x1x1x80xi32, #tpu.memory_space<hbm>> -> memref<1x80xi32, #tpu.memory_space<hbm>>
        %dma_start3A_468 = arith.constant 126 : i32
        %dma_start3A_469 = arith.constant 0 : i32
        %dma_start3A_470 = tpu.memref_slice %arg10[%dma_start3A_468, %dma_start3A_469] : memref<128x80xi32, #tpu.memory_space<vmem>> -> memref<1x80xi32, #tpu.memory_space<vmem>>
        %dma_start3A_471 = arith.constant 0 : i32
        %dma_start3A_472 = tpu.memref_slice %arg4[%dma_start3A_461, %add3A, %add3A_460, %dma_start3A_471] : memref<2x32x125x80xi32, #tpu.memory_space<hbm>> -> memref<1x1x1x80xi32, #tpu.memory_space<hbm>>
        %dma_start3A_473 = tpu.memref_squeeze %dma_start3A_472 : memref<1x1x1x80xi32, #tpu.memory_space<hbm>> -> memref<1x80xi32, #tpu.memory_space<hbm>>
        tpu.enqueue_dma source(%dma_start3A_473 : memref<1x80xi32, #tpu.memory_space<hbm>>) target(%dma_start3A_470 : memref<1x80xi32, #tpu.memory_space<vmem>>) target_semaphore(%arg16 : memref<!tpu.dma_semaphore, #tpu.memory_space<semaphore_mem>>)
      } else {
      }
      %add3A_418 = arith.constant 2 : i32
      %add3A_419 = arith.addi %add3A_398, %add3A_418 : i32
      %lt3A_420 = arith.constant 125 : i32
      %lt3A_421 = arith.cmpi slt, %add3A_419, %lt3A_420 : i32
      %convert_element_type3A_422 = arith.extui %lt3A_421 : i1 to i32
      %cond3A_423 = arith.constant 0 : i32
      %cond3A_424 = arith.cmpi ne, %convert_element_type3A_422, %cond3A_423 : i32
      scf.if %cond3A_424 {
        %dma_wait3A_459 = arith.constant 0 : i32
        %dma_wait3A_460 = arith.constant 0 : i32
        %dma_wait3A_461 = arith.constant 125 : i32
        %dma_wait3A_462 = arith.constant 0 : i32
        %dma_wait3A_463 = tpu.memref_slice %arg10[%dma_wait3A_461, %dma_wait3A_462] : memref<128x80xi32, #tpu.memory_space<vmem>> -> memref<1x80xi32, #tpu.memory_space<vmem>>
        %dma_wait3A_464 = arith.constant 0 : i32
        %dma_wait3A_465 = arith.constant 0 : i32
        %dma_wait3A_466 = tpu.memref_slice %arg4[%dma_wait3A_459, %dma_wait3A_460, %dma_wait3A_464, %dma_wait3A_465] : memref<2x32x125x80xi32, #tpu.memory_space<hbm>> -> memref<1x1x1x80xi32, #tpu.memory_space<hbm>>
        %dma_wait3A_467 = tpu.memref_squeeze %dma_wait3A_466 : memref<1x1x1x80xi32, #tpu.memory_space<hbm>> -> memref<1x80xi32, #tpu.memory_space<hbm>>
        %dma_wait3A_468 = arith.constant 125 : i32
        %dma_wait3A_469 = arith.constant 0 : i32
        %dma_wait3A_470 = tpu.memref_slice %arg10[%dma_wait3A_468, %dma_wait3A_469] : memref<128x80xi32, #tpu.memory_space<vmem>> -> memref<1x80xi32, #tpu.memory_space<vmem>>
        %dma_wait3A_471 = arith.constant 0 : i32
        %dma_wait3A_472 = arith.constant 0 : i32
        %dma_wait3A_473 = tpu.memref_slice %arg4[%dma_wait3A_459, %dma_wait3A_460, %dma_wait3A_471, %dma_wait3A_472] : memref<2x32x125x80xi32, #tpu.memory_space<hbm>> -> memref<1x1x1x80xi32, #tpu.memory_space<hbm>>
        %dma_wait3A_474 = tpu.memref_squeeze %dma_wait3A_473 : memref<1x1x1x80xi32, #tpu.memory_space<hbm>> -> memref<1x80xi32, #tpu.memory_space<hbm>>
        tpu.wait_dma2 semaphore(%arg15 : memref<!tpu.dma_semaphore, #tpu.memory_space<semaphore_mem>>) src(%dma_wait3A_474 : memref<1x80xi32, #tpu.memory_space<hbm>>) dst(%dma_wait3A_470 : memref<1x80xi32, #tpu.memory_space<vmem>>)
        %dma_start3A_475 = arith.constant 125 : i32
        %dma_start3A_476 = arith.constant 0 : i32
        %dma_start3A_477 = arith.constant 0 : i32
        %dma_start3A_478 = tpu.memref_slice %arg11[%dma_start3A_476, %dma_start3A_477] : memref<240x128xf32, #tpu.memory_space<vmem>> -> memref<80x128xf32, #tpu.memory_space<vmem>>
        %dma_start3A_479 = arith.constant 0 : i32
        %dma_start3A_480 = tpu.memref_slice %arg10[%dma_start3A_475, %dma_start3A_479] : memref<128x80xi32, #tpu.memory_space<vmem>> -> memref<1x80xi32, #tpu.memory_space<vmem>>
        %dma_start3A_481 = tpu.memref_squeeze %dma_start3A_480 : memref<1x80xi32, #tpu.memory_space<vmem>> -> memref<80xi32, #tpu.memory_space<vmem>>
        %dma_start3A_482 = arith.constant 0 : i32
        %dma_start3A_483 = arith.constant 0 : i32
        %dma_start3A_484 = tpu.memref_slice %arg2[%dma_start3A_482, %dma_start3A_483] : memref<10000x128xf32, #tpu.memory_space<hbm>> -> memref<10000x128xf32, #tpu.memory_space<hbm>>
        tpu.enqueue_indirect_dma source(%dma_start3A_484 : memref<10000x128xf32, #tpu.memory_space<hbm>>) target(%dma_start3A_478 : memref<80x128xf32, #tpu.memory_space<vmem>>) offsets(%dma_start3A_481 : memref<80xi32, #tpu.memory_space<vmem>>) semaphore(%arg12 : memref<!tpu.dma_semaphore, #tpu.memory_space<semaphore_mem>>)
      } else {
      }
      "tpu.region"() ({
        %run_scoped3A_459 = tpu.sem_alloc : memref<!tpu.dma_semaphore, #tpu.memory_space<semaphore_mem>>
        %dma_start3A_460 = arith.constant 80 : i32
        %dma_start3A_461 = arith.constant 0 : i32
        %dma_start3A_462 = tpu.memref_slice %arg11[%dma_start3A_460, %dma_start3A_461] : memref<240x128xf32, #tpu.memory_space<vmem>> -> memref<80x128xf32, #tpu.memory_space<vmem>>
        %dma_start3A_463 = arith.constant 0 : i32
        %dma_start3A_464 = tpu.memref_slice %arg10[%add3A_398, %dma_start3A_463] : memref<128x80xi32, #tpu.memory_space<vmem>> -> memref<1x80xi32, #tpu.memory_space<vmem>>
        %dma_start3A_465 = tpu.memref_squeeze %dma_start3A_464 : memref<1x80xi32, #tpu.memory_space<vmem>> -> memref<80xi32, #tpu.memory_space<vmem>>
        %dma_start3A_466 = arith.constant 0 : i32
        %dma_start3A_467 = arith.constant 0 : i32
        %dma_start3A_468 = tpu.memref_slice %arg9[%dma_start3A_466, %dma_start3A_467] : memref<10000x128xf32, #tpu.memory_space<vmem_shared>> -> memref<10000x128xf32, #tpu.memory_space<vmem_shared>>
        tpu.enqueue_indirect_dma source(%dma_start3A_462 : memref<80x128xf32, #tpu.memory_space<vmem>>) target(%dma_start3A_468 : memref<10000x128xf32, #tpu.memory_space<vmem_shared>>) offsets(%dma_start3A_465 : memref<80xi32, #tpu.memory_space<vmem>>) semaphore(%run_scoped3A_459 : memref<!tpu.dma_semaphore, #tpu.memory_space<semaphore_mem>>) {add = true}
        %dma_wait3A_469 = arith.constant 80 : i32
        %dma_wait3A_470 = arith.constant 0 : i32
        %dma_wait3A_471 = tpu.memref_slice %arg11[%dma_wait3A_469, %dma_wait3A_470] : memref<240x128xf32, #tpu.memory_space<vmem>> -> memref<80x128xf32, #tpu.memory_space<vmem>>
        %dma_wait3A_472 = arith.constant 0 : i32
        %dma_wait3A_473 = tpu.memref_slice %arg10[%add3A_398, %dma_wait3A_472] : memref<128x80xi32, #tpu.memory_space<vmem>> -> memref<1x80xi32, #tpu.memory_space<vmem>>
        %dma_wait3A_474 = tpu.memref_squeeze %dma_wait3A_473 : memref<1x80xi32, #tpu.memory_space<vmem>> -> memref<80xi32, #tpu.memory_space<vmem>>
        %dma_wait3A_475 = arith.constant 0 : i32
        %dma_wait3A_476 = arith.constant 0 : i32
        %dma_wait3A_477 = tpu.memref_slice %arg9[%dma_wait3A_475, %dma_wait3A_476] : memref<10000x128xf32, #tpu.memory_space<vmem_shared>> -> memref<10000x128xf32, #tpu.memory_space<vmem_shared>>
        tpu.wait_indirect_dma semaphore(%run_scoped3A_459 : memref<!tpu.dma_semaphore, #tpu.memory_space<semaphore_mem>>) src(%dma_wait3A_471 : memref<80x128xf32, #tpu.memory_space<vmem>>) dst(%dma_wait3A_477 : memref<10000x128xf32, #tpu.memory_space<vmem_shared>>)
        tpu.yield
      }) : () -> ()
      %mul3A_425 = arith.constant 80 : i32
      %mul3A_426 = arith.muli %add3A_398, %mul3A_425 : i32
      %add3A_427 = arith.addi %mul3A_2, %mul3A_426 : i32
      "tpu.region"() ({
        %run_scoped3A_459 = tpu.sem_alloc : memref<!tpu.dma_semaphore, #tpu.memory_space<semaphore_mem>>
        %dma_start3A_460 = arith.constant 80 : i32
        %dma_start3A_461 = arith.constant 0 : i32
        %dma_start3A_462 = tpu.memref_slice %arg11[%dma_start3A_460, %dma_start3A_461] : memref<240x128xf32, #tpu.memory_space<vmem>> -> memref<80x128xf32, #tpu.memory_space<vmem>>
        %dma_start3A_463 = arith.constant 0 : i32
        %dma_start3A_464 = tpu.memref_slice %arg3[%add3A_427, %dma_start3A_463] : memref<320000x128xf32, #tpu.memory_space<hbm>> -> memref<80x128xf32, #tpu.memory_space<hbm>>
        %dma_start3A_465 = arith.constant 80 : i32
        %dma_start3A_466 = arith.constant 0 : i32
        %dma_start3A_467 = tpu.memref_slice %arg11[%dma_start3A_465, %dma_start3A_466] : memref<240x128xf32, #tpu.memory_space<vmem>> -> memref<80x128xf32, #tpu.memory_space<vmem>>
        %dma_start3A_468 = arith.constant 0 : i32
        %dma_start3A_469 = tpu.memref_slice %arg3[%add3A_427, %dma_start3A_468] : memref<320000x128xf32, #tpu.memory_space<hbm>> -> memref<80x128xf32, #tpu.memory_space<hbm>>
        tpu.enqueue_dma source(%dma_start3A_469 : memref<80x128xf32, #tpu.memory_space<hbm>>) target(%dma_start3A_467 : memref<80x128xf32, #tpu.memory_space<vmem>>) target_semaphore(%run_scoped3A_459 : memref<!tpu.dma_semaphore, #tpu.memory_space<semaphore_mem>>)
        %dma_wait3A_470 = arith.constant 80 : i32
        %dma_wait3A_471 = arith.constant 0 : i32
        %dma_wait3A_472 = tpu.memref_slice %arg11[%dma_wait3A_470, %dma_wait3A_471] : memref<240x128xf32, #tpu.memory_space<vmem>> -> memref<80x128xf32, #tpu.memory_space<vmem>>
        %dma_wait3A_473 = arith.constant 0 : i32
        %dma_wait3A_474 = tpu.memref_slice %arg3[%add3A_427, %dma_wait3A_473] : memref<320000x128xf32, #tpu.memory_space<hbm>> -> memref<80x128xf32, #tpu.memory_space<hbm>>
        %dma_wait3A_475 = arith.constant 80 : i32
        %dma_wait3A_476 = arith.constant 0 : i32
        %dma_wait3A_477 = tpu.memref_slice %arg11[%dma_wait3A_475, %dma_wait3A_476] : memref<240x128xf32, #tpu.memory_space<vmem>> -> memref<80x128xf32, #tpu.memory_space<vmem>>
        %dma_wait3A_478 = arith.constant 0 : i32
        %dma_wait3A_479 = tpu.memref_slice %arg3[%add3A_427, %dma_wait3A_478] : memref<320000x128xf32, #tpu.memory_space<hbm>> -> memref<80x128xf32, #tpu.memory_space<hbm>>
        tpu.wait_dma2 semaphore(%run_scoped3A_459 : memref<!tpu.dma_semaphore, #tpu.memory_space<semaphore_mem>>) src(%dma_wait3A_479 : memref<80x128xf32, #tpu.memory_space<hbm>>) dst(%dma_wait3A_477 : memref<80x128xf32, #tpu.memory_space<vmem>>)
        tpu.yield
      }) : () -> ()
      "tpu.region"() ({
        %run_scoped3A_459 = tpu.sem_alloc : memref<!tpu.dma_semaphore, #tpu.memory_space<semaphore_mem>>
        %dma_start3A_460 = arith.constant 80 : i32
        %dma_start3A_461 = arith.constant 0 : i32
        %dma_start3A_462 = tpu.memref_slice %arg11[%dma_start3A_460, %dma_start3A_461] : memref<240x128xf32, #tpu.memory_space<vmem>> -> memref<80x128xf32, #tpu.memory_space<vmem>>
        %dma_start3A_463 = arith.constant 0 : i32
        %dma_start3A_464 = tpu.memref_slice %arg10[%add3A_398, %dma_start3A_463] : memref<128x80xi32, #tpu.memory_space<vmem>> -> memref<1x80xi32, #tpu.memory_space<vmem>>
        %dma_start3A_465 = tpu.memref_squeeze %dma_start3A_464 : memref<1x80xi32, #tpu.memory_space<vmem>> -> memref<80xi32, #tpu.memory_space<vmem>>
        %dma_start3A_466 = arith.constant 0 : i32
        %dma_start3A_467 = arith.constant 0 : i32
        %dma_start3A_468 = tpu.memref_slice %arg9[%dma_start3A_466, %dma_start3A_467] : memref<10000x128xf32, #tpu.memory_space<vmem_shared>> -> memref<10000x128xf32, #tpu.memory_space<vmem_shared>>
        tpu.enqueue_indirect_dma source(%dma_start3A_462 : memref<80x128xf32, #tpu.memory_space<vmem>>) target(%dma_start3A_468 : memref<10000x128xf32, #tpu.memory_space<vmem_shared>>) offsets(%dma_start3A_465 : memref<80xi32, #tpu.memory_space<vmem>>) semaphore(%run_scoped3A_459 : memref<!tpu.dma_semaphore, #tpu.memory_space<semaphore_mem>>) {add = true}
        %dma_wait3A_469 = arith.constant 80 : i32
        %dma_wait3A_470 = arith.constant 0 : i32
        %dma_wait3A_471 = tpu.memref_slice %arg11[%dma_wait3A_469, %dma_wait3A_470] : memref<240x128xf32, #tpu.memory_space<vmem>> -> memref<80x128xf32, #tpu.memory_space<vmem>>
        %dma_wait3A_472 = arith.constant 0 : i32
        %dma_wait3A_473 = tpu.memref_slice %arg10[%add3A_398, %dma_wait3A_472] : memref<128x80xi32, #tpu.memory_space<vmem>> -> memref<1x80xi32, #tpu.memory_space<vmem>>
        %dma_wait3A_474 = tpu.memref_squeeze %dma_wait3A_473 : memref<1x80xi32, #tpu.memory_space<vmem>> -> memref<80xi32, #tpu.memory_space<vmem>>
        %dma_wait3A_475 = arith.constant 0 : i32
        %dma_wait3A_476 = arith.constant 0 : i32
        %dma_wait3A_477 = tpu.memref_slice %arg9[%dma_wait3A_475, %dma_wait3A_476] : memref<10000x128xf32, #tpu.memory_space<vmem_shared>> -> memref<10000x128xf32, #tpu.memory_space<vmem_shared>>
        tpu.wait_indirect_dma semaphore(%run_scoped3A_459 : memref<!tpu.dma_semaphore, #tpu.memory_space<semaphore_mem>>) src(%dma_wait3A_471 : memref<80x128xf32, #tpu.memory_space<vmem>>) dst(%dma_wait3A_477 : memref<10000x128xf32, #tpu.memory_space<vmem_shared>>)
        tpu.yield
      }) : () -> ()
      %add3A_428 = arith.constant 2 : i32
      %add3A_429 = arith.addi %mul3A_367, %add3A_428 : i32
      %dma_wait3A_430 = arith.constant 160 : i32
      %dma_wait3A_431 = arith.constant 0 : i32
      %dma_wait3A_432 = tpu.memref_slice %arg11[%dma_wait3A_430, %dma_wait3A_431] : memref<240x128xf32, #tpu.memory_space<vmem>> -> memref<80x128xf32, #tpu.memory_space<vmem>>
      %dma_wait3A_433 = arith.constant 0 : i32
      %dma_wait3A_434 = arith.constant 0 : i32
      %dma_wait3A_435 = tpu.memref_slice %arg3[%dma_wait3A_433, %dma_wait3A_434] : memref<320000x128xf32, #tpu.memory_space<hbm>> -> memref<80x128xf32, #tpu.memory_space<hbm>>
      %dma_wait3A_436 = arith.constant 160 : i32
      %dma_wait3A_437 = arith.constant 0 : i32
      %dma_wait3A_438 = tpu.memref_slice %arg11[%dma_wait3A_436, %dma_wait3A_437] : memref<240x128xf32, #tpu.memory_space<vmem>> -> memref<80x128xf32, #tpu.memory_space<vmem>>
      %dma_wait3A_439 = arith.constant 0 : i32
      %dma_wait3A_440 = arith.constant 0 : i32
      %dma_wait3A_441 = tpu.memref_slice %arg3[%dma_wait3A_439, %dma_wait3A_440] : memref<320000x128xf32, #tpu.memory_space<hbm>> -> memref<80x128xf32, #tpu.memory_space<hbm>>
      tpu.wait_dma2 semaphore(%arg14 : memref<!tpu.dma_semaphore, #tpu.memory_space<semaphore_mem>>) src(%dma_wait3A_441 : memref<80x128xf32, #tpu.memory_space<hbm>>) dst(%dma_wait3A_438 : memref<80x128xf32, #tpu.memory_space<vmem>>)
      %add3A_442 = arith.constant 3 : i32
      %add3A_443 = arith.addi %add3A_429, %add3A_442 : i32
      %lt3A_444 = arith.constant 125 : i32
      %lt3A_445 = arith.cmpi slt, %add3A_443, %lt3A_444 : i32
      %convert_element_type3A_446 = arith.extui %lt3A_445 : i1 to i32
      %cond3A_447 = arith.constant 0 : i32
      %cond3A_448 = arith.cmpi ne, %convert_element_type3A_446, %cond3A_447 : i32
      scf.if %cond3A_448 {
        %add3A_459 = arith.constant 3 : i32
        %add3A_460 = arith.addi %add3A_429, %add3A_459 : i32
        %dma_start3A_461 = arith.constant 0 : i32
        %dma_start3A_462 = arith.constant 127 : i32
        %dma_start3A_463 = arith.constant 0 : i32
        %dma_start3A_464 = tpu.memref_slice %arg10[%dma_start3A_462, %dma_start3A_463] : memref<128x80xi32, #tpu.memory_space<vmem>> -> memref<1x80xi32, #tpu.memory_space<vmem>>
        %dma_start3A_465 = arith.constant 0 : i32
        %dma_start3A_466 = tpu.memref_slice %arg4[%dma_start3A_461, %add3A, %add3A_460, %dma_start3A_465] : memref<2x32x125x80xi32, #tpu.memory_space<hbm>> -> memref<1x1x1x80xi32, #tpu.memory_space<hbm>>
        %dma_start3A_467 = tpu.memref_squeeze %dma_start3A_466 : memref<1x1x1x80xi32, #tpu.memory_space<hbm>> -> memref<1x80xi32, #tpu.memory_space<hbm>>
        %dma_start3A_468 = arith.constant 127 : i32
        %dma_start3A_469 = arith.constant 0 : i32
        %dma_start3A_470 = tpu.memref_slice %arg10[%dma_start3A_468, %dma_start3A_469] : memref<128x80xi32, #tpu.memory_space<vmem>> -> memref<1x80xi32, #tpu.memory_space<vmem>>
        %dma_start3A_471 = arith.constant 0 : i32
        %dma_start3A_472 = tpu.memref_slice %arg4[%dma_start3A_461, %add3A, %add3A_460, %dma_start3A_471] : memref<2x32x125x80xi32, #tpu.memory_space<hbm>> -> memref<1x1x1x80xi32, #tpu.memory_space<hbm>>
        %dma_start3A_473 = tpu.memref_squeeze %dma_start3A_472 : memref<1x1x1x80xi32, #tpu.memory_space<hbm>> -> memref<1x80xi32, #tpu.memory_space<hbm>>
        tpu.enqueue_dma source(%dma_start3A_473 : memref<1x80xi32, #tpu.memory_space<hbm>>) target(%dma_start3A_470 : memref<1x80xi32, #tpu.memory_space<vmem>>) target_semaphore(%arg17 : memref<!tpu.dma_semaphore, #tpu.memory_space<semaphore_mem>>)
      } else {
      }
      %add3A_449 = arith.constant 2 : i32
      %add3A_450 = arith.addi %add3A_429, %add3A_449 : i32
      %lt3A_451 = arith.constant 125 : i32
      %lt3A_452 = arith.cmpi slt, %add3A_450, %lt3A_451 : i32
      %convert_element_type3A_453 = arith.extui %lt3A_452 : i1 to i32
      %cond3A_454 = arith.constant 0 : i32
      %cond3A_455 = arith.cmpi ne, %convert_element_type3A_453, %cond3A_454 : i32
      scf.if %cond3A_455 {
        %dma_wait3A_459 = arith.constant 0 : i32
        %dma_wait3A_460 = arith.constant 0 : i32
        %dma_wait3A_461 = arith.constant 126 : i32
        %dma_wait3A_462 = arith.constant 0 : i32
        %dma_wait3A_463 = tpu.memref_slice %arg10[%dma_wait3A_461, %dma_wait3A_462] : memref<128x80xi32, #tpu.memory_space<vmem>> -> memref<1x80xi32, #tpu.memory_space<vmem>>
        %dma_wait3A_464 = arith.constant 0 : i32
        %dma_wait3A_465 = arith.constant 0 : i32
        %dma_wait3A_466 = tpu.memref_slice %arg4[%dma_wait3A_459, %dma_wait3A_460, %dma_wait3A_464, %dma_wait3A_465] : memref<2x32x125x80xi32, #tpu.memory_space<hbm>> -> memref<1x1x1x80xi32, #tpu.memory_space<hbm>>
        %dma_wait3A_467 = tpu.memref_squeeze %dma_wait3A_466 : memref<1x1x1x80xi32, #tpu.memory_space<hbm>> -> memref<1x80xi32, #tpu.memory_space<hbm>>
        %dma_wait3A_468 = arith.constant 126 : i32
        %dma_wait3A_469 = arith.constant 0 : i32
        %dma_wait3A_470 = tpu.memref_slice %arg10[%dma_wait3A_468, %dma_wait3A_469] : memref<128x80xi32, #tpu.memory_space<vmem>> -> memref<1x80xi32, #tpu.memory_space<vmem>>
        %dma_wait3A_471 = arith.constant 0 : i32
        %dma_wait3A_472 = arith.constant 0 : i32
        %dma_wait3A_473 = tpu.memref_slice %arg4[%dma_wait3A_459, %dma_wait3A_460, %dma_wait3A_471, %dma_wait3A_472] : memref<2x32x125x80xi32, #tpu.memory_space<hbm>> -> memref<1x1x1x80xi32, #tpu.memory_space<hbm>>
        %dma_wait3A_474 = tpu.memref_squeeze %dma_wait3A_473 : memref<1x1x1x80xi32, #tpu.memory_space<hbm>> -> memref<1x80xi32, #tpu.memory_space<hbm>>
        tpu.wait_dma2 semaphore(%arg16 : memref<!tpu.dma_semaphore, #tpu.memory_space<semaphore_mem>>) src(%dma_wait3A_474 : memref<1x80xi32, #tpu.memory_space<hbm>>) dst(%dma_wait3A_470 : memref<1x80xi32, #tpu.memory_space<vmem>>)
        %dma_start3A_475 = arith.constant 126 : i32
        %dma_start3A_476 = arith.constant 80 : i32
        %dma_start3A_477 = arith.constant 0 : i32
        %dma_start3A_478 = tpu.memref_slice %arg11[%dma_start3A_476, %dma_start3A_477] : memref<240x128xf32, #tpu.memory_space<vmem>> -> memref<80x128xf32, #tpu.memory_space<vmem>>
        %dma_start3A_479 = arith.constant 0 : i32
        %dma_start3A_480 = tpu.memref_slice %arg10[%dma_start3A_475, %dma_start3A_479] : memref<128x80xi32, #tpu.memory_space<vmem>> -> memref<1x80xi32, #tpu.memory_space<vmem>>
        %dma_start3A_481 = tpu.memref_squeeze %dma_start3A_480 : memref<1x80xi32, #tpu.memory_space<vmem>> -> memref<80xi32, #tpu.memory_space<vmem>>
        %dma_start3A_482 = arith.constant 0 : i32
        %dma_start3A_483 = arith.constant 0 : i32
        %dma_start3A_484 = tpu.memref_slice %arg2[%dma_start3A_482, %dma_start3A_483] : memref<10000x128xf32, #tpu.memory_space<hbm>> -> memref<10000x128xf32, #tpu.memory_space<hbm>>
        tpu.enqueue_indirect_dma source(%dma_start3A_484 : memref<10000x128xf32, #tpu.memory_space<hbm>>) target(%dma_start3A_478 : memref<80x128xf32, #tpu.memory_space<vmem>>) offsets(%dma_start3A_481 : memref<80xi32, #tpu.memory_space<vmem>>) semaphore(%arg13 : memref<!tpu.dma_semaphore, #tpu.memory_space<semaphore_mem>>)
      } else {
      }
      "tpu.region"() ({
        %run_scoped3A_459 = tpu.sem_alloc : memref<!tpu.dma_semaphore, #tpu.memory_space<semaphore_mem>>
        %dma_start3A_460 = arith.constant 160 : i32
        %dma_start3A_461 = arith.constant 0 : i32
        %dma_start3A_462 = tpu.memref_slice %arg11[%dma_start3A_460, %dma_start3A_461] : memref<240x128xf32, #tpu.memory_space<vmem>> -> memref<80x128xf32, #tpu.memory_space<vmem>>
        %dma_start3A_463 = arith.constant 0 : i32
        %dma_start3A_464 = tpu.memref_slice %arg10[%add3A_429, %dma_start3A_463] : memref<128x80xi32, #tpu.memory_space<vmem>> -> memref<1x80xi32, #tpu.memory_space<vmem>>
        %dma_start3A_465 = tpu.memref_squeeze %dma_start3A_464 : memref<1x80xi32, #tpu.memory_space<vmem>> -> memref<80xi32, #tpu.memory_space<vmem>>
        %dma_start3A_466 = arith.constant 0 : i32
        %dma_start3A_467 = arith.constant 0 : i32
        %dma_start3A_468 = tpu.memref_slice %arg9[%dma_start3A_466, %dma_start3A_467] : memref<10000x128xf32, #tpu.memory_space<vmem_shared>> -> memref<10000x128xf32, #tpu.memory_space<vmem_shared>>
        tpu.enqueue_indirect_dma source(%dma_start3A_462 : memref<80x128xf32, #tpu.memory_space<vmem>>) target(%dma_start3A_468 : memref<10000x128xf32, #tpu.memory_space<vmem_shared>>) offsets(%dma_start3A_465 : memref<80xi32, #tpu.memory_space<vmem>>) semaphore(%run_scoped3A_459 : memref<!tpu.dma_semaphore, #tpu.memory_space<semaphore_mem>>) {add = true}
        %dma_wait3A_469 = arith.constant 160 : i32
        %dma_wait3A_470 = arith.constant 0 : i32
        %dma_wait3A_471 = tpu.memref_slice %arg11[%dma_wait3A_469, %dma_wait3A_470] : memref<240x128xf32, #tpu.memory_space<vmem>> -> memref<80x128xf32, #tpu.memory_space<vmem>>
        %dma_wait3A_472 = arith.constant 0 : i32
        %dma_wait3A_473 = tpu.memref_slice %arg10[%add3A_429, %dma_wait3A_472] : memref<128x80xi32, #tpu.memory_space<vmem>> -> memref<1x80xi32, #tpu.memory_space<vmem>>
        %dma_wait3A_474 = tpu.memref_squeeze %dma_wait3A_473 : memref<1x80xi32, #tpu.memory_space<vmem>> -> memref<80xi32, #tpu.memory_space<vmem>>
        %dma_wait3A_475 = arith.constant 0 : i32
        %dma_wait3A_476 = arith.constant 0 : i32
        %dma_wait3A_477 = tpu.memref_slice %arg9[%dma_wait3A_475, %dma_wait3A_476] : memref<10000x128xf32, #tpu.memory_space<vmem_shared>> -> memref<10000x128xf32, #tpu.memory_space<vmem_shared>>
        tpu.wait_indirect_dma semaphore(%run_scoped3A_459 : memref<!tpu.dma_semaphore, #tpu.memory_space<semaphore_mem>>) src(%dma_wait3A_471 : memref<80x128xf32, #tpu.memory_space<vmem>>) dst(%dma_wait3A_477 : memref<10000x128xf32, #tpu.memory_space<vmem_shared>>)
        tpu.yield
      }) : () -> ()
      %mul3A_456 = arith.constant 80 : i32
      %mul3A_457 = arith.muli %add3A_429, %mul3A_456 : i32
      %add3A_458 = arith.addi %mul3A_2, %mul3A_457 : i32
      "tpu.region"() ({
        %run_scoped3A_459 = tpu.sem_alloc : memref<!tpu.dma_semaphore, #tpu.memory_space<semaphore_mem>>
        %dma_start3A_460 = arith.constant 160 : i32
        %dma_start3A_461 = arith.constant 0 : i32
        %dma_start3A_462 = tpu.memref_slice %arg11[%dma_start3A_460, %dma_start3A_461] : memref<240x128xf32, #tpu.memory_space<vmem>> -> memref<80x128xf32, #tpu.memory_space<vmem>>
        %dma_start3A_463 = arith.constant 0 : i32
        %dma_start3A_464 = tpu.memref_slice %arg3[%add3A_458, %dma_start3A_463] : memref<320000x128xf32, #tpu.memory_space<hbm>> -> memref<80x128xf32, #tpu.memory_space<hbm>>
        %dma_start3A_465 = arith.constant 160 : i32
        %dma_start3A_466 = arith.constant 0 : i32
        %dma_start3A_467 = tpu.memref_slice %arg11[%dma_start3A_465, %dma_start3A_466] : memref<240x128xf32, #tpu.memory_space<vmem>> -> memref<80x128xf32, #tpu.memory_space<vmem>>
        %dma_start3A_468 = arith.constant 0 : i32
        %dma_start3A_469 = tpu.memref_slice %arg3[%add3A_458, %dma_start3A_468] : memref<320000x128xf32, #tpu.memory_space<hbm>> -> memref<80x128xf32, #tpu.memory_space<hbm>>
        tpu.enqueue_dma source(%dma_start3A_469 : memref<80x128xf32, #tpu.memory_space<hbm>>) target(%dma_start3A_467 : memref<80x128xf32, #tpu.memory_space<vmem>>) target_semaphore(%run_scoped3A_459 : memref<!tpu.dma_semaphore, #tpu.memory_space<semaphore_mem>>)
        %dma_wait3A_470 = arith.constant 160 : i32
        %dma_wait3A_471 = arith.constant 0 : i32
        %dma_wait3A_472 = tpu.memref_slice %arg11[%dma_wait3A_470, %dma_wait3A_471] : memref<240x128xf32, #tpu.memory_space<vmem>> -> memref<80x128xf32, #tpu.memory_space<vmem>>
        %dma_wait3A_473 = arith.constant 0 : i32
        %dma_wait3A_474 = tpu.memref_slice %arg3[%add3A_458, %dma_wait3A_473] : memref<320000x128xf32, #tpu.memory_space<hbm>> -> memref<80x128xf32, #tpu.memory_space<hbm>>
        %dma_wait3A_475 = arith.constant 160 : i32
        %dma_wait3A_476 = arith.constant 0 : i32
        %dma_wait3A_477 = tpu.memref_slice %arg11[%dma_wait3A_475, %dma_wait3A_476] : memref<240x128xf32, #tpu.memory_space<vmem>> -> memref<80x128xf32, #tpu.memory_space<vmem>>
        %dma_wait3A_478 = arith.constant 0 : i32
        %dma_wait3A_479 = tpu.memref_slice %arg3[%add3A_458, %dma_wait3A_478] : memref<320000x128xf32, #tpu.memory_space<hbm>> -> memref<80x128xf32, #tpu.memory_space<hbm>>
        tpu.wait_dma2 semaphore(%run_scoped3A_459 : memref<!tpu.dma_semaphore, #tpu.memory_space<semaphore_mem>>) src(%dma_wait3A_479 : memref<80x128xf32, #tpu.memory_space<hbm>>) dst(%dma_wait3A_477 : memref<80x128xf32, #tpu.memory_space<vmem>>)
        tpu.yield
      }) : () -> ()
      "tpu.region"() ({
        %run_scoped3A_459 = tpu.sem_alloc : memref<!tpu.dma_semaphore, #tpu.memory_space<semaphore_mem>>
        %dma_start3A_460 = arith.constant 160 : i32
        %dma_start3A_461 = arith.constant 0 : i32
        %dma_start3A_462 = tpu.memref_slice %arg11[%dma_start3A_460, %dma_start3A_461] : memref<240x128xf32, #tpu.memory_space<vmem>> -> memref<80x128xf32, #tpu.memory_space<vmem>>
        %dma_start3A_463 = arith.constant 0 : i32
        %dma_start3A_464 = tpu.memref_slice %arg10[%add3A_429, %dma_start3A_463] : memref<128x80xi32, #tpu.memory_space<vmem>> -> memref<1x80xi32, #tpu.memory_space<vmem>>
        %dma_start3A_465 = tpu.memref_squeeze %dma_start3A_464 : memref<1x80xi32, #tpu.memory_space<vmem>> -> memref<80xi32, #tpu.memory_space<vmem>>
        %dma_start3A_466 = arith.constant 0 : i32
        %dma_start3A_467 = arith.constant 0 : i32
        %dma_start3A_468 = tpu.memref_slice %arg9[%dma_start3A_466, %dma_start3A_467] : memref<10000x128xf32, #tpu.memory_space<vmem_shared>> -> memref<10000x128xf32, #tpu.memory_space<vmem_shared>>
        tpu.enqueue_indirect_dma source(%dma_start3A_462 : memref<80x128xf32, #tpu.memory_space<vmem>>) target(%dma_start3A_468 : memref<10000x128xf32, #tpu.memory_space<vmem_shared>>) offsets(%dma_start3A_465 : memref<80xi32, #tpu.memory_space<vmem>>) semaphore(%run_scoped3A_459 : memref<!tpu.dma_semaphore, #tpu.memory_space<semaphore_mem>>) {add = true}
        %dma_wait3A_469 = arith.constant 160 : i32
        %dma_wait3A_470 = arith.constant 0 : i32
        %dma_wait3A_471 = tpu.memref_slice %arg11[%dma_wait3A_469, %dma_wait3A_470] : memref<240x128xf32, #tpu.memory_space<vmem>> -> memref<80x128xf32, #tpu.memory_space<vmem>>
        %dma_wait3A_472 = arith.constant 0 : i32
        %dma_wait3A_473 = tpu.memref_slice %arg10[%add3A_429, %dma_wait3A_472] : memref<128x80xi32, #tpu.memory_space<vmem>> -> memref<1x80xi32, #tpu.memory_space<vmem>>
        %dma_wait3A_474 = tpu.memref_squeeze %dma_wait3A_473 : memref<1x80xi32, #tpu.memory_space<vmem>> -> memref<80xi32, #tpu.memory_space<vmem>>
        %dma_wait3A_475 = arith.constant 0 : i32
        %dma_wait3A_476 = arith.constant 0 : i32
        %dma_wait3A_477 = tpu.memref_slice %arg9[%dma_wait3A_475, %dma_wait3A_476] : memref<10000x128xf32, #tpu.memory_space<vmem_shared>> -> memref<10000x128xf32, #tpu.memory_space<vmem_shared>>
        tpu.wait_indirect_dma semaphore(%run_scoped3A_459 : memref<!tpu.dma_semaphore, #tpu.memory_space<semaphore_mem>>) src(%dma_wait3A_471 : memref<80x128xf32, #tpu.memory_space<vmem>>) dst(%dma_wait3A_477 : memref<10000x128xf32, #tpu.memory_space<vmem_shared>>)
        tpu.yield
      }) : () -> ()
    }
    %scan3A_155 = arith.constant 41 : i32
    %dma_wait3A_156 = arith.constant 0 : i32
    %dma_wait3A_157 = arith.constant 0 : i32
    %dma_wait3A_158 = tpu.memref_slice %arg11[%dma_wait3A_156, %dma_wait3A_157] : memref<240x128xf32, #tpu.memory_space<vmem>> -> memref<80x128xf32, #tpu.memory_space<vmem>>
    %dma_wait3A_159 = arith.constant 0 : i32
    %dma_wait3A_160 = arith.constant 0 : i32
    %dma_wait3A_161 = tpu.memref_slice %arg3[%dma_wait3A_159, %dma_wait3A_160] : memref<320000x128xf32, #tpu.memory_space<hbm>> -> memref<80x128xf32, #tpu.memory_space<hbm>>
    %dma_wait3A_162 = arith.constant 0 : i32
    %dma_wait3A_163 = arith.constant 0 : i32
    %dma_wait3A_164 = tpu.memref_slice %arg11[%dma_wait3A_162, %dma_wait3A_163] : memref<240x128xf32, #tpu.memory_space<vmem>> -> memref<80x128xf32, #tpu.memory_space<vmem>>
    %dma_wait3A_165 = arith.constant 0 : i32
    %dma_wait3A_166 = arith.constant 0 : i32
    %dma_wait3A_167 = tpu.memref_slice %arg3[%dma_wait3A_165, %dma_wait3A_166] : memref<320000x128xf32, #tpu.memory_space<hbm>> -> memref<80x128xf32, #tpu.memory_space<hbm>>
    tpu.wait_dma2 semaphore(%arg12 : memref<!tpu.dma_semaphore, #tpu.memory_space<semaphore_mem>>) src(%dma_wait3A_167 : memref<80x128xf32, #tpu.memory_space<hbm>>) dst(%dma_wait3A_164 : memref<80x128xf32, #tpu.memory_space<vmem>>)
    %run_scoped3A_168 = arith.constant 123 : i32
    "tpu.region"() ({
      %run_scoped3A_365 = tpu.sem_alloc : memref<!tpu.dma_semaphore, #tpu.memory_space<semaphore_mem>>
      %dma_start3A_366 = arith.constant 0 : i32
      %dma_start3A_367 = arith.constant 0 : i32
      %dma_start3A_368 = tpu.memref_slice %arg11[%dma_start3A_366, %dma_start3A_367] : memref<240x128xf32, #tpu.memory_space<vmem>> -> memref<80x128xf32, #tpu.memory_space<vmem>>
      %dma_start3A_369 = arith.constant 0 : i32
      %dma_start3A_370 = tpu.memref_slice %arg10[%run_scoped3A_168, %dma_start3A_369] : memref<128x80xi32, #tpu.memory_space<vmem>> -> memref<1x80xi32, #tpu.memory_space<vmem>>
      %dma_start3A_371 = tpu.memref_squeeze %dma_start3A_370 : memref<1x80xi32, #tpu.memory_space<vmem>> -> memref<80xi32, #tpu.memory_space<vmem>>
      %dma_start3A_372 = arith.constant 0 : i32
      %dma_start3A_373 = arith.constant 0 : i32
      %dma_start3A_374 = tpu.memref_slice %arg9[%dma_start3A_372, %dma_start3A_373] : memref<10000x128xf32, #tpu.memory_space<vmem_shared>> -> memref<10000x128xf32, #tpu.memory_space<vmem_shared>>
      tpu.enqueue_indirect_dma source(%dma_start3A_368 : memref<80x128xf32, #tpu.memory_space<vmem>>) target(%dma_start3A_374 : memref<10000x128xf32, #tpu.memory_space<vmem_shared>>) offsets(%dma_start3A_371 : memref<80xi32, #tpu.memory_space<vmem>>) semaphore(%run_scoped3A_365 : memref<!tpu.dma_semaphore, #tpu.memory_space<semaphore_mem>>) {add = true}
      %dma_wait3A_375 = arith.constant 0 : i32
      %dma_wait3A_376 = arith.constant 0 : i32
      %dma_wait3A_377 = tpu.memref_slice %arg11[%dma_wait3A_375, %dma_wait3A_376] : memref<240x128xf32, #tpu.memory_space<vmem>> -> memref<80x128xf32, #tpu.memory_space<vmem>>
      %dma_wait3A_378 = arith.constant 0 : i32
      %dma_wait3A_379 = tpu.memref_slice %arg10[%run_scoped3A_168, %dma_wait3A_378] : memref<128x80xi32, #tpu.memory_space<vmem>> -> memref<1x80xi32, #tpu.memory_space<vmem>>
      %dma_wait3A_380 = tpu.memref_squeeze %dma_wait3A_379 : memref<1x80xi32, #tpu.memory_space<vmem>> -> memref<80xi32, #tpu.memory_space<vmem>>
      %dma_wait3A_381 = arith.constant 0 : i32
      %dma_wait3A_382 = arith.constant 0 : i32
      %dma_wait3A_383 = tpu.memref_slice %arg9[%dma_wait3A_381, %dma_wait3A_382] : memref<10000x128xf32, #tpu.memory_space<vmem_shared>> -> memref<10000x128xf32, #tpu.memory_space<vmem_shared>>
      tpu.wait_indirect_dma semaphore(%run_scoped3A_365 : memref<!tpu.dma_semaphore, #tpu.memory_space<semaphore_mem>>) src(%dma_wait3A_377 : memref<80x128xf32, #tpu.memory_space<vmem>>) dst(%dma_wait3A_383 : memref<10000x128xf32, #tpu.memory_space<vmem_shared>>)
      tpu.yield
    }) : () -> ()
    %add3A_169 = arith.constant 9840 : i32
    %add3A_170 = arith.addi %mul3A_2, %add3A_169 : i32
    "tpu.region"() ({
      %run_scoped3A_365 = tpu.sem_alloc : memref<!tpu.dma_semaphore, #tpu.memory_space<semaphore_mem>>
      %dma_start3A_366 = arith.constant 0 : i32
      %dma_start3A_367 = arith.constant 0 : i32
      %dma_start3A_368 = tpu.memref_slice %arg11[%dma_start3A_366, %dma_start3A_367] : memref<240x128xf32, #tpu.memory_space<vmem>> -> memref<80x128xf32, #tpu.memory_space<vmem>>
      %dma_start3A_369 = arith.constant 0 : i32
      %dma_start3A_370 = tpu.memref_slice %arg3[%add3A_170, %dma_start3A_369] : memref<320000x128xf32, #tpu.memory_space<hbm>> -> memref<80x128xf32, #tpu.memory_space<hbm>>
      %dma_start3A_371 = arith.constant 0 : i32
      %dma_start3A_372 = arith.constant 0 : i32
      %dma_start3A_373 = tpu.memref_slice %arg11[%dma_start3A_371, %dma_start3A_372] : memref<240x128xf32, #tpu.memory_space<vmem>> -> memref<80x128xf32, #tpu.memory_space<vmem>>
      %dma_start3A_374 = arith.constant 0 : i32
      %dma_start3A_375 = tpu.memref_slice %arg3[%add3A_170, %dma_start3A_374] : memref<320000x128xf32, #tpu.memory_space<hbm>> -> memref<80x128xf32, #tpu.memory_space<hbm>>
      tpu.enqueue_dma source(%dma_start3A_375 : memref<80x128xf32, #tpu.memory_space<hbm>>) target(%dma_start3A_373 : memref<80x128xf32, #tpu.memory_space<vmem>>) target_semaphore(%run_scoped3A_365 : memref<!tpu.dma_semaphore, #tpu.memory_space<semaphore_mem>>)
      %dma_wait3A_376 = arith.constant 0 : i32
      %dma_wait3A_377 = arith.constant 0 : i32
      %dma_wait3A_378 = tpu.memref_slice %arg11[%dma_wait3A_376, %dma_wait3A_377] : memref<240x128xf32, #tpu.memory_space<vmem>> -> memref<80x128xf32, #tpu.memory_space<vmem>>
      %dma_wait3A_379 = arith.constant 0 : i32
      %dma_wait3A_380 = tpu.memref_slice %arg3[%add3A_170, %dma_wait3A_379] : memref<320000x128xf32, #tpu.memory_space<hbm>> -> memref<80x128xf32, #tpu.memory_space<hbm>>
      %dma_wait3A_381 = arith.constant 0 : i32
      %dma_wait3A_382 = arith.constant 0 : i32
      %dma_wait3A_383 = tpu.memref_slice %arg11[%dma_wait3A_381, %dma_wait3A_382] : memref<240x128xf32, #tpu.memory_space<vmem>> -> memref<80x128xf32, #tpu.memory_space<vmem>>
      %dma_wait3A_384 = arith.constant 0 : i32
      %dma_wait3A_385 = tpu.memref_slice %arg3[%add3A_170, %dma_wait3A_384] : memref<320000x128xf32, #tpu.memory_space<hbm>> -> memref<80x128xf32, #tpu.memory_space<hbm>>
      tpu.wait_dma2 semaphore(%run_scoped3A_365 : memref<!tpu.dma_semaphore, #tpu.memory_space<semaphore_mem>>) src(%dma_wait3A_385 : memref<80x128xf32, #tpu.memory_space<hbm>>) dst(%dma_wait3A_383 : memref<80x128xf32, #tpu.memory_space<vmem>>)
      tpu.yield
    }) : () -> ()
    %run_scoped3A_171 = arith.constant 123 : i32
    "tpu.region"() ({
      %run_scoped3A_365 = tpu.sem_alloc : memref<!tpu.dma_semaphore, #tpu.memory_space<semaphore_mem>>
      %dma_start3A_366 = arith.constant 0 : i32
      %dma_start3A_367 = arith.constant 0 : i32
      %dma_start3A_368 = tpu.memref_slice %arg11[%dma_start3A_366, %dma_start3A_367] : memref<240x128xf32, #tpu.memory_space<vmem>> -> memref<80x128xf32, #tpu.memory_space<vmem>>
      %dma_start3A_369 = arith.constant 0 : i32
      %dma_start3A_370 = tpu.memref_slice %arg10[%run_scoped3A_171, %dma_start3A_369] : memref<128x80xi32, #tpu.memory_space<vmem>> -> memref<1x80xi32, #tpu.memory_space<vmem>>
      %dma_start3A_371 = tpu.memref_squeeze %dma_start3A_370 : memref<1x80xi32, #tpu.memory_space<vmem>> -> memref<80xi32, #tpu.memory_space<vmem>>
      %dma_start3A_372 = arith.constant 0 : i32
      %dma_start3A_373 = arith.constant 0 : i32
      %dma_start3A_374 = tpu.memref_slice %arg9[%dma_start3A_372, %dma_start3A_373] : memref<10000x128xf32, #tpu.memory_space<vmem_shared>> -> memref<10000x128xf32, #tpu.memory_space<vmem_shared>>
      tpu.enqueue_indirect_dma source(%dma_start3A_368 : memref<80x128xf32, #tpu.memory_space<vmem>>) target(%dma_start3A_374 : memref<10000x128xf32, #tpu.memory_space<vmem_shared>>) offsets(%dma_start3A_371 : memref<80xi32, #tpu.memory_space<vmem>>) semaphore(%run_scoped3A_365 : memref<!tpu.dma_semaphore, #tpu.memory_space<semaphore_mem>>) {add = true}
      %dma_wait3A_375 = arith.constant 0 : i32
      %dma_wait3A_376 = arith.constant 0 : i32
      %dma_wait3A_377 = tpu.memref_slice %arg11[%dma_wait3A_375, %dma_wait3A_376] : memref<240x128xf32, #tpu.memory_space<vmem>> -> memref<80x128xf32, #tpu.memory_space<vmem>>
      %dma_wait3A_378 = arith.constant 0 : i32
      %dma_wait3A_379 = tpu.memref_slice %arg10[%run_scoped3A_171, %dma_wait3A_378] : memref<128x80xi32, #tpu.memory_space<vmem>> -> memref<1x80xi32, #tpu.memory_space<vmem>>
      %dma_wait3A_380 = tpu.memref_squeeze %dma_wait3A_379 : memref<1x80xi32, #tpu.memory_space<vmem>> -> memref<80xi32, #tpu.memory_space<vmem>>
      %dma_wait3A_381 = arith.constant 0 : i32
      %dma_wait3A_382 = arith.constant 0 : i32
      %dma_wait3A_383 = tpu.memref_slice %arg9[%dma_wait3A_381, %dma_wait3A_382] : memref<10000x128xf32, #tpu.memory_space<vmem_shared>> -> memref<10000x128xf32, #tpu.memory_space<vmem_shared>>
      tpu.wait_indirect_dma semaphore(%run_scoped3A_365 : memref<!tpu.dma_semaphore, #tpu.memory_space<semaphore_mem>>) src(%dma_wait3A_377 : memref<80x128xf32, #tpu.memory_space<vmem>>) dst(%dma_wait3A_383 : memref<10000x128xf32, #tpu.memory_space<vmem_shared>>)
      tpu.yield
    }) : () -> ()
    %dma_wait3A_172 = arith.constant 80 : i32
    %dma_wait3A_173 = arith.constant 0 : i32
    %dma_wait3A_174 = tpu.memref_slice %arg11[%dma_wait3A_172, %dma_wait3A_173] : memref<240x128xf32, #tpu.memory_space<vmem>> -> memref<80x128xf32, #tpu.memory_space<vmem>>
    %dma_wait3A_175 = arith.constant 0 : i32
    %dma_wait3A_176 = arith.constant 0 : i32
    %dma_wait3A_177 = tpu.memref_slice %arg3[%dma_wait3A_175, %dma_wait3A_176] : memref<320000x128xf32, #tpu.memory_space<hbm>> -> memref<80x128xf32, #tpu.memory_space<hbm>>
    %dma_wait3A_178 = arith.constant 80 : i32
    %dma_wait3A_179 = arith.constant 0 : i32
    %dma_wait3A_180 = tpu.memref_slice %arg11[%dma_wait3A_178, %dma_wait3A_179] : memref<240x128xf32, #tpu.memory_space<vmem>> -> memref<80x128xf32, #tpu.memory_space<vmem>>
    %dma_wait3A_181 = arith.constant 0 : i32
    %dma_wait3A_182 = arith.constant 0 : i32
    %dma_wait3A_183 = tpu.memref_slice %arg3[%dma_wait3A_181, %dma_wait3A_182] : memref<320000x128xf32, #tpu.memory_space<hbm>> -> memref<80x128xf32, #tpu.memory_space<hbm>>
    tpu.wait_dma2 semaphore(%arg13 : memref<!tpu.dma_semaphore, #tpu.memory_space<semaphore_mem>>) src(%dma_wait3A_183 : memref<80x128xf32, #tpu.memory_space<hbm>>) dst(%dma_wait3A_180 : memref<80x128xf32, #tpu.memory_space<vmem>>)
    %run_scoped3A_184 = arith.constant 124 : i32
    "tpu.region"() ({
      %run_scoped3A_365 = tpu.sem_alloc : memref<!tpu.dma_semaphore, #tpu.memory_space<semaphore_mem>>
      %dma_start3A_366 = arith.constant 80 : i32
      %dma_start3A_367 = arith.constant 0 : i32
      %dma_start3A_368 = tpu.memref_slice %arg11[%dma_start3A_366, %dma_start3A_367] : memref<240x128xf32, #tpu.memory_space<vmem>> -> memref<80x128xf32, #tpu.memory_space<vmem>>
      %dma_start3A_369 = arith.constant 0 : i32
      %dma_start3A_370 = tpu.memref_slice %arg10[%run_scoped3A_184, %dma_start3A_369] : memref<128x80xi32, #tpu.memory_space<vmem>> -> memref<1x80xi32, #tpu.memory_space<vmem>>
      %dma_start3A_371 = tpu.memref_squeeze %dma_start3A_370 : memref<1x80xi32, #tpu.memory_space<vmem>> -> memref<80xi32, #tpu.memory_space<vmem>>
      %dma_start3A_372 = arith.constant 0 : i32
      %dma_start3A_373 = arith.constant 0 : i32
      %dma_start3A_374 = tpu.memref_slice %arg9[%dma_start3A_372, %dma_start3A_373] : memref<10000x128xf32, #tpu.memory_space<vmem_shared>> -> memref<10000x128xf32, #tpu.memory_space<vmem_shared>>
      tpu.enqueue_indirect_dma source(%dma_start3A_368 : memref<80x128xf32, #tpu.memory_space<vmem>>) target(%dma_start3A_374 : memref<10000x128xf32, #tpu.memory_space<vmem_shared>>) offsets(%dma_start3A_371 : memref<80xi32, #tpu.memory_space<vmem>>) semaphore(%run_scoped3A_365 : memref<!tpu.dma_semaphore, #tpu.memory_space<semaphore_mem>>) {add = true}
      %dma_wait3A_375 = arith.constant 80 : i32
      %dma_wait3A_376 = arith.constant 0 : i32
      %dma_wait3A_377 = tpu.memref_slice %arg11[%dma_wait3A_375, %dma_wait3A_376] : memref<240x128xf32, #tpu.memory_space<vmem>> -> memref<80x128xf32, #tpu.memory_space<vmem>>
      %dma_wait3A_378 = arith.constant 0 : i32
      %dma_wait3A_379 = tpu.memref_slice %arg10[%run_scoped3A_184, %dma_wait3A_378] : memref<128x80xi32, #tpu.memory_space<vmem>> -> memref<1x80xi32, #tpu.memory_space<vmem>>
      %dma_wait3A_380 = tpu.memref_squeeze %dma_wait3A_379 : memref<1x80xi32, #tpu.memory_space<vmem>> -> memref<80xi32, #tpu.memory_space<vmem>>
      %dma_wait3A_381 = arith.constant 0 : i32
      %dma_wait3A_382 = arith.constant 0 : i32
      %dma_wait3A_383 = tpu.memref_slice %arg9[%dma_wait3A_381, %dma_wait3A_382] : memref<10000x128xf32, #tpu.memory_space<vmem_shared>> -> memref<10000x128xf32, #tpu.memory_space<vmem_shared>>
      tpu.wait_indirect_dma semaphore(%run_scoped3A_365 : memref<!tpu.dma_semaphore, #tpu.memory_space<semaphore_mem>>) src(%dma_wait3A_377 : memref<80x128xf32, #tpu.memory_space<vmem>>) dst(%dma_wait3A_383 : memref<10000x128xf32, #tpu.memory_space<vmem_shared>>)
      tpu.yield
    }) : () -> ()
    %add3A_185 = arith.constant 9920 : i32
    %add3A_186 = arith.addi %mul3A_2, %add3A_185 : i32
    "tpu.region"() ({
      %run_scoped3A_365 = tpu.sem_alloc : memref<!tpu.dma_semaphore, #tpu.memory_space<semaphore_mem>>
      %dma_start3A_366 = arith.constant 80 : i32
      %dma_start3A_367 = arith.constant 0 : i32
      %dma_start3A_368 = tpu.memref_slice %arg11[%dma_start3A_366, %dma_start3A_367] : memref<240x128xf32, #tpu.memory_space<vmem>> -> memref<80x128xf32, #tpu.memory_space<vmem>>
      %dma_start3A_369 = arith.constant 0 : i32
      %dma_start3A_370 = tpu.memref_slice %arg3[%add3A_186, %dma_start3A_369] : memref<320000x128xf32, #tpu.memory_space<hbm>> -> memref<80x128xf32, #tpu.memory_space<hbm>>
      %dma_start3A_371 = arith.constant 80 : i32
      %dma_start3A_372 = arith.constant 0 : i32
      %dma_start3A_373 = tpu.memref_slice %arg11[%dma_start3A_371, %dma_start3A_372] : memref<240x128xf32, #tpu.memory_space<vmem>> -> memref<80x128xf32, #tpu.memory_space<vmem>>
      %dma_start3A_374 = arith.constant 0 : i32
      %dma_start3A_375 = tpu.memref_slice %arg3[%add3A_186, %dma_start3A_374] : memref<320000x128xf32, #tpu.memory_space<hbm>> -> memref<80x128xf32, #tpu.memory_space<hbm>>
      tpu.enqueue_dma source(%dma_start3A_375 : memref<80x128xf32, #tpu.memory_space<hbm>>) target(%dma_start3A_373 : memref<80x128xf32, #tpu.memory_space<vmem>>) target_semaphore(%run_scoped3A_365 : memref<!tpu.dma_semaphore, #tpu.memory_space<semaphore_mem>>)
      %dma_wait3A_376 = arith.constant 80 : i32
      %dma_wait3A_377 = arith.constant 0 : i32
      %dma_wait3A_378 = tpu.memref_slice %arg11[%dma_wait3A_376, %dma_wait3A_377] : memref<240x128xf32, #tpu.memory_space<vmem>> -> memref<80x128xf32, #tpu.memory_space<vmem>>
      %dma_wait3A_379 = arith.constant 0 : i32
      %dma_wait3A_380 = tpu.memref_slice %arg3[%add3A_186, %dma_wait3A_379] : memref<320000x128xf32, #tpu.memory_space<hbm>> -> memref<80x128xf32, #tpu.memory_space<hbm>>
      %dma_wait3A_381 = arith.constant 80 : i32
      %dma_wait3A_382 = arith.constant 0 : i32
      %dma_wait3A_383 = tpu.memref_slice %arg11[%dma_wait3A_381, %dma_wait3A_382] : memref<240x128xf32, #tpu.memory_space<vmem>> -> memref<80x128xf32, #tpu.memory_space<vmem>>
      %dma_wait3A_384 = arith.constant 0 : i32
      %dma_wait3A_385 = tpu.memref_slice %arg3[%add3A_186, %dma_wait3A_384] : memref<320000x128xf32, #tpu.memory_space<hbm>> -> memref<80x128xf32, #tpu.memory_space<hbm>>
      tpu.wait_dma2 semaphore(%run_scoped3A_365 : memref<!tpu.dma_semaphore, #tpu.memory_space<semaphore_mem>>) src(%dma_wait3A_385 : memref<80x128xf32, #tpu.memory_space<hbm>>) dst(%dma_wait3A_383 : memref<80x128xf32, #tpu.memory_space<vmem>>)
      tpu.yield
    }) : () -> ()
    %run_scoped3A_187 = arith.constant 124 : i32
    "tpu.region"() ({
      %run_scoped3A_365 = tpu.sem_alloc : memref<!tpu.dma_semaphore, #tpu.memory_space<semaphore_mem>>
      %dma_start3A_366 = arith.constant 80 : i32
      %dma_start3A_367 = arith.constant 0 : i32
      %dma_start3A_368 = tpu.memref_slice %arg11[%dma_start3A_366, %dma_start3A_367] : memref<240x128xf32, #tpu.memory_space<vmem>> -> memref<80x128xf32, #tpu.memory_space<vmem>>
      %dma_start3A_369 = arith.constant 0 : i32
      %dma_start3A_370 = tpu.memref_slice %arg10[%run_scoped3A_187, %dma_start3A_369] : memref<128x80xi32, #tpu.memory_space<vmem>> -> memref<1x80xi32, #tpu.memory_space<vmem>>
      %dma_start3A_371 = tpu.memref_squeeze %dma_start3A_370 : memref<1x80xi32, #tpu.memory_space<vmem>> -> memref<80xi32, #tpu.memory_space<vmem>>
      %dma_start3A_372 = arith.constant 0 : i32
      %dma_start3A_373 = arith.constant 0 : i32
      %dma_start3A_374 = tpu.memref_slice %arg9[%dma_start3A_372, %dma_start3A_373] : memref<10000x128xf32, #tpu.memory_space<vmem_shared>> -> memref<10000x128xf32, #tpu.memory_space<vmem_shared>>
      tpu.enqueue_indirect_dma source(%dma_start3A_368 : memref<80x128xf32, #tpu.memory_space<vmem>>) target(%dma_start3A_374 : memref<10000x128xf32, #tpu.memory_space<vmem_shared>>) offsets(%dma_start3A_371 : memref<80xi32, #tpu.memory_space<vmem>>) semaphore(%run_scoped3A_365 : memref<!tpu.dma_semaphore, #tpu.memory_space<semaphore_mem>>) {add = true}
      %dma_wait3A_375 = arith.constant 80 : i32
      %dma_wait3A_376 = arith.constant 0 : i32
      %dma_wait3A_377 = tpu.memref_slice %arg11[%dma_wait3A_375, %dma_wait3A_376] : memref<240x128xf32, #tpu.memory_space<vmem>> -> memref<80x128xf32, #tpu.memory_space<vmem>>
      %dma_wait3A_378 = arith.constant 0 : i32
      %dma_wait3A_379 = tpu.memref_slice %arg10[%run_scoped3A_187, %dma_wait3A_378] : memref<128x80xi32, #tpu.memory_space<vmem>> -> memref<1x80xi32, #tpu.memory_space<vmem>>
      %dma_wait3A_380 = tpu.memref_squeeze %dma_wait3A_379 : memref<1x80xi32, #tpu.memory_space<vmem>> -> memref<80xi32, #tpu.memory_space<vmem>>
      %dma_wait3A_381 = arith.constant 0 : i32
      %dma_wait3A_382 = arith.constant 0 : i32
      %dma_wait3A_383 = tpu.memref_slice %arg9[%dma_wait3A_381, %dma_wait3A_382] : memref<10000x128xf32, #tpu.memory_space<vmem_shared>> -> memref<10000x128xf32, #tpu.memory_space<vmem_shared>>
      tpu.wait_indirect_dma semaphore(%run_scoped3A_365 : memref<!tpu.dma_semaphore, #tpu.memory_space<semaphore_mem>>) src(%dma_wait3A_377 : memref<80x128xf32, #tpu.memory_space<vmem>>) dst(%dma_wait3A_383 : memref<10000x128xf32, #tpu.memory_space<vmem_shared>>)
      tpu.yield
    }) : () -> ()
    %barrier3A_188 = arith.constant 0 : index
    tpu.barrier barrier_id(%barrier3A_188)
    %add3A_189 = arith.constant 0 : i32
    %add3A_190 = arith.addi %add3A_189, %arg1 : i32
    %lt3A_191 = arith.constant 125 : i32
    %lt3A_192 = arith.cmpi slt, %add3A_190, %lt3A_191 : i32
    %convert_element_type3A_193 = arith.extui %lt3A_192 : i1 to i32
    %cond3A_194 = arith.constant 0 : i32
    %cond3A_195 = arith.cmpi ne, %convert_element_type3A_193, %cond3A_194 : i32
    scf.if %cond3A_195 {
      %mul3A_365 = arith.constant 80 : i32
      %mul3A_366 = arith.muli %add3A_190, %mul3A_365 : i32
      "tpu.region"() ({
        %run_scoped3A_372 = tpu.sem_alloc : memref<!tpu.dma_semaphore, #tpu.memory_space<semaphore_mem>>
        %dma_start3A_373 = arith.constant 0 : i32
        %dma_start3A_374 = arith.constant 0 : i32
        %dma_start3A_375 = tpu.memref_slice %arg11[%dma_start3A_373, %dma_start3A_374] : memref<240x128xf32, #tpu.memory_space<vmem>> -> memref<80x128xf32, #tpu.memory_space<vmem>>
        %dma_start3A_376 = arith.constant 0 : i32
        %dma_start3A_377 = tpu.memref_slice %arg9[%mul3A_366, %dma_start3A_376] : memref<10000x128xf32, #tpu.memory_space<vmem_shared>> -> memref<80x128xf32, #tpu.memory_space<vmem_shared>>
        %dma_start3A_378 = arith.constant 0 : i32
        %dma_start3A_379 = arith.constant 0 : i32
        %dma_start3A_380 = tpu.memref_slice %arg11[%dma_start3A_378, %dma_start3A_379] : memref<240x128xf32, #tpu.memory_space<vmem>> -> memref<80x128xf32, #tpu.memory_space<vmem>>
        %dma_start3A_381 = arith.constant 0 : i32
        %dma_start3A_382 = tpu.memref_slice %arg9[%mul3A_366, %dma_start3A_381] : memref<10000x128xf32, #tpu.memory_space<vmem_shared>> -> memref<80x128xf32, #tpu.memory_space<vmem_shared>>
        tpu.enqueue_dma source(%dma_start3A_382 : memref<80x128xf32, #tpu.memory_space<vmem_shared>>) target(%dma_start3A_380 : memref<80x128xf32, #tpu.memory_space<vmem>>) target_semaphore(%run_scoped3A_372 : memref<!tpu.dma_semaphore, #tpu.memory_space<semaphore_mem>>)
        %dma_wait3A_383 = arith.constant 0 : i32
        %dma_wait3A_384 = arith.constant 0 : i32
        %dma_wait3A_385 = tpu.memref_slice %arg11[%dma_wait3A_383, %dma_wait3A_384] : memref<240x128xf32, #tpu.memory_space<vmem>> -> memref<80x128xf32, #tpu.memory_space<vmem>>
        %dma_wait3A_386 = arith.constant 0 : i32
        %dma_wait3A_387 = tpu.memref_slice %arg9[%mul3A_366, %dma_wait3A_386] : memref<10000x128xf32, #tpu.memory_space<vmem_shared>> -> memref<80x128xf32, #tpu.memory_space<vmem_shared>>
        %dma_wait3A_388 = arith.constant 0 : i32
        %dma_wait3A_389 = arith.constant 0 : i32
        %dma_wait3A_390 = tpu.memref_slice %arg11[%dma_wait3A_388, %dma_wait3A_389] : memref<240x128xf32, #tpu.memory_space<vmem>> -> memref<80x128xf32, #tpu.memory_space<vmem>>
        %dma_wait3A_391 = arith.constant 0 : i32
        %dma_wait3A_392 = tpu.memref_slice %arg9[%mul3A_366, %dma_wait3A_391] : memref<10000x128xf32, #tpu.memory_space<vmem_shared>> -> memref<80x128xf32, #tpu.memory_space<vmem_shared>>
        tpu.wait_dma2 semaphore(%run_scoped3A_372 : memref<!tpu.dma_semaphore, #tpu.memory_space<semaphore_mem>>) src(%dma_wait3A_392 : memref<80x128xf32, #tpu.memory_space<vmem_shared>>) dst(%dma_wait3A_390 : memref<80x128xf32, #tpu.memory_space<vmem>>)
        tpu.yield
      }) : () -> ()
      %mul3A_367 = arith.constant 10000 : i32
      %mul3A_368 = arith.muli %arg0, %mul3A_367 : i32
      %mul3A_369 = arith.constant 80 : i32
      %mul3A_370 = arith.muli %add3A_190, %mul3A_369 : i32
      %add3A_371 = arith.addi %mul3A_368, %mul3A_370 : i32
      "tpu.region"() ({
        %run_scoped3A_372 = tpu.sem_alloc : memref<!tpu.dma_semaphore, #tpu.memory_space<semaphore_mem>>
        %dma_start3A_373 = arith.constant 0 : i32
        %dma_start3A_374 = arith.constant 0 : i32
        %dma_start3A_375 = tpu.memref_slice %arg11[%dma_start3A_373, %dma_start3A_374] : memref<240x128xf32, #tpu.memory_space<vmem>> -> memref<80x128xf32, #tpu.memory_space<vmem>>
        %dma_start3A_376 = arith.constant 0 : i32
        %dma_start3A_377 = tpu.memref_slice %arg7[%add3A_371, %dma_start3A_376] : memref<20000x128xf32, #tpu.memory_space<hbm>> -> memref<80x128xf32, #tpu.memory_space<hbm>>
        %dma_start3A_378 = arith.constant 0 : i32
        %dma_start3A_379 = tpu.memref_slice %arg7[%add3A_371, %dma_start3A_378] : memref<20000x128xf32, #tpu.memory_space<hbm>> -> memref<80x128xf32, #tpu.memory_space<hbm>>
        %dma_start3A_380 = arith.constant 0 : i32
        %dma_start3A_381 = arith.constant 0 : i32
        %dma_start3A_382 = tpu.memref_slice %arg11[%dma_start3A_380, %dma_start3A_381] : memref<240x128xf32, #tpu.memory_space<vmem>> -> memref<80x128xf32, #tpu.memory_space<vmem>>
        tpu.enqueue_dma source(%dma_start3A_382 : memref<80x128xf32, #tpu.memory_space<vmem>>) target(%dma_start3A_379 : memref<80x128xf32, #tpu.memory_space<hbm>>) target_semaphore(%run_scoped3A_372 : memref<!tpu.dma_semaphore, #tpu.memory_space<semaphore_mem>>)
        %dma_wait3A_383 = arith.constant 0 : i32
        %dma_wait3A_384 = arith.constant 0 : i32
        %dma_wait3A_385 = tpu.memref_slice %arg11[%dma_wait3A_383, %dma_wait3A_384] : memref<240x128xf32, #tpu.memory_space<vmem>> -> memref<80x128xf32, #tpu.memory_space<vmem>>
        %dma_wait3A_386 = arith.constant 0 : i32
        %dma_wait3A_387 = tpu.memref_slice %arg7[%add3A_371, %dma_wait3A_386] : memref<20000x128xf32, #tpu.memory_space<hbm>> -> memref<80x128xf32, #tpu.memory_space<hbm>>
        %dma_wait3A_388 = arith.constant 0 : i32
        %dma_wait3A_389 = tpu.memref_slice %arg7[%add3A_371, %dma_wait3A_388] : memref<20000x128xf32, #tpu.memory_space<hbm>> -> memref<80x128xf32, #tpu.memory_space<hbm>>
        %dma_wait3A_390 = arith.constant 0 : i32
        %dma_wait3A_391 = arith.constant 0 : i32
        %dma_wait3A_392 = tpu.memref_slice %arg11[%dma_wait3A_390, %dma_wait3A_391] : memref<240x128xf32, #tpu.memory_space<vmem>> -> memref<80x128xf32, #tpu.memory_space<vmem>>
        tpu.wait_dma2 semaphore(%run_scoped3A_372 : memref<!tpu.dma_semaphore, #tpu.memory_space<semaphore_mem>>) src(%dma_wait3A_392 : memref<80x128xf32, #tpu.memory_space<vmem>>) dst(%dma_wait3A_389 : memref<80x128xf32, #tpu.memory_space<hbm>>)
        tpu.yield
      }) : () -> ()
    } else {
    }
    %add3A_196 = arith.constant 16 : i32
    %add3A_197 = arith.addi %add3A_196, %arg1 : i32
    %lt3A_198 = arith.constant 125 : i32
    %lt3A_199 = arith.cmpi slt, %add3A_197, %lt3A_198 : i32
    %convert_element_type3A_200 = arith.extui %lt3A_199 : i1 to i32
    %cond3A_201 = arith.constant 0 : i32
    %cond3A_202 = arith.cmpi ne, %convert_element_type3A_200, %cond3A_201 : i32
    scf.if %cond3A_202 {
      %mul3A_365 = arith.constant 80 : i32
      %mul3A_366 = arith.muli %add3A_197, %mul3A_365 : i32
      "tpu.region"() ({
        %run_scoped3A_372 = tpu.sem_alloc : memref<!tpu.dma_semaphore, #tpu.memory_space<semaphore_mem>>
        %dma_start3A_373 = arith.constant 0 : i32
        %dma_start3A_374 = arith.constant 0 : i32
        %dma_start3A_375 = tpu.memref_slice %arg11[%dma_start3A_373, %dma_start3A_374] : memref<240x128xf32, #tpu.memory_space<vmem>> -> memref<80x128xf32, #tpu.memory_space<vmem>>
        %dma_start3A_376 = arith.constant 0 : i32
        %dma_start3A_377 = tpu.memref_slice %arg9[%mul3A_366, %dma_start3A_376] : memref<10000x128xf32, #tpu.memory_space<vmem_shared>> -> memref<80x128xf32, #tpu.memory_space<vmem_shared>>
        %dma_start3A_378 = arith.constant 0 : i32
        %dma_start3A_379 = arith.constant 0 : i32
        %dma_start3A_380 = tpu.memref_slice %arg11[%dma_start3A_378, %dma_start3A_379] : memref<240x128xf32, #tpu.memory_space<vmem>> -> memref<80x128xf32, #tpu.memory_space<vmem>>
        %dma_start3A_381 = arith.constant 0 : i32
        %dma_start3A_382 = tpu.memref_slice %arg9[%mul3A_366, %dma_start3A_381] : memref<10000x128xf32, #tpu.memory_space<vmem_shared>> -> memref<80x128xf32, #tpu.memory_space<vmem_shared>>
        tpu.enqueue_dma source(%dma_start3A_382 : memref<80x128xf32, #tpu.memory_space<vmem_shared>>) target(%dma_start3A_380 : memref<80x128xf32, #tpu.memory_space<vmem>>) target_semaphore(%run_scoped3A_372 : memref<!tpu.dma_semaphore, #tpu.memory_space<semaphore_mem>>)
        %dma_wait3A_383 = arith.constant 0 : i32
        %dma_wait3A_384 = arith.constant 0 : i32
        %dma_wait3A_385 = tpu.memref_slice %arg11[%dma_wait3A_383, %dma_wait3A_384] : memref<240x128xf32, #tpu.memory_space<vmem>> -> memref<80x128xf32, #tpu.memory_space<vmem>>
        %dma_wait3A_386 = arith.constant 0 : i32
        %dma_wait3A_387 = tpu.memref_slice %arg9[%mul3A_366, %dma_wait3A_386] : memref<10000x128xf32, #tpu.memory_space<vmem_shared>> -> memref<80x128xf32, #tpu.memory_space<vmem_shared>>
        %dma_wait3A_388 = arith.constant 0 : i32
        %dma_wait3A_389 = arith.constant 0 : i32
        %dma_wait3A_390 = tpu.memref_slice %arg11[%dma_wait3A_388, %dma_wait3A_389] : memref<240x128xf32, #tpu.memory_space<vmem>> -> memref<80x128xf32, #tpu.memory_space<vmem>>
        %dma_wait3A_391 = arith.constant 0 : i32
        %dma_wait3A_392 = tpu.memref_slice %arg9[%mul3A_366, %dma_wait3A_391] : memref<10000x128xf32, #tpu.memory_space<vmem_shared>> -> memref<80x128xf32, #tpu.memory_space<vmem_shared>>
        tpu.wait_dma2 semaphore(%run_scoped3A_372 : memref<!tpu.dma_semaphore, #tpu.memory_space<semaphore_mem>>) src(%dma_wait3A_392 : memref<80x128xf32, #tpu.memory_space<vmem_shared>>) dst(%dma_wait3A_390 : memref<80x128xf32, #tpu.memory_space<vmem>>)
        tpu.yield
      }) : () -> ()
      %mul3A_367 = arith.constant 10000 : i32
      %mul3A_368 = arith.muli %arg0, %mul3A_367 : i32
      %mul3A_369 = arith.constant 80 : i32
      %mul3A_370 = arith.muli %add3A_197, %mul3A_369 : i32
      %add3A_371 = arith.addi %mul3A_368, %mul3A_370 : i32
      "tpu.region"() ({
        %run_scoped3A_372 = tpu.sem_alloc : memref<!tpu.dma_semaphore, #tpu.memory_space<semaphore_mem>>
        %dma_start3A_373 = arith.constant 0 : i32
        %dma_start3A_374 = arith.constant 0 : i32
        %dma_start3A_375 = tpu.memref_slice %arg11[%dma_start3A_373, %dma_start3A_374] : memref<240x128xf32, #tpu.memory_space<vmem>> -> memref<80x128xf32, #tpu.memory_space<vmem>>
        %dma_start3A_376 = arith.constant 0 : i32
        %dma_start3A_377 = tpu.memref_slice %arg7[%add3A_371, %dma_start3A_376] : memref<20000x128xf32, #tpu.memory_space<hbm>> -> memref<80x128xf32, #tpu.memory_space<hbm>>
        %dma_start3A_378 = arith.constant 0 : i32
        %dma_start3A_379 = tpu.memref_slice %arg7[%add3A_371, %dma_start3A_378] : memref<20000x128xf32, #tpu.memory_space<hbm>> -> memref<80x128xf32, #tpu.memory_space<hbm>>
        %dma_start3A_380 = arith.constant 0 : i32
        %dma_start3A_381 = arith.constant 0 : i32
        %dma_start3A_382 = tpu.memref_slice %arg11[%dma_start3A_380, %dma_start3A_381] : memref<240x128xf32, #tpu.memory_space<vmem>> -> memref<80x128xf32, #tpu.memory_space<vmem>>
        tpu.enqueue_dma source(%dma_start3A_382 : memref<80x128xf32, #tpu.memory_space<vmem>>) target(%dma_start3A_379 : memref<80x128xf32, #tpu.memory_space<hbm>>) target_semaphore(%run_scoped3A_372 : memref<!tpu.dma_semaphore, #tpu.memory_space<semaphore_mem>>)
        %dma_wait3A_383 = arith.constant 0 : i32
        %dma_wait3A_384 = arith.constant 0 : i32
        %dma_wait3A_385 = tpu.memref_slice %arg11[%dma_wait3A_383, %dma_wait3A_384] : memref<240x128xf32, #tpu.memory_space<vmem>> -> memref<80x128xf32, #tpu.memory_space<vmem>>
        %dma_wait3A_386 = arith.constant 0 : i32
        %dma_wait3A_387 = tpu.memref_slice %arg7[%add3A_371, %dma_wait3A_386] : memref<20000x128xf32, #tpu.memory_space<hbm>> -> memref<80x128xf32, #tpu.memory_space<hbm>>
        %dma_wait3A_388 = arith.constant 0 : i32
        %dma_wait3A_389 = tpu.memref_slice %arg7[%add3A_371, %dma_wait3A_388] : memref<20000x128xf32, #tpu.memory_space<hbm>> -> memref<80x128xf32, #tpu.memory_space<hbm>>
        %dma_wait3A_390 = arith.constant 0 : i32
        %dma_wait3A_391 = arith.constant 0 : i32
        %dma_wait3A_392 = tpu.memref_slice %arg11[%dma_wait3A_390, %dma_wait3A_391] : memref<240x128xf32, #tpu.memory_space<vmem>> -> memref<80x128xf32, #tpu.memory_space<vmem>>
        tpu.wait_dma2 semaphore(%run_scoped3A_372 : memref<!tpu.dma_semaphore, #tpu.memory_space<semaphore_mem>>) src(%dma_wait3A_392 : memref<80x128xf32, #tpu.memory_space<vmem>>) dst(%dma_wait3A_389 : memref<80x128xf32, #tpu.memory_space<hbm>>)
        tpu.yield
      }) : () -> ()
    } else {
    }
    %add3A_203 = arith.constant 32 : i32
    %add3A_204 = arith.addi %add3A_203, %arg1 : i32
    %lt3A_205 = arith.constant 125 : i32
    %lt3A_206 = arith.cmpi slt, %add3A_204, %lt3A_205 : i32
    %convert_element_type3A_207 = arith.extui %lt3A_206 : i1 to i32
    %cond3A_208 = arith.constant 0 : i32
    %cond3A_209 = arith.cmpi ne, %convert_element_type3A_207, %cond3A_208 : i32
    scf.if %cond3A_209 {
      %mul3A_365 = arith.constant 80 : i32
      %mul3A_366 = arith.muli %add3A_204, %mul3A_365 : i32
      "tpu.region"() ({
        %run_scoped3A_372 = tpu.sem_alloc : memref<!tpu.dma_semaphore, #tpu.memory_space<semaphore_mem>>
        %dma_start3A_373 = arith.constant 0 : i32
        %dma_start3A_374 = arith.constant 0 : i32
        %dma_start3A_375 = tpu.memref_slice %arg11[%dma_start3A_373, %dma_start3A_374] : memref<240x128xf32, #tpu.memory_space<vmem>> -> memref<80x128xf32, #tpu.memory_space<vmem>>
        %dma_start3A_376 = arith.constant 0 : i32
        %dma_start3A_377 = tpu.memref_slice %arg9[%mul3A_366, %dma_start3A_376] : memref<10000x128xf32, #tpu.memory_space<vmem_shared>> -> memref<80x128xf32, #tpu.memory_space<vmem_shared>>
        %dma_start3A_378 = arith.constant 0 : i32
        %dma_start3A_379 = arith.constant 0 : i32
        %dma_start3A_380 = tpu.memref_slice %arg11[%dma_start3A_378, %dma_start3A_379] : memref<240x128xf32, #tpu.memory_space<vmem>> -> memref<80x128xf32, #tpu.memory_space<vmem>>
        %dma_start3A_381 = arith.constant 0 : i32
        %dma_start3A_382 = tpu.memref_slice %arg9[%mul3A_366, %dma_start3A_381] : memref<10000x128xf32, #tpu.memory_space<vmem_shared>> -> memref<80x128xf32, #tpu.memory_space<vmem_shared>>
        tpu.enqueue_dma source(%dma_start3A_382 : memref<80x128xf32, #tpu.memory_space<vmem_shared>>) target(%dma_start3A_380 : memref<80x128xf32, #tpu.memory_space<vmem>>) target_semaphore(%run_scoped3A_372 : memref<!tpu.dma_semaphore, #tpu.memory_space<semaphore_mem>>)
        %dma_wait3A_383 = arith.constant 0 : i32
        %dma_wait3A_384 = arith.constant 0 : i32
        %dma_wait3A_385 = tpu.memref_slice %arg11[%dma_wait3A_383, %dma_wait3A_384] : memref<240x128xf32, #tpu.memory_space<vmem>> -> memref<80x128xf32, #tpu.memory_space<vmem>>
        %dma_wait3A_386 = arith.constant 0 : i32
        %dma_wait3A_387 = tpu.memref_slice %arg9[%mul3A_366, %dma_wait3A_386] : memref<10000x128xf32, #tpu.memory_space<vmem_shared>> -> memref<80x128xf32, #tpu.memory_space<vmem_shared>>
        %dma_wait3A_388 = arith.constant 0 : i32
        %dma_wait3A_389 = arith.constant 0 : i32
        %dma_wait3A_390 = tpu.memref_slice %arg11[%dma_wait3A_388, %dma_wait3A_389] : memref<240x128xf32, #tpu.memory_space<vmem>> -> memref<80x128xf32, #tpu.memory_space<vmem>>
        %dma_wait3A_391 = arith.constant 0 : i32
        %dma_wait3A_392 = tpu.memref_slice %arg9[%mul3A_366, %dma_wait3A_391] : memref<10000x128xf32, #tpu.memory_space<vmem_shared>> -> memref<80x128xf32, #tpu.memory_space<vmem_shared>>
        tpu.wait_dma2 semaphore(%run_scoped3A_372 : memref<!tpu.dma_semaphore, #tpu.memory_space<semaphore_mem>>) src(%dma_wait3A_392 : memref<80x128xf32, #tpu.memory_space<vmem_shared>>) dst(%dma_wait3A_390 : memref<80x128xf32, #tpu.memory_space<vmem>>)
        tpu.yield
      }) : () -> ()
      %mul3A_367 = arith.constant 10000 : i32
      %mul3A_368 = arith.muli %arg0, %mul3A_367 : i32
      %mul3A_369 = arith.constant 80 : i32
      %mul3A_370 = arith.muli %add3A_204, %mul3A_369 : i32
      %add3A_371 = arith.addi %mul3A_368, %mul3A_370 : i32
      "tpu.region"() ({
        %run_scoped3A_372 = tpu.sem_alloc : memref<!tpu.dma_semaphore, #tpu.memory_space<semaphore_mem>>
        %dma_start3A_373 = arith.constant 0 : i32
        %dma_start3A_374 = arith.constant 0 : i32
        %dma_start3A_375 = tpu.memref_slice %arg11[%dma_start3A_373, %dma_start3A_374] : memref<240x128xf32, #tpu.memory_space<vmem>> -> memref<80x128xf32, #tpu.memory_space<vmem>>
        %dma_start3A_376 = arith.constant 0 : i32
        %dma_start3A_377 = tpu.memref_slice %arg7[%add3A_371, %dma_start3A_376] : memref<20000x128xf32, #tpu.memory_space<hbm>> -> memref<80x128xf32, #tpu.memory_space<hbm>>
        %dma_start3A_378 = arith.constant 0 : i32
        %dma_start3A_379 = tpu.memref_slice %arg7[%add3A_371, %dma_start3A_378] : memref<20000x128xf32, #tpu.memory_space<hbm>> -> memref<80x128xf32, #tpu.memory_space<hbm>>
        %dma_start3A_380 = arith.constant 0 : i32
        %dma_start3A_381 = arith.constant 0 : i32
        %dma_start3A_382 = tpu.memref_slice %arg11[%dma_start3A_380, %dma_start3A_381] : memref<240x128xf32, #tpu.memory_space<vmem>> -> memref<80x128xf32, #tpu.memory_space<vmem>>
        tpu.enqueue_dma source(%dma_start3A_382 : memref<80x128xf32, #tpu.memory_space<vmem>>) target(%dma_start3A_379 : memref<80x128xf32, #tpu.memory_space<hbm>>) target_semaphore(%run_scoped3A_372 : memref<!tpu.dma_semaphore, #tpu.memory_space<semaphore_mem>>)
        %dma_wait3A_383 = arith.constant 0 : i32
        %dma_wait3A_384 = arith.constant 0 : i32
        %dma_wait3A_385 = tpu.memref_slice %arg11[%dma_wait3A_383, %dma_wait3A_384] : memref<240x128xf32, #tpu.memory_space<vmem>> -> memref<80x128xf32, #tpu.memory_space<vmem>>
        %dma_wait3A_386 = arith.constant 0 : i32
        %dma_wait3A_387 = tpu.memref_slice %arg7[%add3A_371, %dma_wait3A_386] : memref<20000x128xf32, #tpu.memory_space<hbm>> -> memref<80x128xf32, #tpu.memory_space<hbm>>
        %dma_wait3A_388 = arith.constant 0 : i32
        %dma_wait3A_389 = tpu.memref_slice %arg7[%add3A_371, %dma_wait3A_388] : memref<20000x128xf32, #tpu.memory_space<hbm>> -> memref<80x128xf32, #tpu.memory_space<hbm>>
        %dma_wait3A_390 = arith.constant 0 : i32
        %dma_wait3A_391 = arith.constant 0 : i32
        %dma_wait3A_392 = tpu.memref_slice %arg11[%dma_wait3A_390, %dma_wait3A_391] : memref<240x128xf32, #tpu.memory_space<vmem>> -> memref<80x128xf32, #tpu.memory_space<vmem>>
        tpu.wait_dma2 semaphore(%run_scoped3A_372 : memref<!tpu.dma_semaphore, #tpu.memory_space<semaphore_mem>>) src(%dma_wait3A_392 : memref<80x128xf32, #tpu.memory_space<vmem>>) dst(%dma_wait3A_389 : memref<80x128xf32, #tpu.memory_space<hbm>>)
        tpu.yield
      }) : () -> ()
    } else {
    }
    %add3A_210 = arith.constant 48 : i32
    %add3A_211 = arith.addi %add3A_210, %arg1 : i32
    %lt3A_212 = arith.constant 125 : i32
    %lt3A_213 = arith.cmpi slt, %add3A_211, %lt3A_212 : i32
    %convert_element_type3A_214 = arith.extui %lt3A_213 : i1 to i32
    %cond3A_215 = arith.constant 0 : i32
    %cond3A_216 = arith.cmpi ne, %convert_element_type3A_214, %cond3A_215 : i32
    scf.if %cond3A_216 {
      %mul3A_365 = arith.constant 80 : i32
      %mul3A_366 = arith.muli %add3A_211, %mul3A_365 : i32
      "tpu.region"() ({
        %run_scoped3A_372 = tpu.sem_alloc : memref<!tpu.dma_semaphore, #tpu.memory_space<semaphore_mem>>
        %dma_start3A_373 = arith.constant 0 : i32
        %dma_start3A_374 = arith.constant 0 : i32
        %dma_start3A_375 = tpu.memref_slice %arg11[%dma_start3A_373, %dma_start3A_374] : memref<240x128xf32, #tpu.memory_space<vmem>> -> memref<80x128xf32, #tpu.memory_space<vmem>>
        %dma_start3A_376 = arith.constant 0 : i32
        %dma_start3A_377 = tpu.memref_slice %arg9[%mul3A_366, %dma_start3A_376] : memref<10000x128xf32, #tpu.memory_space<vmem_shared>> -> memref<80x128xf32, #tpu.memory_space<vmem_shared>>
        %dma_start3A_378 = arith.constant 0 : i32
        %dma_start3A_379 = arith.constant 0 : i32
        %dma_start3A_380 = tpu.memref_slice %arg11[%dma_start3A_378, %dma_start3A_379] : memref<240x128xf32, #tpu.memory_space<vmem>> -> memref<80x128xf32, #tpu.memory_space<vmem>>
        %dma_start3A_381 = arith.constant 0 : i32
        %dma_start3A_382 = tpu.memref_slice %arg9[%mul3A_366, %dma_start3A_381] : memref<10000x128xf32, #tpu.memory_space<vmem_shared>> -> memref<80x128xf32, #tpu.memory_space<vmem_shared>>
        tpu.enqueue_dma source(%dma_start3A_382 : memref<80x128xf32, #tpu.memory_space<vmem_shared>>) target(%dma_start3A_380 : memref<80x128xf32, #tpu.memory_space<vmem>>) target_semaphore(%run_scoped3A_372 : memref<!tpu.dma_semaphore, #tpu.memory_space<semaphore_mem>>)
        %dma_wait3A_383 = arith.constant 0 : i32
        %dma_wait3A_384 = arith.constant 0 : i32
        %dma_wait3A_385 = tpu.memref_slice %arg11[%dma_wait3A_383, %dma_wait3A_384] : memref<240x128xf32, #tpu.memory_space<vmem>> -> memref<80x128xf32, #tpu.memory_space<vmem>>
        %dma_wait3A_386 = arith.constant 0 : i32
        %dma_wait3A_387 = tpu.memref_slice %arg9[%mul3A_366, %dma_wait3A_386] : memref<10000x128xf32, #tpu.memory_space<vmem_shared>> -> memref<80x128xf32, #tpu.memory_space<vmem_shared>>
        %dma_wait3A_388 = arith.constant 0 : i32
        %dma_wait3A_389 = arith.constant 0 : i32
        %dma_wait3A_390 = tpu.memref_slice %arg11[%dma_wait3A_388, %dma_wait3A_389] : memref<240x128xf32, #tpu.memory_space<vmem>> -> memref<80x128xf32, #tpu.memory_space<vmem>>
        %dma_wait3A_391 = arith.constant 0 : i32
        %dma_wait3A_392 = tpu.memref_slice %arg9[%mul3A_366, %dma_wait3A_391] : memref<10000x128xf32, #tpu.memory_space<vmem_shared>> -> memref<80x128xf32, #tpu.memory_space<vmem_shared>>
        tpu.wait_dma2 semaphore(%run_scoped3A_372 : memref<!tpu.dma_semaphore, #tpu.memory_space<semaphore_mem>>) src(%dma_wait3A_392 : memref<80x128xf32, #tpu.memory_space<vmem_shared>>) dst(%dma_wait3A_390 : memref<80x128xf32, #tpu.memory_space<vmem>>)
        tpu.yield
      }) : () -> ()
      %mul3A_367 = arith.constant 10000 : i32
      %mul3A_368 = arith.muli %arg0, %mul3A_367 : i32
      %mul3A_369 = arith.constant 80 : i32
      %mul3A_370 = arith.muli %add3A_211, %mul3A_369 : i32
      %add3A_371 = arith.addi %mul3A_368, %mul3A_370 : i32
      "tpu.region"() ({
        %run_scoped3A_372 = tpu.sem_alloc : memref<!tpu.dma_semaphore, #tpu.memory_space<semaphore_mem>>
        %dma_start3A_373 = arith.constant 0 : i32
        %dma_start3A_374 = arith.constant 0 : i32
        %dma_start3A_375 = tpu.memref_slice %arg11[%dma_start3A_373, %dma_start3A_374] : memref<240x128xf32, #tpu.memory_space<vmem>> -> memref<80x128xf32, #tpu.memory_space<vmem>>
        %dma_start3A_376 = arith.constant 0 : i32
        %dma_start3A_377 = tpu.memref_slice %arg7[%add3A_371, %dma_start3A_376] : memref<20000x128xf32, #tpu.memory_space<hbm>> -> memref<80x128xf32, #tpu.memory_space<hbm>>
        %dma_start3A_378 = arith.constant 0 : i32
        %dma_start3A_379 = tpu.memref_slice %arg7[%add3A_371, %dma_start3A_378] : memref<20000x128xf32, #tpu.memory_space<hbm>> -> memref<80x128xf32, #tpu.memory_space<hbm>>
        %dma_start3A_380 = arith.constant 0 : i32
        %dma_start3A_381 = arith.constant 0 : i32
        %dma_start3A_382 = tpu.memref_slice %arg11[%dma_start3A_380, %dma_start3A_381] : memref<240x128xf32, #tpu.memory_space<vmem>> -> memref<80x128xf32, #tpu.memory_space<vmem>>
        tpu.enqueue_dma source(%dma_start3A_382 : memref<80x128xf32, #tpu.memory_space<vmem>>) target(%dma_start3A_379 : memref<80x128xf32, #tpu.memory_space<hbm>>) target_semaphore(%run_scoped3A_372 : memref<!tpu.dma_semaphore, #tpu.memory_space<semaphore_mem>>)
        %dma_wait3A_383 = arith.constant 0 : i32
        %dma_wait3A_384 = arith.constant 0 : i32
        %dma_wait3A_385 = tpu.memref_slice %arg11[%dma_wait3A_383, %dma_wait3A_384] : memref<240x128xf32, #tpu.memory_space<vmem>> -> memref<80x128xf32, #tpu.memory_space<vmem>>
        %dma_wait3A_386 = arith.constant 0 : i32
        %dma_wait3A_387 = tpu.memref_slice %arg7[%add3A_371, %dma_wait3A_386] : memref<20000x128xf32, #tpu.memory_space<hbm>> -> memref<80x128xf32, #tpu.memory_space<hbm>>
        %dma_wait3A_388 = arith.constant 0 : i32
        %dma_wait3A_389 = tpu.memref_slice %arg7[%add3A_371, %dma_wait3A_388] : memref<20000x128xf32, #tpu.memory_space<hbm>> -> memref<80x128xf32, #tpu.memory_space<hbm>>
        %dma_wait3A_390 = arith.constant 0 : i32
        %dma_wait3A_391 = arith.constant 0 : i32
        %dma_wait3A_392 = tpu.memref_slice %arg11[%dma_wait3A_390, %dma_wait3A_391] : memref<240x128xf32, #tpu.memory_space<vmem>> -> memref<80x128xf32, #tpu.memory_space<vmem>>
        tpu.wait_dma2 semaphore(%run_scoped3A_372 : memref<!tpu.dma_semaphore, #tpu.memory_space<semaphore_mem>>) src(%dma_wait3A_392 : memref<80x128xf32, #tpu.memory_space<vmem>>) dst(%dma_wait3A_389 : memref<80x128xf32, #tpu.memory_space<hbm>>)
        tpu.yield
      }) : () -> ()
    } else {
    }
    %add3A_217 = arith.constant 64 : i32
    %add3A_218 = arith.addi %add3A_217, %arg1 : i32
    %lt3A_219 = arith.constant 125 : i32
    %lt3A_220 = arith.cmpi slt, %add3A_218, %lt3A_219 : i32
    %convert_element_type3A_221 = arith.extui %lt3A_220 : i1 to i32
    %cond3A_222 = arith.constant 0 : i32
    %cond3A_223 = arith.cmpi ne, %convert_element_type3A_221, %cond3A_222 : i32
    scf.if %cond3A_223 {
      %mul3A_365 = arith.constant 80 : i32
      %mul3A_366 = arith.muli %add3A_218, %mul3A_365 : i32
      "tpu.region"() ({
        %run_scoped3A_372 = tpu.sem_alloc : memref<!tpu.dma_semaphore, #tpu.memory_space<semaphore_mem>>
        %dma_start3A_373 = arith.constant 0 : i32
        %dma_start3A_374 = arith.constant 0 : i32
        %dma_start3A_375 = tpu.memref_slice %arg11[%dma_start3A_373, %dma_start3A_374] : memref<240x128xf32, #tpu.memory_space<vmem>> -> memref<80x128xf32, #tpu.memory_space<vmem>>
        %dma_start3A_376 = arith.constant 0 : i32
        %dma_start3A_377 = tpu.memref_slice %arg9[%mul3A_366, %dma_start3A_376] : memref<10000x128xf32, #tpu.memory_space<vmem_shared>> -> memref<80x128xf32, #tpu.memory_space<vmem_shared>>
        %dma_start3A_378 = arith.constant 0 : i32
        %dma_start3A_379 = arith.constant 0 : i32
        %dma_start3A_380 = tpu.memref_slice %arg11[%dma_start3A_378, %dma_start3A_379] : memref<240x128xf32, #tpu.memory_space<vmem>> -> memref<80x128xf32, #tpu.memory_space<vmem>>
        %dma_start3A_381 = arith.constant 0 : i32
        %dma_start3A_382 = tpu.memref_slice %arg9[%mul3A_366, %dma_start3A_381] : memref<10000x128xf32, #tpu.memory_space<vmem_shared>> -> memref<80x128xf32, #tpu.memory_space<vmem_shared>>
        tpu.enqueue_dma source(%dma_start3A_382 : memref<80x128xf32, #tpu.memory_space<vmem_shared>>) target(%dma_start3A_380 : memref<80x128xf32, #tpu.memory_space<vmem>>) target_semaphore(%run_scoped3A_372 : memref<!tpu.dma_semaphore, #tpu.memory_space<semaphore_mem>>)
        %dma_wait3A_383 = arith.constant 0 : i32
        %dma_wait3A_384 = arith.constant 0 : i32
        %dma_wait3A_385 = tpu.memref_slice %arg11[%dma_wait3A_383, %dma_wait3A_384] : memref<240x128xf32, #tpu.memory_space<vmem>> -> memref<80x128xf32, #tpu.memory_space<vmem>>
        %dma_wait3A_386 = arith.constant 0 : i32
        %dma_wait3A_387 = tpu.memref_slice %arg9[%mul3A_366, %dma_wait3A_386] : memref<10000x128xf32, #tpu.memory_space<vmem_shared>> -> memref<80x128xf32, #tpu.memory_space<vmem_shared>>
        %dma_wait3A_388 = arith.constant 0 : i32
        %dma_wait3A_389 = arith.constant 0 : i32
        %dma_wait3A_390 = tpu.memref_slice %arg11[%dma_wait3A_388, %dma_wait3A_389] : memref<240x128xf32, #tpu.memory_space<vmem>> -> memref<80x128xf32, #tpu.memory_space<vmem>>
        %dma_wait3A_391 = arith.constant 0 : i32
        %dma_wait3A_392 = tpu.memref_slice %arg9[%mul3A_366, %dma_wait3A_391] : memref<10000x128xf32, #tpu.memory_space<vmem_shared>> -> memref<80x128xf32, #tpu.memory_space<vmem_shared>>
        tpu.wait_dma2 semaphore(%run_scoped3A_372 : memref<!tpu.dma_semaphore, #tpu.memory_space<semaphore_mem>>) src(%dma_wait3A_392 : memref<80x128xf32, #tpu.memory_space<vmem_shared>>) dst(%dma_wait3A_390 : memref<80x128xf32, #tpu.memory_space<vmem>>)
        tpu.yield
      }) : () -> ()
      %mul3A_367 = arith.constant 10000 : i32
      %mul3A_368 = arith.muli %arg0, %mul3A_367 : i32
      %mul3A_369 = arith.constant 80 : i32
      %mul3A_370 = arith.muli %add3A_218, %mul3A_369 : i32
      %add3A_371 = arith.addi %mul3A_368, %mul3A_370 : i32
      "tpu.region"() ({
        %run_scoped3A_372 = tpu.sem_alloc : memref<!tpu.dma_semaphore, #tpu.memory_space<semaphore_mem>>
        %dma_start3A_373 = arith.constant 0 : i32
        %dma_start3A_374 = arith.constant 0 : i32
        %dma_start3A_375 = tpu.memref_slice %arg11[%dma_start3A_373, %dma_start3A_374] : memref<240x128xf32, #tpu.memory_space<vmem>> -> memref<80x128xf32, #tpu.memory_space<vmem>>
        %dma_start3A_376 = arith.constant 0 : i32
        %dma_start3A_377 = tpu.memref_slice %arg7[%add3A_371, %dma_start3A_376] : memref<20000x128xf32, #tpu.memory_space<hbm>> -> memref<80x128xf32, #tpu.memory_space<hbm>>
        %dma_start3A_378 = arith.constant 0 : i32
        %dma_start3A_379 = tpu.memref_slice %arg7[%add3A_371, %dma_start3A_378] : memref<20000x128xf32, #tpu.memory_space<hbm>> -> memref<80x128xf32, #tpu.memory_space<hbm>>
        %dma_start3A_380 = arith.constant 0 : i32
        %dma_start3A_381 = arith.constant 0 : i32
        %dma_start3A_382 = tpu.memref_slice %arg11[%dma_start3A_380, %dma_start3A_381] : memref<240x128xf32, #tpu.memory_space<vmem>> -> memref<80x128xf32, #tpu.memory_space<vmem>>
        tpu.enqueue_dma source(%dma_start3A_382 : memref<80x128xf32, #tpu.memory_space<vmem>>) target(%dma_start3A_379 : memref<80x128xf32, #tpu.memory_space<hbm>>) target_semaphore(%run_scoped3A_372 : memref<!tpu.dma_semaphore, #tpu.memory_space<semaphore_mem>>)
        %dma_wait3A_383 = arith.constant 0 : i32
        %dma_wait3A_384 = arith.constant 0 : i32
        %dma_wait3A_385 = tpu.memref_slice %arg11[%dma_wait3A_383, %dma_wait3A_384] : memref<240x128xf32, #tpu.memory_space<vmem>> -> memref<80x128xf32, #tpu.memory_space<vmem>>
        %dma_wait3A_386 = arith.constant 0 : i32
        %dma_wait3A_387 = tpu.memref_slice %arg7[%add3A_371, %dma_wait3A_386] : memref<20000x128xf32, #tpu.memory_space<hbm>> -> memref<80x128xf32, #tpu.memory_space<hbm>>
        %dma_wait3A_388 = arith.constant 0 : i32
        %dma_wait3A_389 = tpu.memref_slice %arg7[%add3A_371, %dma_wait3A_388] : memref<20000x128xf32, #tpu.memory_space<hbm>> -> memref<80x128xf32, #tpu.memory_space<hbm>>
        %dma_wait3A_390 = arith.constant 0 : i32
        %dma_wait3A_391 = arith.constant 0 : i32
        %dma_wait3A_392 = tpu.memref_slice %arg11[%dma_wait3A_390, %dma_wait3A_391] : memref<240x128xf32, #tpu.memory_space<vmem>> -> memref<80x128xf32, #tpu.memory_space<vmem>>
        tpu.wait_dma2 semaphore(%run_scoped3A_372 : memref<!tpu.dma_semaphore, #tpu.memory_space<semaphore_mem>>) src(%dma_wait3A_392 : memref<80x128xf32, #tpu.memory_space<vmem>>) dst(%dma_wait3A_389 : memref<80x128xf32, #tpu.memory_space<hbm>>)
        tpu.yield
      }) : () -> ()
    } else {
    }
    %add3A_224 = arith.constant 80 : i32
    %add3A_225 = arith.addi %add3A_224, %arg1 : i32
    %lt3A_226 = arith.constant 125 : i32
    %lt3A_227 = arith.cmpi slt, %add3A_225, %lt3A_226 : i32
    %convert_element_type3A_228 = arith.extui %lt3A_227 : i1 to i32
    %cond3A_229 = arith.constant 0 : i32
    %cond3A_230 = arith.cmpi ne, %convert_element_type3A_228, %cond3A_229 : i32
    scf.if %cond3A_230 {
      %mul3A_365 = arith.constant 80 : i32
      %mul3A_366 = arith.muli %add3A_225, %mul3A_365 : i32
      "tpu.region"() ({
        %run_scoped3A_372 = tpu.sem_alloc : memref<!tpu.dma_semaphore, #tpu.memory_space<semaphore_mem>>
        %dma_start3A_373 = arith.constant 0 : i32
        %dma_start3A_374 = arith.constant 0 : i32
        %dma_start3A_375 = tpu.memref_slice %arg11[%dma_start3A_373, %dma_start3A_374] : memref<240x128xf32, #tpu.memory_space<vmem>> -> memref<80x128xf32, #tpu.memory_space<vmem>>
        %dma_start3A_376 = arith.constant 0 : i32
        %dma_start3A_377 = tpu.memref_slice %arg9[%mul3A_366, %dma_start3A_376] : memref<10000x128xf32, #tpu.memory_space<vmem_shared>> -> memref<80x128xf32, #tpu.memory_space<vmem_shared>>
        %dma_start3A_378 = arith.constant 0 : i32
        %dma_start3A_379 = arith.constant 0 : i32
        %dma_start3A_380 = tpu.memref_slice %arg11[%dma_start3A_378, %dma_start3A_379] : memref<240x128xf32, #tpu.memory_space<vmem>> -> memref<80x128xf32, #tpu.memory_space<vmem>>
        %dma_start3A_381 = arith.constant 0 : i32
        %dma_start3A_382 = tpu.memref_slice %arg9[%mul3A_366, %dma_start3A_381] : memref<10000x128xf32, #tpu.memory_space<vmem_shared>> -> memref<80x128xf32, #tpu.memory_space<vmem_shared>>
        tpu.enqueue_dma source(%dma_start3A_382 : memref<80x128xf32, #tpu.memory_space<vmem_shared>>) target(%dma_start3A_380 : memref<80x128xf32, #tpu.memory_space<vmem>>) target_semaphore(%run_scoped3A_372 : memref<!tpu.dma_semaphore, #tpu.memory_space<semaphore_mem>>)
        %dma_wait3A_383 = arith.constant 0 : i32
        %dma_wait3A_384 = arith.constant 0 : i32
        %dma_wait3A_385 = tpu.memref_slice %arg11[%dma_wait3A_383, %dma_wait3A_384] : memref<240x128xf32, #tpu.memory_space<vmem>> -> memref<80x128xf32, #tpu.memory_space<vmem>>
        %dma_wait3A_386 = arith.constant 0 : i32
        %dma_wait3A_387 = tpu.memref_slice %arg9[%mul3A_366, %dma_wait3A_386] : memref<10000x128xf32, #tpu.memory_space<vmem_shared>> -> memref<80x128xf32, #tpu.memory_space<vmem_shared>>
        %dma_wait3A_388 = arith.constant 0 : i32
        %dma_wait3A_389 = arith.constant 0 : i32
        %dma_wait3A_390 = tpu.memref_slice %arg11[%dma_wait3A_388, %dma_wait3A_389] : memref<240x128xf32, #tpu.memory_space<vmem>> -> memref<80x128xf32, #tpu.memory_space<vmem>>
        %dma_wait3A_391 = arith.constant 0 : i32
        %dma_wait3A_392 = tpu.memref_slice %arg9[%mul3A_366, %dma_wait3A_391] : memref<10000x128xf32, #tpu.memory_space<vmem_shared>> -> memref<80x128xf32, #tpu.memory_space<vmem_shared>>
        tpu.wait_dma2 semaphore(%run_scoped3A_372 : memref<!tpu.dma_semaphore, #tpu.memory_space<semaphore_mem>>) src(%dma_wait3A_392 : memref<80x128xf32, #tpu.memory_space<vmem_shared>>) dst(%dma_wait3A_390 : memref<80x128xf32, #tpu.memory_space<vmem>>)
        tpu.yield
      }) : () -> ()
      %mul3A_367 = arith.constant 10000 : i32
      %mul3A_368 = arith.muli %arg0, %mul3A_367 : i32
      %mul3A_369 = arith.constant 80 : i32
      %mul3A_370 = arith.muli %add3A_225, %mul3A_369 : i32
      %add3A_371 = arith.addi %mul3A_368, %mul3A_370 : i32
      "tpu.region"() ({
        %run_scoped3A_372 = tpu.sem_alloc : memref<!tpu.dma_semaphore, #tpu.memory_space<semaphore_mem>>
        %dma_start3A_373 = arith.constant 0 : i32
        %dma_start3A_374 = arith.constant 0 : i32
        %dma_start3A_375 = tpu.memref_slice %arg11[%dma_start3A_373, %dma_start3A_374] : memref<240x128xf32, #tpu.memory_space<vmem>> -> memref<80x128xf32, #tpu.memory_space<vmem>>
        %dma_start3A_376 = arith.constant 0 : i32
        %dma_start3A_377 = tpu.memref_slice %arg7[%add3A_371, %dma_start3A_376] : memref<20000x128xf32, #tpu.memory_space<hbm>> -> memref<80x128xf32, #tpu.memory_space<hbm>>
        %dma_start3A_378 = arith.constant 0 : i32
        %dma_start3A_379 = tpu.memref_slice %arg7[%add3A_371, %dma_start3A_378] : memref<20000x128xf32, #tpu.memory_space<hbm>> -> memref<80x128xf32, #tpu.memory_space<hbm>>
        %dma_start3A_380 = arith.constant 0 : i32
        %dma_start3A_381 = arith.constant 0 : i32
        %dma_start3A_382 = tpu.memref_slice %arg11[%dma_start3A_380, %dma_start3A_381] : memref<240x128xf32, #tpu.memory_space<vmem>> -> memref<80x128xf32, #tpu.memory_space<vmem>>
        tpu.enqueue_dma source(%dma_start3A_382 : memref<80x128xf32, #tpu.memory_space<vmem>>) target(%dma_start3A_379 : memref<80x128xf32, #tpu.memory_space<hbm>>) target_semaphore(%run_scoped3A_372 : memref<!tpu.dma_semaphore, #tpu.memory_space<semaphore_mem>>)
        %dma_wait3A_383 = arith.constant 0 : i32
        %dma_wait3A_384 = arith.constant 0 : i32
        %dma_wait3A_385 = tpu.memref_slice %arg11[%dma_wait3A_383, %dma_wait3A_384] : memref<240x128xf32, #tpu.memory_space<vmem>> -> memref<80x128xf32, #tpu.memory_space<vmem>>
        %dma_wait3A_386 = arith.constant 0 : i32
        %dma_wait3A_387 = tpu.memref_slice %arg7[%add3A_371, %dma_wait3A_386] : memref<20000x128xf32, #tpu.memory_space<hbm>> -> memref<80x128xf32, #tpu.memory_space<hbm>>
        %dma_wait3A_388 = arith.constant 0 : i32
        %dma_wait3A_389 = tpu.memref_slice %arg7[%add3A_371, %dma_wait3A_388] : memref<20000x128xf32, #tpu.memory_space<hbm>> -> memref<80x128xf32, #tpu.memory_space<hbm>>
        %dma_wait3A_390 = arith.constant 0 : i32
        %dma_wait3A_391 = arith.constant 0 : i32
        %dma_wait3A_392 = tpu.memref_slice %arg11[%dma_wait3A_390, %dma_wait3A_391] : memref<240x128xf32, #tpu.memory_space<vmem>> -> memref<80x128xf32, #tpu.memory_space<vmem>>
        tpu.wait_dma2 semaphore(%run_scoped3A_372 : memref<!tpu.dma_semaphore, #tpu.memory_space<semaphore_mem>>) src(%dma_wait3A_392 : memref<80x128xf32, #tpu.memory_space<vmem>>) dst(%dma_wait3A_389 : memref<80x128xf32, #tpu.memory_space<hbm>>)
        tpu.yield
      }) : () -> ()
    } else {
    }
    %add3A_231 = arith.constant 96 : i32
    %add3A_232 = arith.addi %add3A_231, %arg1 : i32
    %lt3A_233 = arith.constant 125 : i32
    %lt3A_234 = arith.cmpi slt, %add3A_232, %lt3A_233 : i32
    %convert_element_type3A_235 = arith.extui %lt3A_234 : i1 to i32
    %cond3A_236 = arith.constant 0 : i32
    %cond3A_237 = arith.cmpi ne, %convert_element_type3A_235, %cond3A_236 : i32
    scf.if %cond3A_237 {
      %mul3A_365 = arith.constant 80 : i32
      %mul3A_366 = arith.muli %add3A_232, %mul3A_365 : i32
      "tpu.region"() ({
        %run_scoped3A_372 = tpu.sem_alloc : memref<!tpu.dma_semaphore, #tpu.memory_space<semaphore_mem>>
        %dma_start3A_373 = arith.constant 0 : i32
        %dma_start3A_374 = arith.constant 0 : i32
        %dma_start3A_375 = tpu.memref_slice %arg11[%dma_start3A_373, %dma_start3A_374] : memref<240x128xf32, #tpu.memory_space<vmem>> -> memref<80x128xf32, #tpu.memory_space<vmem>>
        %dma_start3A_376 = arith.constant 0 : i32
        %dma_start3A_377 = tpu.memref_slice %arg9[%mul3A_366, %dma_start3A_376] : memref<10000x128xf32, #tpu.memory_space<vmem_shared>> -> memref<80x128xf32, #tpu.memory_space<vmem_shared>>
        %dma_start3A_378 = arith.constant 0 : i32
        %dma_start3A_379 = arith.constant 0 : i32
        %dma_start3A_380 = tpu.memref_slice %arg11[%dma_start3A_378, %dma_start3A_379] : memref<240x128xf32, #tpu.memory_space<vmem>> -> memref<80x128xf32, #tpu.memory_space<vmem>>
        %dma_start3A_381 = arith.constant 0 : i32
        %dma_start3A_382 = tpu.memref_slice %arg9[%mul3A_366, %dma_start3A_381] : memref<10000x128xf32, #tpu.memory_space<vmem_shared>> -> memref<80x128xf32, #tpu.memory_space<vmem_shared>>
        tpu.enqueue_dma source(%dma_start3A_382 : memref<80x128xf32, #tpu.memory_space<vmem_shared>>) target(%dma_start3A_380 : memref<80x128xf32, #tpu.memory_space<vmem>>) target_semaphore(%run_scoped3A_372 : memref<!tpu.dma_semaphore, #tpu.memory_space<semaphore_mem>>)
        %dma_wait3A_383 = arith.constant 0 : i32
        %dma_wait3A_384 = arith.constant 0 : i32
        %dma_wait3A_385 = tpu.memref_slice %arg11[%dma_wait3A_383, %dma_wait3A_384] : memref<240x128xf32, #tpu.memory_space<vmem>> -> memref<80x128xf32, #tpu.memory_space<vmem>>
        %dma_wait3A_386 = arith.constant 0 : i32
        %dma_wait3A_387 = tpu.memref_slice %arg9[%mul3A_366, %dma_wait3A_386] : memref<10000x128xf32, #tpu.memory_space<vmem_shared>> -> memref<80x128xf32, #tpu.memory_space<vmem_shared>>
        %dma_wait3A_388 = arith.constant 0 : i32
        %dma_wait3A_389 = arith.constant 0 : i32
        %dma_wait3A_390 = tpu.memref_slice %arg11[%dma_wait3A_388, %dma_wait3A_389] : memref<240x128xf32, #tpu.memory_space<vmem>> -> memref<80x128xf32, #tpu.memory_space<vmem>>
        %dma_wait3A_391 = arith.constant 0 : i32
        %dma_wait3A_392 = tpu.memref_slice %arg9[%mul3A_366, %dma_wait3A_391] : memref<10000x128xf32, #tpu.memory_space<vmem_shared>> -> memref<80x128xf32, #tpu.memory_space<vmem_shared>>
        tpu.wait_dma2 semaphore(%run_scoped3A_372 : memref<!tpu.dma_semaphore, #tpu.memory_space<semaphore_mem>>) src(%dma_wait3A_392 : memref<80x128xf32, #tpu.memory_space<vmem_shared>>) dst(%dma_wait3A_390 : memref<80x128xf32, #tpu.memory_space<vmem>>)
        tpu.yield
      }) : () -> ()
      %mul3A_367 = arith.constant 10000 : i32
      %mul3A_368 = arith.muli %arg0, %mul3A_367 : i32
      %mul3A_369 = arith.constant 80 : i32
      %mul3A_370 = arith.muli %add3A_232, %mul3A_369 : i32
      %add3A_371 = arith.addi %mul3A_368, %mul3A_370 : i32
      "tpu.region"() ({
        %run_scoped3A_372 = tpu.sem_alloc : memref<!tpu.dma_semaphore, #tpu.memory_space<semaphore_mem>>
        %dma_start3A_373 = arith.constant 0 : i32
        %dma_start3A_374 = arith.constant 0 : i32
        %dma_start3A_375 = tpu.memref_slice %arg11[%dma_start3A_373, %dma_start3A_374] : memref<240x128xf32, #tpu.memory_space<vmem>> -> memref<80x128xf32, #tpu.memory_space<vmem>>
        %dma_start3A_376 = arith.constant 0 : i32
        %dma_start3A_377 = tpu.memref_slice %arg7[%add3A_371, %dma_start3A_376] : memref<20000x128xf32, #tpu.memory_space<hbm>> -> memref<80x128xf32, #tpu.memory_space<hbm>>
        %dma_start3A_378 = arith.constant 0 : i32
        %dma_start3A_379 = tpu.memref_slice %arg7[%add3A_371, %dma_start3A_378] : memref<20000x128xf32, #tpu.memory_space<hbm>> -> memref<80x128xf32, #tpu.memory_space<hbm>>
        %dma_start3A_380 = arith.constant 0 : i32
        %dma_start3A_381 = arith.constant 0 : i32
        %dma_start3A_382 = tpu.memref_slice %arg11[%dma_start3A_380, %dma_start3A_381] : memref<240x128xf32, #tpu.memory_space<vmem>> -> memref<80x128xf32, #tpu.memory_space<vmem>>
        tpu.enqueue_dma source(%dma_start3A_382 : memref<80x128xf32, #tpu.memory_space<vmem>>) target(%dma_start3A_379 : memref<80x128xf32, #tpu.memory_space<hbm>>) target_semaphore(%run_scoped3A_372 : memref<!tpu.dma_semaphore, #tpu.memory_space<semaphore_mem>>)
        %dma_wait3A_383 = arith.constant 0 : i32
        %dma_wait3A_384 = arith.constant 0 : i32
        %dma_wait3A_385 = tpu.memref_slice %arg11[%dma_wait3A_383, %dma_wait3A_384] : memref<240x128xf32, #tpu.memory_space<vmem>> -> memref<80x128xf32, #tpu.memory_space<vmem>>
        %dma_wait3A_386 = arith.constant 0 : i32
        %dma_wait3A_387 = tpu.memref_slice %arg7[%add3A_371, %dma_wait3A_386] : memref<20000x128xf32, #tpu.memory_space<hbm>> -> memref<80x128xf32, #tpu.memory_space<hbm>>
        %dma_wait3A_388 = arith.constant 0 : i32
        %dma_wait3A_389 = tpu.memref_slice %arg7[%add3A_371, %dma_wait3A_388] : memref<20000x128xf32, #tpu.memory_space<hbm>> -> memref<80x128xf32, #tpu.memory_space<hbm>>
        %dma_wait3A_390 = arith.constant 0 : i32
        %dma_wait3A_391 = arith.constant 0 : i32
        %dma_wait3A_392 = tpu.memref_slice %arg11[%dma_wait3A_390, %dma_wait3A_391] : memref<240x128xf32, #tpu.memory_space<vmem>> -> memref<80x128xf32, #tpu.memory_space<vmem>>
        tpu.wait_dma2 semaphore(%run_scoped3A_372 : memref<!tpu.dma_semaphore, #tpu.memory_space<semaphore_mem>>) src(%dma_wait3A_392 : memref<80x128xf32, #tpu.memory_space<vmem>>) dst(%dma_wait3A_389 : memref<80x128xf32, #tpu.memory_space<hbm>>)
        tpu.yield
      }) : () -> ()
    } else {
    }
    %add3A_238 = arith.constant 112 : i32
    %add3A_239 = arith.addi %add3A_238, %arg1 : i32
    %lt3A_240 = arith.constant 125 : i32
    %lt3A_241 = arith.cmpi slt, %add3A_239, %lt3A_240 : i32
    %convert_element_type3A_242 = arith.extui %lt3A_241 : i1 to i32
    %cond3A_243 = arith.constant 0 : i32
    %cond3A_244 = arith.cmpi ne, %convert_element_type3A_242, %cond3A_243 : i32
    scf.if %cond3A_244 {
      %mul3A_365 = arith.constant 80 : i32
      %mul3A_366 = arith.muli %add3A_239, %mul3A_365 : i32
      "tpu.region"() ({
        %run_scoped3A_372 = tpu.sem_alloc : memref<!tpu.dma_semaphore, #tpu.memory_space<semaphore_mem>>
        %dma_start3A_373 = arith.constant 0 : i32
        %dma_start3A_374 = arith.constant 0 : i32
        %dma_start3A_375 = tpu.memref_slice %arg11[%dma_start3A_373, %dma_start3A_374] : memref<240x128xf32, #tpu.memory_space<vmem>> -> memref<80x128xf32, #tpu.memory_space<vmem>>
        %dma_start3A_376 = arith.constant 0 : i32
        %dma_start3A_377 = tpu.memref_slice %arg9[%mul3A_366, %dma_start3A_376] : memref<10000x128xf32, #tpu.memory_space<vmem_shared>> -> memref<80x128xf32, #tpu.memory_space<vmem_shared>>
        %dma_start3A_378 = arith.constant 0 : i32
        %dma_start3A_379 = arith.constant 0 : i32
        %dma_start3A_380 = tpu.memref_slice %arg11[%dma_start3A_378, %dma_start3A_379] : memref<240x128xf32, #tpu.memory_space<vmem>> -> memref<80x128xf32, #tpu.memory_space<vmem>>
        %dma_start3A_381 = arith.constant 0 : i32
        %dma_start3A_382 = tpu.memref_slice %arg9[%mul3A_366, %dma_start3A_381] : memref<10000x128xf32, #tpu.memory_space<vmem_shared>> -> memref<80x128xf32, #tpu.memory_space<vmem_shared>>
        tpu.enqueue_dma source(%dma_start3A_382 : memref<80x128xf32, #tpu.memory_space<vmem_shared>>) target(%dma_start3A_380 : memref<80x128xf32, #tpu.memory_space<vmem>>) target_semaphore(%run_scoped3A_372 : memref<!tpu.dma_semaphore, #tpu.memory_space<semaphore_mem>>)
        %dma_wait3A_383 = arith.constant 0 : i32
        %dma_wait3A_384 = arith.constant 0 : i32
        %dma_wait3A_385 = tpu.memref_slice %arg11[%dma_wait3A_383, %dma_wait3A_384] : memref<240x128xf32, #tpu.memory_space<vmem>> -> memref<80x128xf32, #tpu.memory_space<vmem>>
        %dma_wait3A_386 = arith.constant 0 : i32
        %dma_wait3A_387 = tpu.memref_slice %arg9[%mul3A_366, %dma_wait3A_386] : memref<10000x128xf32, #tpu.memory_space<vmem_shared>> -> memref<80x128xf32, #tpu.memory_space<vmem_shared>>
        %dma_wait3A_388 = arith.constant 0 : i32
        %dma_wait3A_389 = arith.constant 0 : i32
        %dma_wait3A_390 = tpu.memref_slice %arg11[%dma_wait3A_388, %dma_wait3A_389] : memref<240x128xf32, #tpu.memory_space<vmem>> -> memref<80x128xf32, #tpu.memory_space<vmem>>
        %dma_wait3A_391 = arith.constant 0 : i32
        %dma_wait3A_392 = tpu.memref_slice %arg9[%mul3A_366, %dma_wait3A_391] : memref<10000x128xf32, #tpu.memory_space<vmem_shared>> -> memref<80x128xf32, #tpu.memory_space<vmem_shared>>
        tpu.wait_dma2 semaphore(%run_scoped3A_372 : memref<!tpu.dma_semaphore, #tpu.memory_space<semaphore_mem>>) src(%dma_wait3A_392 : memref<80x128xf32, #tpu.memory_space<vmem_shared>>) dst(%dma_wait3A_390 : memref<80x128xf32, #tpu.memory_space<vmem>>)
        tpu.yield
      }) : () -> ()
      %mul3A_367 = arith.constant 10000 : i32
      %mul3A_368 = arith.muli %arg0, %mul3A_367 : i32
      %mul3A_369 = arith.constant 80 : i32
      %mul3A_370 = arith.muli %add3A_239, %mul3A_369 : i32
      %add3A_371 = arith.addi %mul3A_368, %mul3A_370 : i32
      "tpu.region"() ({
        %run_scoped3A_372 = tpu.sem_alloc : memref<!tpu.dma_semaphore, #tpu.memory_space<semaphore_mem>>
        %dma_start3A_373 = arith.constant 0 : i32
        %dma_start3A_374 = arith.constant 0 : i32
        %dma_start3A_375 = tpu.memref_slice %arg11[%dma_start3A_373, %dma_start3A_374] : memref<240x128xf32, #tpu.memory_space<vmem>> -> memref<80x128xf32, #tpu.memory_space<vmem>>
        %dma_start3A_376 = arith.constant 0 : i32
        %dma_start3A_377 = tpu.memref_slice %arg7[%add3A_371, %dma_start3A_376] : memref<20000x128xf32, #tpu.memory_space<hbm>> -> memref<80x128xf32, #tpu.memory_space<hbm>>
        %dma_start3A_378 = arith.constant 0 : i32
        %dma_start3A_379 = tpu.memref_slice %arg7[%add3A_371, %dma_start3A_378] : memref<20000x128xf32, #tpu.memory_space<hbm>> -> memref<80x128xf32, #tpu.memory_space<hbm>>
        %dma_start3A_380 = arith.constant 0 : i32
        %dma_start3A_381 = arith.constant 0 : i32
        %dma_start3A_382 = tpu.memref_slice %arg11[%dma_start3A_380, %dma_start3A_381] : memref<240x128xf32, #tpu.memory_space<vmem>> -> memref<80x128xf32, #tpu.memory_space<vmem>>
        tpu.enqueue_dma source(%dma_start3A_382 : memref<80x128xf32, #tpu.memory_space<vmem>>) target(%dma_start3A_379 : memref<80x128xf32, #tpu.memory_space<hbm>>) target_semaphore(%run_scoped3A_372 : memref<!tpu.dma_semaphore, #tpu.memory_space<semaphore_mem>>)
        %dma_wait3A_383 = arith.constant 0 : i32
        %dma_wait3A_384 = arith.constant 0 : i32
        %dma_wait3A_385 = tpu.memref_slice %arg11[%dma_wait3A_383, %dma_wait3A_384] : memref<240x128xf32, #tpu.memory_space<vmem>> -> memref<80x128xf32, #tpu.memory_space<vmem>>
        %dma_wait3A_386 = arith.constant 0 : i32
        %dma_wait3A_387 = tpu.memref_slice %arg7[%add3A_371, %dma_wait3A_386] : memref<20000x128xf32, #tpu.memory_space<hbm>> -> memref<80x128xf32, #tpu.memory_space<hbm>>
        %dma_wait3A_388 = arith.constant 0 : i32
        %dma_wait3A_389 = tpu.memref_slice %arg7[%add3A_371, %dma_wait3A_388] : memref<20000x128xf32, #tpu.memory_space<hbm>> -> memref<80x128xf32, #tpu.memory_space<hbm>>
        %dma_wait3A_390 = arith.constant 0 : i32
        %dma_wait3A_391 = arith.constant 0 : i32
        %dma_wait3A_392 = tpu.memref_slice %arg11[%dma_wait3A_390, %dma_wait3A_391] : memref<240x128xf32, #tpu.memory_space<vmem>> -> memref<80x128xf32, #tpu.memory_space<vmem>>
        tpu.wait_dma2 semaphore(%run_scoped3A_372 : memref<!tpu.dma_semaphore, #tpu.memory_space<semaphore_mem>>) src(%dma_wait3A_392 : memref<80x128xf32, #tpu.memory_space<vmem>>) dst(%dma_wait3A_389 : memref<80x128xf32, #tpu.memory_space<hbm>>)
        tpu.yield
      }) : () -> ()
    } else {
    }
    "tpu.region"() ({
      %run_scoped3A_365 = tpu.sem_alloc : memref<!tpu.dma_semaphore, #tpu.memory_space<semaphore_mem>>
      %dma_start3A_366 = arith.constant 80 : i32
      %dma_start3A_367 = arith.constant 0 : i32
      %dma_start3A_368 = tpu.memref_slice %arg11[%dma_start3A_366, %dma_start3A_367] : memref<240x128xf32, #tpu.memory_space<vmem>> -> memref<80x128xf32, #tpu.memory_space<vmem>>
      %dma_start3A_369 = arith.constant 80 : i32
      %dma_start3A_370 = arith.constant 0 : i32
      %dma_start3A_371 = tpu.memref_slice %arg11[%dma_start3A_369, %dma_start3A_370] : memref<240x128xf32, #tpu.memory_space<vmem>> -> memref<80x128xf32, #tpu.memory_space<vmem>>
      tpu.enqueue_dma source(%arg5 : memref<80x128xf32, #tpu.memory_space<hbm>>) target(%dma_start3A_371 : memref<80x128xf32, #tpu.memory_space<vmem>>) target_semaphore(%run_scoped3A_365 : memref<!tpu.dma_semaphore, #tpu.memory_space<semaphore_mem>>)
      %dma_wait3A_372 = arith.constant 80 : i32
      %dma_wait3A_373 = arith.constant 0 : i32
      %dma_wait3A_374 = tpu.memref_slice %arg11[%dma_wait3A_372, %dma_wait3A_373] : memref<240x128xf32, #tpu.memory_space<vmem>> -> memref<80x128xf32, #tpu.memory_space<vmem>>
      %dma_wait3A_375 = arith.constant 80 : i32
      %dma_wait3A_376 = arith.constant 0 : i32
      %dma_wait3A_377 = tpu.memref_slice %arg11[%dma_wait3A_375, %dma_wait3A_376] : memref<240x128xf32, #tpu.memory_space<vmem>> -> memref<80x128xf32, #tpu.memory_space<vmem>>
      tpu.wait_dma2 semaphore(%run_scoped3A_365 : memref<!tpu.dma_semaphore, #tpu.memory_space<semaphore_mem>>) src(%arg5 : memref<80x128xf32, #tpu.memory_space<hbm>>) dst(%dma_wait3A_377 : memref<80x128xf32, #tpu.memory_space<vmem>>)
      tpu.yield
    }) : () -> ()
    %add3A_245 = arith.constant 0 : i32
    %add3A_246 = arith.addi %add3A_245, %arg1 : i32
    %lt3A_247 = arith.constant 125 : i32
    %lt3A_248 = arith.cmpi slt, %add3A_246, %lt3A_247 : i32
    %convert_element_type3A_249 = arith.extui %lt3A_248 : i1 to i32
    %cond3A_250 = arith.constant 0 : i32
    %cond3A_251 = arith.cmpi ne, %convert_element_type3A_249, %cond3A_250 : i32
    scf.if %cond3A_251 {
      %mul3A_365 = arith.constant 80 : i32
      %mul3A_366 = arith.muli %add3A_246, %mul3A_365 : i32
      "tpu.region"() ({
        %run_scoped3A_367 = tpu.sem_alloc : memref<!tpu.dma_semaphore, #tpu.memory_space<semaphore_mem>>
        %dma_start3A_368 = arith.constant 80 : i32
        %dma_start3A_369 = arith.constant 0 : i32
        %dma_start3A_370 = tpu.memref_slice %arg11[%dma_start3A_368, %dma_start3A_369] : memref<240x128xf32, #tpu.memory_space<vmem>> -> memref<80x128xf32, #tpu.memory_space<vmem>>
        %dma_start3A_371 = arith.constant 0 : i32
        %dma_start3A_372 = tpu.memref_slice %arg9[%mul3A_366, %dma_start3A_371] : memref<10000x128xf32, #tpu.memory_space<vmem_shared>> -> memref<80x128xf32, #tpu.memory_space<vmem_shared>>
        %dma_start3A_373 = arith.constant 0 : i32
        %dma_start3A_374 = tpu.memref_slice %arg9[%mul3A_366, %dma_start3A_373] : memref<10000x128xf32, #tpu.memory_space<vmem_shared>> -> memref<80x128xf32, #tpu.memory_space<vmem_shared>>
        %dma_start3A_375 = arith.constant 80 : i32
        %dma_start3A_376 = arith.constant 0 : i32
        %dma_start3A_377 = tpu.memref_slice %arg11[%dma_start3A_375, %dma_start3A_376] : memref<240x128xf32, #tpu.memory_space<vmem>> -> memref<80x128xf32, #tpu.memory_space<vmem>>
        tpu.enqueue_dma source(%dma_start3A_377 : memref<80x128xf32, #tpu.memory_space<vmem>>) target(%dma_start3A_374 : memref<80x128xf32, #tpu.memory_space<vmem_shared>>) target_semaphore(%run_scoped3A_367 : memref<!tpu.dma_semaphore, #tpu.memory_space<semaphore_mem>>)
        %dma_wait3A_378 = arith.constant 80 : i32
        %dma_wait3A_379 = arith.constant 0 : i32
        %dma_wait3A_380 = tpu.memref_slice %arg11[%dma_wait3A_378, %dma_wait3A_379] : memref<240x128xf32, #tpu.memory_space<vmem>> -> memref<80x128xf32, #tpu.memory_space<vmem>>
        %dma_wait3A_381 = arith.constant 0 : i32
        %dma_wait3A_382 = tpu.memref_slice %arg9[%mul3A_366, %dma_wait3A_381] : memref<10000x128xf32, #tpu.memory_space<vmem_shared>> -> memref<80x128xf32, #tpu.memory_space<vmem_shared>>
        %dma_wait3A_383 = arith.constant 0 : i32
        %dma_wait3A_384 = tpu.memref_slice %arg9[%mul3A_366, %dma_wait3A_383] : memref<10000x128xf32, #tpu.memory_space<vmem_shared>> -> memref<80x128xf32, #tpu.memory_space<vmem_shared>>
        %dma_wait3A_385 = arith.constant 80 : i32
        %dma_wait3A_386 = arith.constant 0 : i32
        %dma_wait3A_387 = tpu.memref_slice %arg11[%dma_wait3A_385, %dma_wait3A_386] : memref<240x128xf32, #tpu.memory_space<vmem>> -> memref<80x128xf32, #tpu.memory_space<vmem>>
        tpu.wait_dma2 semaphore(%run_scoped3A_367 : memref<!tpu.dma_semaphore, #tpu.memory_space<semaphore_mem>>) src(%dma_wait3A_387 : memref<80x128xf32, #tpu.memory_space<vmem>>) dst(%dma_wait3A_384 : memref<80x128xf32, #tpu.memory_space<vmem_shared>>)
        tpu.yield
      }) : () -> ()
    } else {
    }
    %add3A_252 = arith.constant 16 : i32
    %add3A_253 = arith.addi %add3A_252, %arg1 : i32
    %lt3A_254 = arith.constant 125 : i32
    %lt3A_255 = arith.cmpi slt, %add3A_253, %lt3A_254 : i32
    %convert_element_type3A_256 = arith.extui %lt3A_255 : i1 to i32
    %cond3A_257 = arith.constant 0 : i32
    %cond3A_258 = arith.cmpi ne, %convert_element_type3A_256, %cond3A_257 : i32
    scf.if %cond3A_258 {
      %mul3A_365 = arith.constant 80 : i32
      %mul3A_366 = arith.muli %add3A_253, %mul3A_365 : i32
      "tpu.region"() ({
        %run_scoped3A_367 = tpu.sem_alloc : memref<!tpu.dma_semaphore, #tpu.memory_space<semaphore_mem>>
        %dma_start3A_368 = arith.constant 80 : i32
        %dma_start3A_369 = arith.constant 0 : i32
        %dma_start3A_370 = tpu.memref_slice %arg11[%dma_start3A_368, %dma_start3A_369] : memref<240x128xf32, #tpu.memory_space<vmem>> -> memref<80x128xf32, #tpu.memory_space<vmem>>
        %dma_start3A_371 = arith.constant 0 : i32
        %dma_start3A_372 = tpu.memref_slice %arg9[%mul3A_366, %dma_start3A_371] : memref<10000x128xf32, #tpu.memory_space<vmem_shared>> -> memref<80x128xf32, #tpu.memory_space<vmem_shared>>
        %dma_start3A_373 = arith.constant 0 : i32
        %dma_start3A_374 = tpu.memref_slice %arg9[%mul3A_366, %dma_start3A_373] : memref<10000x128xf32, #tpu.memory_space<vmem_shared>> -> memref<80x128xf32, #tpu.memory_space<vmem_shared>>
        %dma_start3A_375 = arith.constant 80 : i32
        %dma_start3A_376 = arith.constant 0 : i32
        %dma_start3A_377 = tpu.memref_slice %arg11[%dma_start3A_375, %dma_start3A_376] : memref<240x128xf32, #tpu.memory_space<vmem>> -> memref<80x128xf32, #tpu.memory_space<vmem>>
        tpu.enqueue_dma source(%dma_start3A_377 : memref<80x128xf32, #tpu.memory_space<vmem>>) target(%dma_start3A_374 : memref<80x128xf32, #tpu.memory_space<vmem_shared>>) target_semaphore(%run_scoped3A_367 : memref<!tpu.dma_semaphore, #tpu.memory_space<semaphore_mem>>)
        %dma_wait3A_378 = arith.constant 80 : i32
        %dma_wait3A_379 = arith.constant 0 : i32
        %dma_wait3A_380 = tpu.memref_slice %arg11[%dma_wait3A_378, %dma_wait3A_379] : memref<240x128xf32, #tpu.memory_space<vmem>> -> memref<80x128xf32, #tpu.memory_space<vmem>>
        %dma_wait3A_381 = arith.constant 0 : i32
        %dma_wait3A_382 = tpu.memref_slice %arg9[%mul3A_366, %dma_wait3A_381] : memref<10000x128xf32, #tpu.memory_space<vmem_shared>> -> memref<80x128xf32, #tpu.memory_space<vmem_shared>>
        %dma_wait3A_383 = arith.constant 0 : i32
        %dma_wait3A_384 = tpu.memref_slice %arg9[%mul3A_366, %dma_wait3A_383] : memref<10000x128xf32, #tpu.memory_space<vmem_shared>> -> memref<80x128xf32, #tpu.memory_space<vmem_shared>>
        %dma_wait3A_385 = arith.constant 80 : i32
        %dma_wait3A_386 = arith.constant 0 : i32
        %dma_wait3A_387 = tpu.memref_slice %arg11[%dma_wait3A_385, %dma_wait3A_386] : memref<240x128xf32, #tpu.memory_space<vmem>> -> memref<80x128xf32, #tpu.memory_space<vmem>>
        tpu.wait_dma2 semaphore(%run_scoped3A_367 : memref<!tpu.dma_semaphore, #tpu.memory_space<semaphore_mem>>) src(%dma_wait3A_387 : memref<80x128xf32, #tpu.memory_space<vmem>>) dst(%dma_wait3A_384 : memref<80x128xf32, #tpu.memory_space<vmem_shared>>)
        tpu.yield
      }) : () -> ()
    } else {
    }
    %add3A_259 = arith.constant 32 : i32
    %add3A_260 = arith.addi %add3A_259, %arg1 : i32
    %lt3A_261 = arith.constant 125 : i32
    %lt3A_262 = arith.cmpi slt, %add3A_260, %lt3A_261 : i32
    %convert_element_type3A_263 = arith.extui %lt3A_262 : i1 to i32
    %cond3A_264 = arith.constant 0 : i32
    %cond3A_265 = arith.cmpi ne, %convert_element_type3A_263, %cond3A_264 : i32
    scf.if %cond3A_265 {
      %mul3A_365 = arith.constant 80 : i32
      %mul3A_366 = arith.muli %add3A_260, %mul3A_365 : i32
      "tpu.region"() ({
        %run_scoped3A_367 = tpu.sem_alloc : memref<!tpu.dma_semaphore, #tpu.memory_space<semaphore_mem>>
        %dma_start3A_368 = arith.constant 80 : i32
        %dma_start3A_369 = arith.constant 0 : i32
        %dma_start3A_370 = tpu.memref_slice %arg11[%dma_start3A_368, %dma_start3A_369] : memref<240x128xf32, #tpu.memory_space<vmem>> -> memref<80x128xf32, #tpu.memory_space<vmem>>
        %dma_start3A_371 = arith.constant 0 : i32
        %dma_start3A_372 = tpu.memref_slice %arg9[%mul3A_366, %dma_start3A_371] : memref<10000x128xf32, #tpu.memory_space<vmem_shared>> -> memref<80x128xf32, #tpu.memory_space<vmem_shared>>
        %dma_start3A_373 = arith.constant 0 : i32
        %dma_start3A_374 = tpu.memref_slice %arg9[%mul3A_366, %dma_start3A_373] : memref<10000x128xf32, #tpu.memory_space<vmem_shared>> -> memref<80x128xf32, #tpu.memory_space<vmem_shared>>
        %dma_start3A_375 = arith.constant 80 : i32
        %dma_start3A_376 = arith.constant 0 : i32
        %dma_start3A_377 = tpu.memref_slice %arg11[%dma_start3A_375, %dma_start3A_376] : memref<240x128xf32, #tpu.memory_space<vmem>> -> memref<80x128xf32, #tpu.memory_space<vmem>>
        tpu.enqueue_dma source(%dma_start3A_377 : memref<80x128xf32, #tpu.memory_space<vmem>>) target(%dma_start3A_374 : memref<80x128xf32, #tpu.memory_space<vmem_shared>>) target_semaphore(%run_scoped3A_367 : memref<!tpu.dma_semaphore, #tpu.memory_space<semaphore_mem>>)
        %dma_wait3A_378 = arith.constant 80 : i32
        %dma_wait3A_379 = arith.constant 0 : i32
        %dma_wait3A_380 = tpu.memref_slice %arg11[%dma_wait3A_378, %dma_wait3A_379] : memref<240x128xf32, #tpu.memory_space<vmem>> -> memref<80x128xf32, #tpu.memory_space<vmem>>
        %dma_wait3A_381 = arith.constant 0 : i32
        %dma_wait3A_382 = tpu.memref_slice %arg9[%mul3A_366, %dma_wait3A_381] : memref<10000x128xf32, #tpu.memory_space<vmem_shared>> -> memref<80x128xf32, #tpu.memory_space<vmem_shared>>
        %dma_wait3A_383 = arith.constant 0 : i32
        %dma_wait3A_384 = tpu.memref_slice %arg9[%mul3A_366, %dma_wait3A_383] : memref<10000x128xf32, #tpu.memory_space<vmem_shared>> -> memref<80x128xf32, #tpu.memory_space<vmem_shared>>
        %dma_wait3A_385 = arith.constant 80 : i32
        %dma_wait3A_386 = arith.constant 0 : i32
        %dma_wait3A_387 = tpu.memref_slice %arg11[%dma_wait3A_385, %dma_wait3A_386] : memref<240x128xf32, #tpu.memory_space<vmem>> -> memref<80x128xf32, #tpu.memory_space<vmem>>
        tpu.wait_dma2 semaphore(%run_scoped3A_367 : memref<!tpu.dma_semaphore, #tpu.memory_space<semaphore_mem>>) src(%dma_wait3A_387 : memref<80x128xf32, #tpu.memory_space<vmem>>) dst(%dma_wait3A_384 : memref<80x128xf32, #tpu.memory_space<vmem_shared>>)
        tpu.yield
      }) : () -> ()
    } else {
    }
    %add3A_266 = arith.constant 48 : i32
    %add3A_267 = arith.addi %add3A_266, %arg1 : i32
    %lt3A_268 = arith.constant 125 : i32
    %lt3A_269 = arith.cmpi slt, %add3A_267, %lt3A_268 : i32
    %convert_element_type3A_270 = arith.extui %lt3A_269 : i1 to i32
    %cond3A_271 = arith.constant 0 : i32
    %cond3A_272 = arith.cmpi ne, %convert_element_type3A_270, %cond3A_271 : i32
    scf.if %cond3A_272 {
      %mul3A_365 = arith.constant 80 : i32
      %mul3A_366 = arith.muli %add3A_267, %mul3A_365 : i32
      "tpu.region"() ({
        %run_scoped3A_367 = tpu.sem_alloc : memref<!tpu.dma_semaphore, #tpu.memory_space<semaphore_mem>>
        %dma_start3A_368 = arith.constant 80 : i32
        %dma_start3A_369 = arith.constant 0 : i32
        %dma_start3A_370 = tpu.memref_slice %arg11[%dma_start3A_368, %dma_start3A_369] : memref<240x128xf32, #tpu.memory_space<vmem>> -> memref<80x128xf32, #tpu.memory_space<vmem>>
        %dma_start3A_371 = arith.constant 0 : i32
        %dma_start3A_372 = tpu.memref_slice %arg9[%mul3A_366, %dma_start3A_371] : memref<10000x128xf32, #tpu.memory_space<vmem_shared>> -> memref<80x128xf32, #tpu.memory_space<vmem_shared>>
        %dma_start3A_373 = arith.constant 0 : i32
        %dma_start3A_374 = tpu.memref_slice %arg9[%mul3A_366, %dma_start3A_373] : memref<10000x128xf32, #tpu.memory_space<vmem_shared>> -> memref<80x128xf32, #tpu.memory_space<vmem_shared>>
        %dma_start3A_375 = arith.constant 80 : i32
        %dma_start3A_376 = arith.constant 0 : i32
        %dma_start3A_377 = tpu.memref_slice %arg11[%dma_start3A_375, %dma_start3A_376] : memref<240x128xf32, #tpu.memory_space<vmem>> -> memref<80x128xf32, #tpu.memory_space<vmem>>
        tpu.enqueue_dma source(%dma_start3A_377 : memref<80x128xf32, #tpu.memory_space<vmem>>) target(%dma_start3A_374 : memref<80x128xf32, #tpu.memory_space<vmem_shared>>) target_semaphore(%run_scoped3A_367 : memref<!tpu.dma_semaphore, #tpu.memory_space<semaphore_mem>>)
        %dma_wait3A_378 = arith.constant 80 : i32
        %dma_wait3A_379 = arith.constant 0 : i32
        %dma_wait3A_380 = tpu.memref_slice %arg11[%dma_wait3A_378, %dma_wait3A_379] : memref<240x128xf32, #tpu.memory_space<vmem>> -> memref<80x128xf32, #tpu.memory_space<vmem>>
        %dma_wait3A_381 = arith.constant 0 : i32
        %dma_wait3A_382 = tpu.memref_slice %arg9[%mul3A_366, %dma_wait3A_381] : memref<10000x128xf32, #tpu.memory_space<vmem_shared>> -> memref<80x128xf32, #tpu.memory_space<vmem_shared>>
        %dma_wait3A_383 = arith.constant 0 : i32
        %dma_wait3A_384 = tpu.memref_slice %arg9[%mul3A_366, %dma_wait3A_383] : memref<10000x128xf32, #tpu.memory_space<vmem_shared>> -> memref<80x128xf32, #tpu.memory_space<vmem_shared>>
        %dma_wait3A_385 = arith.constant 80 : i32
        %dma_wait3A_386 = arith.constant 0 : i32
        %dma_wait3A_387 = tpu.memref_slice %arg11[%dma_wait3A_385, %dma_wait3A_386] : memref<240x128xf32, #tpu.memory_space<vmem>> -> memref<80x128xf32, #tpu.memory_space<vmem>>
        tpu.wait_dma2 semaphore(%run_scoped3A_367 : memref<!tpu.dma_semaphore, #tpu.memory_space<semaphore_mem>>) src(%dma_wait3A_387 : memref<80x128xf32, #tpu.memory_space<vmem>>) dst(%dma_wait3A_384 : memref<80x128xf32, #tpu.memory_space<vmem_shared>>)
        tpu.yield
      }) : () -> ()
    } else {
    }
    %add3A_273 = arith.constant 64 : i32
    %add3A_274 = arith.addi %add3A_273, %arg1 : i32
    %lt3A_275 = arith.constant 125 : i32
    %lt3A_276 = arith.cmpi slt, %add3A_274, %lt3A_275 : i32
    %convert_element_type3A_277 = arith.extui %lt3A_276 : i1 to i32
    %cond3A_278 = arith.constant 0 : i32
    %cond3A_279 = arith.cmpi ne, %convert_element_type3A_277, %cond3A_278 : i32
    scf.if %cond3A_279 {
      %mul3A_365 = arith.constant 80 : i32
      %mul3A_366 = arith.muli %add3A_274, %mul3A_365 : i32
      "tpu.region"() ({
        %run_scoped3A_367 = tpu.sem_alloc : memref<!tpu.dma_semaphore, #tpu.memory_space<semaphore_mem>>
        %dma_start3A_368 = arith.constant 80 : i32
        %dma_start3A_369 = arith.constant 0 : i32
        %dma_start3A_370 = tpu.memref_slice %arg11[%dma_start3A_368, %dma_start3A_369] : memref<240x128xf32, #tpu.memory_space<vmem>> -> memref<80x128xf32, #tpu.memory_space<vmem>>
        %dma_start3A_371 = arith.constant 0 : i32
        %dma_start3A_372 = tpu.memref_slice %arg9[%mul3A_366, %dma_start3A_371] : memref<10000x128xf32, #tpu.memory_space<vmem_shared>> -> memref<80x128xf32, #tpu.memory_space<vmem_shared>>
        %dma_start3A_373 = arith.constant 0 : i32
        %dma_start3A_374 = tpu.memref_slice %arg9[%mul3A_366, %dma_start3A_373] : memref<10000x128xf32, #tpu.memory_space<vmem_shared>> -> memref<80x128xf32, #tpu.memory_space<vmem_shared>>
        %dma_start3A_375 = arith.constant 80 : i32
        %dma_start3A_376 = arith.constant 0 : i32
        %dma_start3A_377 = tpu.memref_slice %arg11[%dma_start3A_375, %dma_start3A_376] : memref<240x128xf32, #tpu.memory_space<vmem>> -> memref<80x128xf32, #tpu.memory_space<vmem>>
        tpu.enqueue_dma source(%dma_start3A_377 : memref<80x128xf32, #tpu.memory_space<vmem>>) target(%dma_start3A_374 : memref<80x128xf32, #tpu.memory_space<vmem_shared>>) target_semaphore(%run_scoped3A_367 : memref<!tpu.dma_semaphore, #tpu.memory_space<semaphore_mem>>)
        %dma_wait3A_378 = arith.constant 80 : i32
        %dma_wait3A_379 = arith.constant 0 : i32
        %dma_wait3A_380 = tpu.memref_slice %arg11[%dma_wait3A_378, %dma_wait3A_379] : memref<240x128xf32, #tpu.memory_space<vmem>> -> memref<80x128xf32, #tpu.memory_space<vmem>>
        %dma_wait3A_381 = arith.constant 0 : i32
        %dma_wait3A_382 = tpu.memref_slice %arg9[%mul3A_366, %dma_wait3A_381] : memref<10000x128xf32, #tpu.memory_space<vmem_shared>> -> memref<80x128xf32, #tpu.memory_space<vmem_shared>>
        %dma_wait3A_383 = arith.constant 0 : i32
        %dma_wait3A_384 = tpu.memref_slice %arg9[%mul3A_366, %dma_wait3A_383] : memref<10000x128xf32, #tpu.memory_space<vmem_shared>> -> memref<80x128xf32, #tpu.memory_space<vmem_shared>>
        %dma_wait3A_385 = arith.constant 80 : i32
        %dma_wait3A_386 = arith.constant 0 : i32
        %dma_wait3A_387 = tpu.memref_slice %arg11[%dma_wait3A_385, %dma_wait3A_386] : memref<240x128xf32, #tpu.memory_space<vmem>> -> memref<80x128xf32, #tpu.memory_space<vmem>>
        tpu.wait_dma2 semaphore(%run_scoped3A_367 : memref<!tpu.dma_semaphore, #tpu.memory_space<semaphore_mem>>) src(%dma_wait3A_387 : memref<80x128xf32, #tpu.memory_space<vmem>>) dst(%dma_wait3A_384 : memref<80x128xf32, #tpu.memory_space<vmem_shared>>)
        tpu.yield
      }) : () -> ()
    } else {
    }
    %add3A_280 = arith.constant 80 : i32
    %add3A_281 = arith.addi %add3A_280, %arg1 : i32
    %lt3A_282 = arith.constant 125 : i32
    %lt3A_283 = arith.cmpi slt, %add3A_281, %lt3A_282 : i32
    %convert_element_type3A_284 = arith.extui %lt3A_283 : i1 to i32
    %cond3A_285 = arith.constant 0 : i32
    %cond3A_286 = arith.cmpi ne, %convert_element_type3A_284, %cond3A_285 : i32
    scf.if %cond3A_286 {
      %mul3A_365 = arith.constant 80 : i32
      %mul3A_366 = arith.muli %add3A_281, %mul3A_365 : i32
      "tpu.region"() ({
        %run_scoped3A_367 = tpu.sem_alloc : memref<!tpu.dma_semaphore, #tpu.memory_space<semaphore_mem>>
        %dma_start3A_368 = arith.constant 80 : i32
        %dma_start3A_369 = arith.constant 0 : i32
        %dma_start3A_370 = tpu.memref_slice %arg11[%dma_start3A_368, %dma_start3A_369] : memref<240x128xf32, #tpu.memory_space<vmem>> -> memref<80x128xf32, #tpu.memory_space<vmem>>
        %dma_start3A_371 = arith.constant 0 : i32
        %dma_start3A_372 = tpu.memref_slice %arg9[%mul3A_366, %dma_start3A_371] : memref<10000x128xf32, #tpu.memory_space<vmem_shared>> -> memref<80x128xf32, #tpu.memory_space<vmem_shared>>
        %dma_start3A_373 = arith.constant 0 : i32
        %dma_start3A_374 = tpu.memref_slice %arg9[%mul3A_366, %dma_start3A_373] : memref<10000x128xf32, #tpu.memory_space<vmem_shared>> -> memref<80x128xf32, #tpu.memory_space<vmem_shared>>
        %dma_start3A_375 = arith.constant 80 : i32
        %dma_start3A_376 = arith.constant 0 : i32
        %dma_start3A_377 = tpu.memref_slice %arg11[%dma_start3A_375, %dma_start3A_376] : memref<240x128xf32, #tpu.memory_space<vmem>> -> memref<80x128xf32, #tpu.memory_space<vmem>>
        tpu.enqueue_dma source(%dma_start3A_377 : memref<80x128xf32, #tpu.memory_space<vmem>>) target(%dma_start3A_374 : memref<80x128xf32, #tpu.memory_space<vmem_shared>>) target_semaphore(%run_scoped3A_367 : memref<!tpu.dma_semaphore, #tpu.memory_space<semaphore_mem>>)
        %dma_wait3A_378 = arith.constant 80 : i32
        %dma_wait3A_379 = arith.constant 0 : i32
        %dma_wait3A_380 = tpu.memref_slice %arg11[%dma_wait3A_378, %dma_wait3A_379] : memref<240x128xf32, #tpu.memory_space<vmem>> -> memref<80x128xf32, #tpu.memory_space<vmem>>
        %dma_wait3A_381 = arith.constant 0 : i32
        %dma_wait3A_382 = tpu.memref_slice %arg9[%mul3A_366, %dma_wait3A_381] : memref<10000x128xf32, #tpu.memory_space<vmem_shared>> -> memref<80x128xf32, #tpu.memory_space<vmem_shared>>
        %dma_wait3A_383 = arith.constant 0 : i32
        %dma_wait3A_384 = tpu.memref_slice %arg9[%mul3A_366, %dma_wait3A_383] : memref<10000x128xf32, #tpu.memory_space<vmem_shared>> -> memref<80x128xf32, #tpu.memory_space<vmem_shared>>
        %dma_wait3A_385 = arith.constant 80 : i32
        %dma_wait3A_386 = arith.constant 0 : i32
        %dma_wait3A_387 = tpu.memref_slice %arg11[%dma_wait3A_385, %dma_wait3A_386] : memref<240x128xf32, #tpu.memory_space<vmem>> -> memref<80x128xf32, #tpu.memory_space<vmem>>
        tpu.wait_dma2 semaphore(%run_scoped3A_367 : memref<!tpu.dma_semaphore, #tpu.memory_space<semaphore_mem>>) src(%dma_wait3A_387 : memref<80x128xf32, #tpu.memory_space<vmem>>) dst(%dma_wait3A_384 : memref<80x128xf32, #tpu.memory_space<vmem_shared>>)
        tpu.yield
      }) : () -> ()
    } else {
    }
    %add3A_287 = arith.constant 96 : i32
    %add3A_288 = arith.addi %add3A_287, %arg1 : i32
    %lt3A_289 = arith.constant 125 : i32
    %lt3A_290 = arith.cmpi slt, %add3A_288, %lt3A_289 : i32
    %convert_element_type3A_291 = arith.extui %lt3A_290 : i1 to i32
    %cond3A_292 = arith.constant 0 : i32
    %cond3A_293 = arith.cmpi ne, %convert_element_type3A_291, %cond3A_292 : i32
    scf.if %cond3A_293 {
      %mul3A_365 = arith.constant 80 : i32
      %mul3A_366 = arith.muli %add3A_288, %mul3A_365 : i32
      "tpu.region"() ({
        %run_scoped3A_367 = tpu.sem_alloc : memref<!tpu.dma_semaphore, #tpu.memory_space<semaphore_mem>>
        %dma_start3A_368 = arith.constant 80 : i32
        %dma_start3A_369 = arith.constant 0 : i32
        %dma_start3A_370 = tpu.memref_slice %arg11[%dma_start3A_368, %dma_start3A_369] : memref<240x128xf32, #tpu.memory_space<vmem>> -> memref<80x128xf32, #tpu.memory_space<vmem>>
        %dma_start3A_371 = arith.constant 0 : i32
        %dma_start3A_372 = tpu.memref_slice %arg9[%mul3A_366, %dma_start3A_371] : memref<10000x128xf32, #tpu.memory_space<vmem_shared>> -> memref<80x128xf32, #tpu.memory_space<vmem_shared>>
        %dma_start3A_373 = arith.constant 0 : i32
        %dma_start3A_374 = tpu.memref_slice %arg9[%mul3A_366, %dma_start3A_373] : memref<10000x128xf32, #tpu.memory_space<vmem_shared>> -> memref<80x128xf32, #tpu.memory_space<vmem_shared>>
        %dma_start3A_375 = arith.constant 80 : i32
        %dma_start3A_376 = arith.constant 0 : i32
        %dma_start3A_377 = tpu.memref_slice %arg11[%dma_start3A_375, %dma_start3A_376] : memref<240x128xf32, #tpu.memory_space<vmem>> -> memref<80x128xf32, #tpu.memory_space<vmem>>
        tpu.enqueue_dma source(%dma_start3A_377 : memref<80x128xf32, #tpu.memory_space<vmem>>) target(%dma_start3A_374 : memref<80x128xf32, #tpu.memory_space<vmem_shared>>) target_semaphore(%run_scoped3A_367 : memref<!tpu.dma_semaphore, #tpu.memory_space<semaphore_mem>>)
        %dma_wait3A_378 = arith.constant 80 : i32
        %dma_wait3A_379 = arith.constant 0 : i32
        %dma_wait3A_380 = tpu.memref_slice %arg11[%dma_wait3A_378, %dma_wait3A_379] : memref<240x128xf32, #tpu.memory_space<vmem>> -> memref<80x128xf32, #tpu.memory_space<vmem>>
        %dma_wait3A_381 = arith.constant 0 : i32
        %dma_wait3A_382 = tpu.memref_slice %arg9[%mul3A_366, %dma_wait3A_381] : memref<10000x128xf32, #tpu.memory_space<vmem_shared>> -> memref<80x128xf32, #tpu.memory_space<vmem_shared>>
        %dma_wait3A_383 = arith.constant 0 : i32
        %dma_wait3A_384 = tpu.memref_slice %arg9[%mul3A_366, %dma_wait3A_383] : memref<10000x128xf32, #tpu.memory_space<vmem_shared>> -> memref<80x128xf32, #tpu.memory_space<vmem_shared>>
        %dma_wait3A_385 = arith.constant 80 : i32
        %dma_wait3A_386 = arith.constant 0 : i32
        %dma_wait3A_387 = tpu.memref_slice %arg11[%dma_wait3A_385, %dma_wait3A_386] : memref<240x128xf32, #tpu.memory_space<vmem>> -> memref<80x128xf32, #tpu.memory_space<vmem>>
        tpu.wait_dma2 semaphore(%run_scoped3A_367 : memref<!tpu.dma_semaphore, #tpu.memory_space<semaphore_mem>>) src(%dma_wait3A_387 : memref<80x128xf32, #tpu.memory_space<vmem>>) dst(%dma_wait3A_384 : memref<80x128xf32, #tpu.memory_space<vmem_shared>>)
        tpu.yield
      }) : () -> ()
    } else {
    }
    %add3A_294 = arith.constant 112 : i32
    %add3A_295 = arith.addi %add3A_294, %arg1 : i32
    %lt3A_296 = arith.constant 125 : i32
    %lt3A_297 = arith.cmpi slt, %add3A_295, %lt3A_296 : i32
    %convert_element_type3A_298 = arith.extui %lt3A_297 : i1 to i32
    %cond3A_299 = arith.constant 0 : i32
    %cond3A_300 = arith.cmpi ne, %convert_element_type3A_298, %cond3A_299 : i32
    scf.if %cond3A_300 {
      %mul3A_365 = arith.constant 80 : i32
      %mul3A_366 = arith.muli %add3A_295, %mul3A_365 : i32
      "tpu.region"() ({
        %run_scoped3A_367 = tpu.sem_alloc : memref<!tpu.dma_semaphore, #tpu.memory_space<semaphore_mem>>
        %dma_start3A_368 = arith.constant 80 : i32
        %dma_start3A_369 = arith.constant 0 : i32
        %dma_start3A_370 = tpu.memref_slice %arg11[%dma_start3A_368, %dma_start3A_369] : memref<240x128xf32, #tpu.memory_space<vmem>> -> memref<80x128xf32, #tpu.memory_space<vmem>>
        %dma_start3A_371 = arith.constant 0 : i32
        %dma_start3A_372 = tpu.memref_slice %arg9[%mul3A_366, %dma_start3A_371] : memref<10000x128xf32, #tpu.memory_space<vmem_shared>> -> memref<80x128xf32, #tpu.memory_space<vmem_shared>>
        %dma_start3A_373 = arith.constant 0 : i32
        %dma_start3A_374 = tpu.memref_slice %arg9[%mul3A_366, %dma_start3A_373] : memref<10000x128xf32, #tpu.memory_space<vmem_shared>> -> memref<80x128xf32, #tpu.memory_space<vmem_shared>>
        %dma_start3A_375 = arith.constant 80 : i32
        %dma_start3A_376 = arith.constant 0 : i32
        %dma_start3A_377 = tpu.memref_slice %arg11[%dma_start3A_375, %dma_start3A_376] : memref<240x128xf32, #tpu.memory_space<vmem>> -> memref<80x128xf32, #tpu.memory_space<vmem>>
        tpu.enqueue_dma source(%dma_start3A_377 : memref<80x128xf32, #tpu.memory_space<vmem>>) target(%dma_start3A_374 : memref<80x128xf32, #tpu.memory_space<vmem_shared>>) target_semaphore(%run_scoped3A_367 : memref<!tpu.dma_semaphore, #tpu.memory_space<semaphore_mem>>)
        %dma_wait3A_378 = arith.constant 80 : i32
        %dma_wait3A_379 = arith.constant 0 : i32
        %dma_wait3A_380 = tpu.memref_slice %arg11[%dma_wait3A_378, %dma_wait3A_379] : memref<240x128xf32, #tpu.memory_space<vmem>> -> memref<80x128xf32, #tpu.memory_space<vmem>>
        %dma_wait3A_381 = arith.constant 0 : i32
        %dma_wait3A_382 = tpu.memref_slice %arg9[%mul3A_366, %dma_wait3A_381] : memref<10000x128xf32, #tpu.memory_space<vmem_shared>> -> memref<80x128xf32, #tpu.memory_space<vmem_shared>>
        %dma_wait3A_383 = arith.constant 0 : i32
        %dma_wait3A_384 = tpu.memref_slice %arg9[%mul3A_366, %dma_wait3A_383] : memref<10000x128xf32, #tpu.memory_space<vmem_shared>> -> memref<80x128xf32, #tpu.memory_space<vmem_shared>>
        %dma_wait3A_385 = arith.constant 80 : i32
        %dma_wait3A_386 = arith.constant 0 : i32
        %dma_wait3A_387 = tpu.memref_slice %arg11[%dma_wait3A_385, %dma_wait3A_386] : memref<240x128xf32, #tpu.memory_space<vmem>> -> memref<80x128xf32, #tpu.memory_space<vmem>>
        tpu.wait_dma2 semaphore(%run_scoped3A_367 : memref<!tpu.dma_semaphore, #tpu.memory_space<semaphore_mem>>) src(%dma_wait3A_387 : memref<80x128xf32, #tpu.memory_space<vmem>>) dst(%dma_wait3A_384 : memref<80x128xf32, #tpu.memory_space<vmem_shared>>)
        tpu.yield
      }) : () -> ()
    } else {
    }
    "tpu.region"() ({
      %run_scoped3A_365 = tpu.sem_alloc : memref<!tpu.dma_semaphore, #tpu.memory_space<semaphore_mem>>
      %dma_start3A_366 = arith.constant 0 : i32
      %dma_start3A_367 = arith.constant 0 : i32
      %dma_start3A_368 = tpu.memref_slice %arg11[%dma_start3A_366, %dma_start3A_367] : memref<240x128xf32, #tpu.memory_space<vmem>> -> memref<80x128xf32, #tpu.memory_space<vmem>>
      %dma_start3A_369 = arith.constant 0 : i32
      %dma_start3A_370 = arith.constant 0 : i32
      %dma_start3A_371 = tpu.memref_slice %arg11[%dma_start3A_369, %dma_start3A_370] : memref<240x128xf32, #tpu.memory_space<vmem>> -> memref<80x128xf32, #tpu.memory_space<vmem>>
      tpu.enqueue_dma source(%arg6 : memref<80x128xf32, #tpu.memory_space<hbm>>) target(%dma_start3A_371 : memref<80x128xf32, #tpu.memory_space<vmem>>) target_semaphore(%run_scoped3A_365 : memref<!tpu.dma_semaphore, #tpu.memory_space<semaphore_mem>>)
      %dma_wait3A_372 = arith.constant 0 : i32
      %dma_wait3A_373 = arith.constant 0 : i32
      %dma_wait3A_374 = tpu.memref_slice %arg11[%dma_wait3A_372, %dma_wait3A_373] : memref<240x128xf32, #tpu.memory_space<vmem>> -> memref<80x128xf32, #tpu.memory_space<vmem>>
      %dma_wait3A_375 = arith.constant 0 : i32
      %dma_wait3A_376 = arith.constant 0 : i32
      %dma_wait3A_377 = tpu.memref_slice %arg11[%dma_wait3A_375, %dma_wait3A_376] : memref<240x128xf32, #tpu.memory_space<vmem>> -> memref<80x128xf32, #tpu.memory_space<vmem>>
      tpu.wait_dma2 semaphore(%run_scoped3A_365 : memref<!tpu.dma_semaphore, #tpu.memory_space<semaphore_mem>>) src(%arg6 : memref<80x128xf32, #tpu.memory_space<hbm>>) dst(%dma_wait3A_377 : memref<80x128xf32, #tpu.memory_space<vmem>>)
      tpu.yield
    }) : () -> ()
    %barrier3A_301 = arith.constant 0 : index
    tpu.barrier barrier_id(%barrier3A_301)
    %scan3A_302 = arith.constant 0 : i32
    %scan3A_303 = arith.constant 0 : i32
    %scan3A_304 = arith.constant 125 : i32
    %scan3A_305 = arith.addi %scan3A_303, %scan3A_304 : i32
    %scan3A_306 = arith.constant 1 : i32
    scf.for %scan3A_365 = %scan3A_303 to %scan3A_305 step %scan3A_306  : i32 {
      "tpu.region"() ({
        %run_scoped3A_366 = tpu.sem_alloc : memref<!tpu.dma_semaphore, #tpu.memory_space<semaphore_mem>>
        %dma_start3A_367 = arith.constant 0 : i32
        %dma_start3A_368 = arith.constant 0 : i32
        %dma_start3A_369 = tpu.memref_slice %arg11[%dma_start3A_367, %dma_start3A_368] : memref<240x128xf32, #tpu.memory_space<vmem>> -> memref<80x128xf32, #tpu.memory_space<vmem>>
        %dma_start3A_370 = arith.constant 0 : i32
        %dma_start3A_371 = tpu.memref_slice %arg10[%scan3A_365, %dma_start3A_370] : memref<128x80xi32, #tpu.memory_space<vmem>> -> memref<1x80xi32, #tpu.memory_space<vmem>>
        %dma_start3A_372 = tpu.memref_squeeze %dma_start3A_371 : memref<1x80xi32, #tpu.memory_space<vmem>> -> memref<80xi32, #tpu.memory_space<vmem>>
        %dma_start3A_373 = arith.constant 0 : i32
        %dma_start3A_374 = arith.constant 0 : i32
        %dma_start3A_375 = tpu.memref_slice %arg9[%dma_start3A_373, %dma_start3A_374] : memref<10000x128xf32, #tpu.memory_space<vmem_shared>> -> memref<10000x128xf32, #tpu.memory_space<vmem_shared>>
        tpu.enqueue_indirect_dma source(%dma_start3A_369 : memref<80x128xf32, #tpu.memory_space<vmem>>) target(%dma_start3A_375 : memref<10000x128xf32, #tpu.memory_space<vmem_shared>>) offsets(%dma_start3A_372 : memref<80xi32, #tpu.memory_space<vmem>>) semaphore(%run_scoped3A_366 : memref<!tpu.dma_semaphore, #tpu.memory_space<semaphore_mem>>) {add = true}
        %dma_wait3A_376 = arith.constant 0 : i32
        %dma_wait3A_377 = arith.constant 0 : i32
        %dma_wait3A_378 = tpu.memref_slice %arg11[%dma_wait3A_376, %dma_wait3A_377] : memref<240x128xf32, #tpu.memory_space<vmem>> -> memref<80x128xf32, #tpu.memory_space<vmem>>
        %dma_wait3A_379 = arith.constant 0 : i32
        %dma_wait3A_380 = tpu.memref_slice %arg10[%scan3A_365, %dma_wait3A_379] : memref<128x80xi32, #tpu.memory_space<vmem>> -> memref<1x80xi32, #tpu.memory_space<vmem>>
        %dma_wait3A_381 = tpu.memref_squeeze %dma_wait3A_380 : memref<1x80xi32, #tpu.memory_space<vmem>> -> memref<80xi32, #tpu.memory_space<vmem>>
        %dma_wait3A_382 = arith.constant 0 : i32
        %dma_wait3A_383 = arith.constant 0 : i32
        %dma_wait3A_384 = tpu.memref_slice %arg9[%dma_wait3A_382, %dma_wait3A_383] : memref<10000x128xf32, #tpu.memory_space<vmem_shared>> -> memref<10000x128xf32, #tpu.memory_space<vmem_shared>>
        tpu.wait_indirect_dma semaphore(%run_scoped3A_366 : memref<!tpu.dma_semaphore, #tpu.memory_space<semaphore_mem>>) src(%dma_wait3A_378 : memref<80x128xf32, #tpu.memory_space<vmem>>) dst(%dma_wait3A_384 : memref<10000x128xf32, #tpu.memory_space<vmem_shared>>)
        tpu.yield
      }) : () -> ()
    }
    %scan3A_307 = arith.constant 125 : i32
    %barrier3A_308 = arith.constant 0 : index
    tpu.barrier barrier_id(%barrier3A_308)
    %add3A_309 = arith.constant 0 : i32
    %add3A_310 = arith.addi %add3A_309, %arg1 : i32
    %lt3A_311 = arith.constant 125 : i32
    %lt3A_312 = arith.cmpi slt, %add3A_310, %lt3A_311 : i32
    %convert_element_type3A_313 = arith.extui %lt3A_312 : i1 to i32
    %cond3A_314 = arith.constant 0 : i32
    %cond3A_315 = arith.cmpi ne, %convert_element_type3A_313, %cond3A_314 : i32
    scf.if %cond3A_315 {
      %mul3A_365 = arith.constant 80 : i32
      %mul3A_366 = arith.muli %add3A_310, %mul3A_365 : i32
      "tpu.region"() ({
        %run_scoped3A_372 = tpu.sem_alloc : memref<!tpu.dma_semaphore, #tpu.memory_space<semaphore_mem>>
        %dma_start3A_373 = arith.constant 80 : i32
        %dma_start3A_374 = arith.constant 0 : i32
        %dma_start3A_375 = tpu.memref_slice %arg11[%dma_start3A_373, %dma_start3A_374] : memref<240x128xf32, #tpu.memory_space<vmem>> -> memref<80x128xf32, #tpu.memory_space<vmem>>
        %dma_start3A_376 = arith.constant 0 : i32
        %dma_start3A_377 = tpu.memref_slice %arg9[%mul3A_366, %dma_start3A_376] : memref<10000x128xf32, #tpu.memory_space<vmem_shared>> -> memref<80x128xf32, #tpu.memory_space<vmem_shared>>
        %dma_start3A_378 = arith.constant 80 : i32
        %dma_start3A_379 = arith.constant 0 : i32
        %dma_start3A_380 = tpu.memref_slice %arg11[%dma_start3A_378, %dma_start3A_379] : memref<240x128xf32, #tpu.memory_space<vmem>> -> memref<80x128xf32, #tpu.memory_space<vmem>>
        %dma_start3A_381 = arith.constant 0 : i32
        %dma_start3A_382 = tpu.memref_slice %arg9[%mul3A_366, %dma_start3A_381] : memref<10000x128xf32, #tpu.memory_space<vmem_shared>> -> memref<80x128xf32, #tpu.memory_space<vmem_shared>>
        tpu.enqueue_dma source(%dma_start3A_382 : memref<80x128xf32, #tpu.memory_space<vmem_shared>>) target(%dma_start3A_380 : memref<80x128xf32, #tpu.memory_space<vmem>>) target_semaphore(%run_scoped3A_372 : memref<!tpu.dma_semaphore, #tpu.memory_space<semaphore_mem>>)
        %dma_wait3A_383 = arith.constant 80 : i32
        %dma_wait3A_384 = arith.constant 0 : i32
        %dma_wait3A_385 = tpu.memref_slice %arg11[%dma_wait3A_383, %dma_wait3A_384] : memref<240x128xf32, #tpu.memory_space<vmem>> -> memref<80x128xf32, #tpu.memory_space<vmem>>
        %dma_wait3A_386 = arith.constant 0 : i32
        %dma_wait3A_387 = tpu.memref_slice %arg9[%mul3A_366, %dma_wait3A_386] : memref<10000x128xf32, #tpu.memory_space<vmem_shared>> -> memref<80x128xf32, #tpu.memory_space<vmem_shared>>
        %dma_wait3A_388 = arith.constant 80 : i32
        %dma_wait3A_389 = arith.constant 0 : i32
        %dma_wait3A_390 = tpu.memref_slice %arg11[%dma_wait3A_388, %dma_wait3A_389] : memref<240x128xf32, #tpu.memory_space<vmem>> -> memref<80x128xf32, #tpu.memory_space<vmem>>
        %dma_wait3A_391 = arith.constant 0 : i32
        %dma_wait3A_392 = tpu.memref_slice %arg9[%mul3A_366, %dma_wait3A_391] : memref<10000x128xf32, #tpu.memory_space<vmem_shared>> -> memref<80x128xf32, #tpu.memory_space<vmem_shared>>
        tpu.wait_dma2 semaphore(%run_scoped3A_372 : memref<!tpu.dma_semaphore, #tpu.memory_space<semaphore_mem>>) src(%dma_wait3A_392 : memref<80x128xf32, #tpu.memory_space<vmem_shared>>) dst(%dma_wait3A_390 : memref<80x128xf32, #tpu.memory_space<vmem>>)
        tpu.yield
      }) : () -> ()
      %mul3A_367 = arith.constant 10000 : i32
      %mul3A_368 = arith.muli %arg0, %mul3A_367 : i32
      %mul3A_369 = arith.constant 80 : i32
      %mul3A_370 = arith.muli %add3A_310, %mul3A_369 : i32
      %add3A_371 = arith.addi %mul3A_368, %mul3A_370 : i32
      "tpu.region"() ({
        %run_scoped3A_372 = tpu.sem_alloc : memref<!tpu.dma_semaphore, #tpu.memory_space<semaphore_mem>>
        %dma_start3A_373 = arith.constant 80 : i32
        %dma_start3A_374 = arith.constant 0 : i32
        %dma_start3A_375 = tpu.memref_slice %arg11[%dma_start3A_373, %dma_start3A_374] : memref<240x128xf32, #tpu.memory_space<vmem>> -> memref<80x128xf32, #tpu.memory_space<vmem>>
        %dma_start3A_376 = arith.constant 0 : i32
        %dma_start3A_377 = tpu.memref_slice %arg8[%add3A_371, %dma_start3A_376] : memref<20000x128xf32, #tpu.memory_space<hbm>> -> memref<80x128xf32, #tpu.memory_space<hbm>>
        %dma_start3A_378 = arith.constant 0 : i32
        %dma_start3A_379 = tpu.memref_slice %arg8[%add3A_371, %dma_start3A_378] : memref<20000x128xf32, #tpu.memory_space<hbm>> -> memref<80x128xf32, #tpu.memory_space<hbm>>
        %dma_start3A_380 = arith.constant 80 : i32
        %dma_start3A_381 = arith.constant 0 : i32
        %dma_start3A_382 = tpu.memref_slice %arg11[%dma_start3A_380, %dma_start3A_381] : memref<240x128xf32, #tpu.memory_space<vmem>> -> memref<80x128xf32, #tpu.memory_space<vmem>>
        tpu.enqueue_dma source(%dma_start3A_382 : memref<80x128xf32, #tpu.memory_space<vmem>>) target(%dma_start3A_379 : memref<80x128xf32, #tpu.memory_space<hbm>>) target_semaphore(%run_scoped3A_372 : memref<!tpu.dma_semaphore, #tpu.memory_space<semaphore_mem>>)
        %dma_wait3A_383 = arith.constant 80 : i32
        %dma_wait3A_384 = arith.constant 0 : i32
        %dma_wait3A_385 = tpu.memref_slice %arg11[%dma_wait3A_383, %dma_wait3A_384] : memref<240x128xf32, #tpu.memory_space<vmem>> -> memref<80x128xf32, #tpu.memory_space<vmem>>
        %dma_wait3A_386 = arith.constant 0 : i32
        %dma_wait3A_387 = tpu.memref_slice %arg8[%add3A_371, %dma_wait3A_386] : memref<20000x128xf32, #tpu.memory_space<hbm>> -> memref<80x128xf32, #tpu.memory_space<hbm>>
        %dma_wait3A_388 = arith.constant 0 : i32
        %dma_wait3A_389 = tpu.memref_slice %arg8[%add3A_371, %dma_wait3A_388] : memref<20000x128xf32, #tpu.memory_space<hbm>> -> memref<80x128xf32, #tpu.memory_space<hbm>>
        %dma_wait3A_390 = arith.constant 80 : i32
        %dma_wait3A_391 = arith.constant 0 : i32
        %dma_wait3A_392 = tpu.memref_slice %arg11[%dma_wait3A_390, %dma_wait3A_391] : memref<240x128xf32, #tpu.memory_space<vmem>> -> memref<80x128xf32, #tpu.memory_space<vmem>>
        tpu.wait_dma2 semaphore(%run_scoped3A_372 : memref<!tpu.dma_semaphore, #tpu.memory_space<semaphore_mem>>) src(%dma_wait3A_392 : memref<80x128xf32, #tpu.memory_space<vmem>>) dst(%dma_wait3A_389 : memref<80x128xf32, #tpu.memory_space<hbm>>)
        tpu.yield
      }) : () -> ()
    } else {
    }
    %add3A_316 = arith.constant 16 : i32
    %add3A_317 = arith.addi %add3A_316, %arg1 : i32
    %lt3A_318 = arith.constant 125 : i32
    %lt3A_319 = arith.cmpi slt, %add3A_317, %lt3A_318 : i32
    %convert_element_type3A_320 = arith.extui %lt3A_319 : i1 to i32
    %cond3A_321 = arith.constant 0 : i32
    %cond3A_322 = arith.cmpi ne, %convert_element_type3A_320, %cond3A_321 : i32
    scf.if %cond3A_322 {
      %mul3A_365 = arith.constant 80 : i32
      %mul3A_366 = arith.muli %add3A_317, %mul3A_365 : i32
      "tpu.region"() ({
        %run_scoped3A_372 = tpu.sem_alloc : memref<!tpu.dma_semaphore, #tpu.memory_space<semaphore_mem>>
        %dma_start3A_373 = arith.constant 80 : i32
        %dma_start3A_374 = arith.constant 0 : i32
        %dma_start3A_375 = tpu.memref_slice %arg11[%dma_start3A_373, %dma_start3A_374] : memref<240x128xf32, #tpu.memory_space<vmem>> -> memref<80x128xf32, #tpu.memory_space<vmem>>
        %dma_start3A_376 = arith.constant 0 : i32
        %dma_start3A_377 = tpu.memref_slice %arg9[%mul3A_366, %dma_start3A_376] : memref<10000x128xf32, #tpu.memory_space<vmem_shared>> -> memref<80x128xf32, #tpu.memory_space<vmem_shared>>
        %dma_start3A_378 = arith.constant 80 : i32
        %dma_start3A_379 = arith.constant 0 : i32
        %dma_start3A_380 = tpu.memref_slice %arg11[%dma_start3A_378, %dma_start3A_379] : memref<240x128xf32, #tpu.memory_space<vmem>> -> memref<80x128xf32, #tpu.memory_space<vmem>>
        %dma_start3A_381 = arith.constant 0 : i32
        %dma_start3A_382 = tpu.memref_slice %arg9[%mul3A_366, %dma_start3A_381] : memref<10000x128xf32, #tpu.memory_space<vmem_shared>> -> memref<80x128xf32, #tpu.memory_space<vmem_shared>>
        tpu.enqueue_dma source(%dma_start3A_382 : memref<80x128xf32, #tpu.memory_space<vmem_shared>>) target(%dma_start3A_380 : memref<80x128xf32, #tpu.memory_space<vmem>>) target_semaphore(%run_scoped3A_372 : memref<!tpu.dma_semaphore, #tpu.memory_space<semaphore_mem>>)
        %dma_wait3A_383 = arith.constant 80 : i32
        %dma_wait3A_384 = arith.constant 0 : i32
        %dma_wait3A_385 = tpu.memref_slice %arg11[%dma_wait3A_383, %dma_wait3A_384] : memref<240x128xf32, #tpu.memory_space<vmem>> -> memref<80x128xf32, #tpu.memory_space<vmem>>
        %dma_wait3A_386 = arith.constant 0 : i32
        %dma_wait3A_387 = tpu.memref_slice %arg9[%mul3A_366, %dma_wait3A_386] : memref<10000x128xf32, #tpu.memory_space<vmem_shared>> -> memref<80x128xf32, #tpu.memory_space<vmem_shared>>
        %dma_wait3A_388 = arith.constant 80 : i32
        %dma_wait3A_389 = arith.constant 0 : i32
        %dma_wait3A_390 = tpu.memref_slice %arg11[%dma_wait3A_388, %dma_wait3A_389] : memref<240x128xf32, #tpu.memory_space<vmem>> -> memref<80x128xf32, #tpu.memory_space<vmem>>
        %dma_wait3A_391 = arith.constant 0 : i32
        %dma_wait3A_392 = tpu.memref_slice %arg9[%mul3A_366, %dma_wait3A_391] : memref<10000x128xf32, #tpu.memory_space<vmem_shared>> -> memref<80x128xf32, #tpu.memory_space<vmem_shared>>
        tpu.wait_dma2 semaphore(%run_scoped3A_372 : memref<!tpu.dma_semaphore, #tpu.memory_space<semaphore_mem>>) src(%dma_wait3A_392 : memref<80x128xf32, #tpu.memory_space<vmem_shared>>) dst(%dma_wait3A_390 : memref<80x128xf32, #tpu.memory_space<vmem>>)
        tpu.yield
      }) : () -> ()
      %mul3A_367 = arith.constant 10000 : i32
      %mul3A_368 = arith.muli %arg0, %mul3A_367 : i32
      %mul3A_369 = arith.constant 80 : i32
      %mul3A_370 = arith.muli %add3A_317, %mul3A_369 : i32
      %add3A_371 = arith.addi %mul3A_368, %mul3A_370 : i32
      "tpu.region"() ({
        %run_scoped3A_372 = tpu.sem_alloc : memref<!tpu.dma_semaphore, #tpu.memory_space<semaphore_mem>>
        %dma_start3A_373 = arith.constant 80 : i32
        %dma_start3A_374 = arith.constant 0 : i32
        %dma_start3A_375 = tpu.memref_slice %arg11[%dma_start3A_373, %dma_start3A_374] : memref<240x128xf32, #tpu.memory_space<vmem>> -> memref<80x128xf32, #tpu.memory_space<vmem>>
        %dma_start3A_376 = arith.constant 0 : i32
        %dma_start3A_377 = tpu.memref_slice %arg8[%add3A_371, %dma_start3A_376] : memref<20000x128xf32, #tpu.memory_space<hbm>> -> memref<80x128xf32, #tpu.memory_space<hbm>>
        %dma_start3A_378 = arith.constant 0 : i32
        %dma_start3A_379 = tpu.memref_slice %arg8[%add3A_371, %dma_start3A_378] : memref<20000x128xf32, #tpu.memory_space<hbm>> -> memref<80x128xf32, #tpu.memory_space<hbm>>
        %dma_start3A_380 = arith.constant 80 : i32
        %dma_start3A_381 = arith.constant 0 : i32
        %dma_start3A_382 = tpu.memref_slice %arg11[%dma_start3A_380, %dma_start3A_381] : memref<240x128xf32, #tpu.memory_space<vmem>> -> memref<80x128xf32, #tpu.memory_space<vmem>>
        tpu.enqueue_dma source(%dma_start3A_382 : memref<80x128xf32, #tpu.memory_space<vmem>>) target(%dma_start3A_379 : memref<80x128xf32, #tpu.memory_space<hbm>>) target_semaphore(%run_scoped3A_372 : memref<!tpu.dma_semaphore, #tpu.memory_space<semaphore_mem>>)
        %dma_wait3A_383 = arith.constant 80 : i32
        %dma_wait3A_384 = arith.constant 0 : i32
        %dma_wait3A_385 = tpu.memref_slice %arg11[%dma_wait3A_383, %dma_wait3A_384] : memref<240x128xf32, #tpu.memory_space<vmem>> -> memref<80x128xf32, #tpu.memory_space<vmem>>
        %dma_wait3A_386 = arith.constant 0 : i32
        %dma_wait3A_387 = tpu.memref_slice %arg8[%add3A_371, %dma_wait3A_386] : memref<20000x128xf32, #tpu.memory_space<hbm>> -> memref<80x128xf32, #tpu.memory_space<hbm>>
        %dma_wait3A_388 = arith.constant 0 : i32
        %dma_wait3A_389 = tpu.memref_slice %arg8[%add3A_371, %dma_wait3A_388] : memref<20000x128xf32, #tpu.memory_space<hbm>> -> memref<80x128xf32, #tpu.memory_space<hbm>>
        %dma_wait3A_390 = arith.constant 80 : i32
        %dma_wait3A_391 = arith.constant 0 : i32
        %dma_wait3A_392 = tpu.memref_slice %arg11[%dma_wait3A_390, %dma_wait3A_391] : memref<240x128xf32, #tpu.memory_space<vmem>> -> memref<80x128xf32, #tpu.memory_space<vmem>>
        tpu.wait_dma2 semaphore(%run_scoped3A_372 : memref<!tpu.dma_semaphore, #tpu.memory_space<semaphore_mem>>) src(%dma_wait3A_392 : memref<80x128xf32, #tpu.memory_space<vmem>>) dst(%dma_wait3A_389 : memref<80x128xf32, #tpu.memory_space<hbm>>)
        tpu.yield
      }) : () -> ()
    } else {
    }
    %add3A_323 = arith.constant 32 : i32
    %add3A_324 = arith.addi %add3A_323, %arg1 : i32
    %lt3A_325 = arith.constant 125 : i32
    %lt3A_326 = arith.cmpi slt, %add3A_324, %lt3A_325 : i32
    %convert_element_type3A_327 = arith.extui %lt3A_326 : i1 to i32
    %cond3A_328 = arith.constant 0 : i32
    %cond3A_329 = arith.cmpi ne, %convert_element_type3A_327, %cond3A_328 : i32
    scf.if %cond3A_329 {
      %mul3A_365 = arith.constant 80 : i32
      %mul3A_366 = arith.muli %add3A_324, %mul3A_365 : i32
      "tpu.region"() ({
        %run_scoped3A_372 = tpu.sem_alloc : memref<!tpu.dma_semaphore, #tpu.memory_space<semaphore_mem>>
        %dma_start3A_373 = arith.constant 80 : i32
        %dma_start3A_374 = arith.constant 0 : i32
        %dma_start3A_375 = tpu.memref_slice %arg11[%dma_start3A_373, %dma_start3A_374] : memref<240x128xf32, #tpu.memory_space<vmem>> -> memref<80x128xf32, #tpu.memory_space<vmem>>
        %dma_start3A_376 = arith.constant 0 : i32
        %dma_start3A_377 = tpu.memref_slice %arg9[%mul3A_366, %dma_start3A_376] : memref<10000x128xf32, #tpu.memory_space<vmem_shared>> -> memref<80x128xf32, #tpu.memory_space<vmem_shared>>
        %dma_start3A_378 = arith.constant 80 : i32
        %dma_start3A_379 = arith.constant 0 : i32
        %dma_start3A_380 = tpu.memref_slice %arg11[%dma_start3A_378, %dma_start3A_379] : memref<240x128xf32, #tpu.memory_space<vmem>> -> memref<80x128xf32, #tpu.memory_space<vmem>>
        %dma_start3A_381 = arith.constant 0 : i32
        %dma_start3A_382 = tpu.memref_slice %arg9[%mul3A_366, %dma_start3A_381] : memref<10000x128xf32, #tpu.memory_space<vmem_shared>> -> memref<80x128xf32, #tpu.memory_space<vmem_shared>>
        tpu.enqueue_dma source(%dma_start3A_382 : memref<80x128xf32, #tpu.memory_space<vmem_shared>>) target(%dma_start3A_380 : memref<80x128xf32, #tpu.memory_space<vmem>>) target_semaphore(%run_scoped3A_372 : memref<!tpu.dma_semaphore, #tpu.memory_space<semaphore_mem>>)
        %dma_wait3A_383 = arith.constant 80 : i32
        %dma_wait3A_384 = arith.constant 0 : i32
        %dma_wait3A_385 = tpu.memref_slice %arg11[%dma_wait3A_383, %dma_wait3A_384] : memref<240x128xf32, #tpu.memory_space<vmem>> -> memref<80x128xf32, #tpu.memory_space<vmem>>
        %dma_wait3A_386 = arith.constant 0 : i32
        %dma_wait3A_387 = tpu.memref_slice %arg9[%mul3A_366, %dma_wait3A_386] : memref<10000x128xf32, #tpu.memory_space<vmem_shared>> -> memref<80x128xf32, #tpu.memory_space<vmem_shared>>
        %dma_wait3A_388 = arith.constant 80 : i32
        %dma_wait3A_389 = arith.constant 0 : i32
        %dma_wait3A_390 = tpu.memref_slice %arg11[%dma_wait3A_388, %dma_wait3A_389] : memref<240x128xf32, #tpu.memory_space<vmem>> -> memref<80x128xf32, #tpu.memory_space<vmem>>
        %dma_wait3A_391 = arith.constant 0 : i32
        %dma_wait3A_392 = tpu.memref_slice %arg9[%mul3A_366, %dma_wait3A_391] : memref<10000x128xf32, #tpu.memory_space<vmem_shared>> -> memref<80x128xf32, #tpu.memory_space<vmem_shared>>
        tpu.wait_dma2 semaphore(%run_scoped3A_372 : memref<!tpu.dma_semaphore, #tpu.memory_space<semaphore_mem>>) src(%dma_wait3A_392 : memref<80x128xf32, #tpu.memory_space<vmem_shared>>) dst(%dma_wait3A_390 : memref<80x128xf32, #tpu.memory_space<vmem>>)
        tpu.yield
      }) : () -> ()
      %mul3A_367 = arith.constant 10000 : i32
      %mul3A_368 = arith.muli %arg0, %mul3A_367 : i32
      %mul3A_369 = arith.constant 80 : i32
      %mul3A_370 = arith.muli %add3A_324, %mul3A_369 : i32
      %add3A_371 = arith.addi %mul3A_368, %mul3A_370 : i32
      "tpu.region"() ({
        %run_scoped3A_372 = tpu.sem_alloc : memref<!tpu.dma_semaphore, #tpu.memory_space<semaphore_mem>>
        %dma_start3A_373 = arith.constant 80 : i32
        %dma_start3A_374 = arith.constant 0 : i32
        %dma_start3A_375 = tpu.memref_slice %arg11[%dma_start3A_373, %dma_start3A_374] : memref<240x128xf32, #tpu.memory_space<vmem>> -> memref<80x128xf32, #tpu.memory_space<vmem>>
        %dma_start3A_376 = arith.constant 0 : i32
        %dma_start3A_377 = tpu.memref_slice %arg8[%add3A_371, %dma_start3A_376] : memref<20000x128xf32, #tpu.memory_space<hbm>> -> memref<80x128xf32, #tpu.memory_space<hbm>>
        %dma_start3A_378 = arith.constant 0 : i32
        %dma_start3A_379 = tpu.memref_slice %arg8[%add3A_371, %dma_start3A_378] : memref<20000x128xf32, #tpu.memory_space<hbm>> -> memref<80x128xf32, #tpu.memory_space<hbm>>
        %dma_start3A_380 = arith.constant 80 : i32
        %dma_start3A_381 = arith.constant 0 : i32
        %dma_start3A_382 = tpu.memref_slice %arg11[%dma_start3A_380, %dma_start3A_381] : memref<240x128xf32, #tpu.memory_space<vmem>> -> memref<80x128xf32, #tpu.memory_space<vmem>>
        tpu.enqueue_dma source(%dma_start3A_382 : memref<80x128xf32, #tpu.memory_space<vmem>>) target(%dma_start3A_379 : memref<80x128xf32, #tpu.memory_space<hbm>>) target_semaphore(%run_scoped3A_372 : memref<!tpu.dma_semaphore, #tpu.memory_space<semaphore_mem>>)
        %dma_wait3A_383 = arith.constant 80 : i32
        %dma_wait3A_384 = arith.constant 0 : i32
        %dma_wait3A_385 = tpu.memref_slice %arg11[%dma_wait3A_383, %dma_wait3A_384] : memref<240x128xf32, #tpu.memory_space<vmem>> -> memref<80x128xf32, #tpu.memory_space<vmem>>
        %dma_wait3A_386 = arith.constant 0 : i32
        %dma_wait3A_387 = tpu.memref_slice %arg8[%add3A_371, %dma_wait3A_386] : memref<20000x128xf32, #tpu.memory_space<hbm>> -> memref<80x128xf32, #tpu.memory_space<hbm>>
        %dma_wait3A_388 = arith.constant 0 : i32
        %dma_wait3A_389 = tpu.memref_slice %arg8[%add3A_371, %dma_wait3A_388] : memref<20000x128xf32, #tpu.memory_space<hbm>> -> memref<80x128xf32, #tpu.memory_space<hbm>>
        %dma_wait3A_390 = arith.constant 80 : i32
        %dma_wait3A_391 = arith.constant 0 : i32
        %dma_wait3A_392 = tpu.memref_slice %arg11[%dma_wait3A_390, %dma_wait3A_391] : memref<240x128xf32, #tpu.memory_space<vmem>> -> memref<80x128xf32, #tpu.memory_space<vmem>>
        tpu.wait_dma2 semaphore(%run_scoped3A_372 : memref<!tpu.dma_semaphore, #tpu.memory_space<semaphore_mem>>) src(%dma_wait3A_392 : memref<80x128xf32, #tpu.memory_space<vmem>>) dst(%dma_wait3A_389 : memref<80x128xf32, #tpu.memory_space<hbm>>)
        tpu.yield
      }) : () -> ()
    } else {
    }
    %add3A_330 = arith.constant 48 : i32
    %add3A_331 = arith.addi %add3A_330, %arg1 : i32
    %lt3A_332 = arith.constant 125 : i32
    %lt3A_333 = arith.cmpi slt, %add3A_331, %lt3A_332 : i32
    %convert_element_type3A_334 = arith.extui %lt3A_333 : i1 to i32
    %cond3A_335 = arith.constant 0 : i32
    %cond3A_336 = arith.cmpi ne, %convert_element_type3A_334, %cond3A_335 : i32
    scf.if %cond3A_336 {
      %mul3A_365 = arith.constant 80 : i32
      %mul3A_366 = arith.muli %add3A_331, %mul3A_365 : i32
      "tpu.region"() ({
        %run_scoped3A_372 = tpu.sem_alloc : memref<!tpu.dma_semaphore, #tpu.memory_space<semaphore_mem>>
        %dma_start3A_373 = arith.constant 80 : i32
        %dma_start3A_374 = arith.constant 0 : i32
        %dma_start3A_375 = tpu.memref_slice %arg11[%dma_start3A_373, %dma_start3A_374] : memref<240x128xf32, #tpu.memory_space<vmem>> -> memref<80x128xf32, #tpu.memory_space<vmem>>
        %dma_start3A_376 = arith.constant 0 : i32
        %dma_start3A_377 = tpu.memref_slice %arg9[%mul3A_366, %dma_start3A_376] : memref<10000x128xf32, #tpu.memory_space<vmem_shared>> -> memref<80x128xf32, #tpu.memory_space<vmem_shared>>
        %dma_start3A_378 = arith.constant 80 : i32
        %dma_start3A_379 = arith.constant 0 : i32
        %dma_start3A_380 = tpu.memref_slice %arg11[%dma_start3A_378, %dma_start3A_379] : memref<240x128xf32, #tpu.memory_space<vmem>> -> memref<80x128xf32, #tpu.memory_space<vmem>>
        %dma_start3A_381 = arith.constant 0 : i32
        %dma_start3A_382 = tpu.memref_slice %arg9[%mul3A_366, %dma_start3A_381] : memref<10000x128xf32, #tpu.memory_space<vmem_shared>> -> memref<80x128xf32, #tpu.memory_space<vmem_shared>>
        tpu.enqueue_dma source(%dma_start3A_382 : memref<80x128xf32, #tpu.memory_space<vmem_shared>>) target(%dma_start3A_380 : memref<80x128xf32, #tpu.memory_space<vmem>>) target_semaphore(%run_scoped3A_372 : memref<!tpu.dma_semaphore, #tpu.memory_space<semaphore_mem>>)
        %dma_wait3A_383 = arith.constant 80 : i32
        %dma_wait3A_384 = arith.constant 0 : i32
        %dma_wait3A_385 = tpu.memref_slice %arg11[%dma_wait3A_383, %dma_wait3A_384] : memref<240x128xf32, #tpu.memory_space<vmem>> -> memref<80x128xf32, #tpu.memory_space<vmem>>
        %dma_wait3A_386 = arith.constant 0 : i32
        %dma_wait3A_387 = tpu.memref_slice %arg9[%mul3A_366, %dma_wait3A_386] : memref<10000x128xf32, #tpu.memory_space<vmem_shared>> -> memref<80x128xf32, #tpu.memory_space<vmem_shared>>
        %dma_wait3A_388 = arith.constant 80 : i32
        %dma_wait3A_389 = arith.constant 0 : i32
        %dma_wait3A_390 = tpu.memref_slice %arg11[%dma_wait3A_388, %dma_wait3A_389] : memref<240x128xf32, #tpu.memory_space<vmem>> -> memref<80x128xf32, #tpu.memory_space<vmem>>
        %dma_wait3A_391 = arith.constant 0 : i32
        %dma_wait3A_392 = tpu.memref_slice %arg9[%mul3A_366, %dma_wait3A_391] : memref<10000x128xf32, #tpu.memory_space<vmem_shared>> -> memref<80x128xf32, #tpu.memory_space<vmem_shared>>
        tpu.wait_dma2 semaphore(%run_scoped3A_372 : memref<!tpu.dma_semaphore, #tpu.memory_space<semaphore_mem>>) src(%dma_wait3A_392 : memref<80x128xf32, #tpu.memory_space<vmem_shared>>) dst(%dma_wait3A_390 : memref<80x128xf32, #tpu.memory_space<vmem>>)
        tpu.yield
      }) : () -> ()
      %mul3A_367 = arith.constant 10000 : i32
      %mul3A_368 = arith.muli %arg0, %mul3A_367 : i32
      %mul3A_369 = arith.constant 80 : i32
      %mul3A_370 = arith.muli %add3A_331, %mul3A_369 : i32
      %add3A_371 = arith.addi %mul3A_368, %mul3A_370 : i32
      "tpu.region"() ({
        %run_scoped3A_372 = tpu.sem_alloc : memref<!tpu.dma_semaphore, #tpu.memory_space<semaphore_mem>>
        %dma_start3A_373 = arith.constant 80 : i32
        %dma_start3A_374 = arith.constant 0 : i32
        %dma_start3A_375 = tpu.memref_slice %arg11[%dma_start3A_373, %dma_start3A_374] : memref<240x128xf32, #tpu.memory_space<vmem>> -> memref<80x128xf32, #tpu.memory_space<vmem>>
        %dma_start3A_376 = arith.constant 0 : i32
        %dma_start3A_377 = tpu.memref_slice %arg8[%add3A_371, %dma_start3A_376] : memref<20000x128xf32, #tpu.memory_space<hbm>> -> memref<80x128xf32, #tpu.memory_space<hbm>>
        %dma_start3A_378 = arith.constant 0 : i32
        %dma_start3A_379 = tpu.memref_slice %arg8[%add3A_371, %dma_start3A_378] : memref<20000x128xf32, #tpu.memory_space<hbm>> -> memref<80x128xf32, #tpu.memory_space<hbm>>
        %dma_start3A_380 = arith.constant 80 : i32
        %dma_start3A_381 = arith.constant 0 : i32
        %dma_start3A_382 = tpu.memref_slice %arg11[%dma_start3A_380, %dma_start3A_381] : memref<240x128xf32, #tpu.memory_space<vmem>> -> memref<80x128xf32, #tpu.memory_space<vmem>>
        tpu.enqueue_dma source(%dma_start3A_382 : memref<80x128xf32, #tpu.memory_space<vmem>>) target(%dma_start3A_379 : memref<80x128xf32, #tpu.memory_space<hbm>>) target_semaphore(%run_scoped3A_372 : memref<!tpu.dma_semaphore, #tpu.memory_space<semaphore_mem>>)
        %dma_wait3A_383 = arith.constant 80 : i32
        %dma_wait3A_384 = arith.constant 0 : i32
        %dma_wait3A_385 = tpu.memref_slice %arg11[%dma_wait3A_383, %dma_wait3A_384] : memref<240x128xf32, #tpu.memory_space<vmem>> -> memref<80x128xf32, #tpu.memory_space<vmem>>
        %dma_wait3A_386 = arith.constant 0 : i32
        %dma_wait3A_387 = tpu.memref_slice %arg8[%add3A_371, %dma_wait3A_386] : memref<20000x128xf32, #tpu.memory_space<hbm>> -> memref<80x128xf32, #tpu.memory_space<hbm>>
        %dma_wait3A_388 = arith.constant 0 : i32
        %dma_wait3A_389 = tpu.memref_slice %arg8[%add3A_371, %dma_wait3A_388] : memref<20000x128xf32, #tpu.memory_space<hbm>> -> memref<80x128xf32, #tpu.memory_space<hbm>>
        %dma_wait3A_390 = arith.constant 80 : i32
        %dma_wait3A_391 = arith.constant 0 : i32
        %dma_wait3A_392 = tpu.memref_slice %arg11[%dma_wait3A_390, %dma_wait3A_391] : memref<240x128xf32, #tpu.memory_space<vmem>> -> memref<80x128xf32, #tpu.memory_space<vmem>>
        tpu.wait_dma2 semaphore(%run_scoped3A_372 : memref<!tpu.dma_semaphore, #tpu.memory_space<semaphore_mem>>) src(%dma_wait3A_392 : memref<80x128xf32, #tpu.memory_space<vmem>>) dst(%dma_wait3A_389 : memref<80x128xf32, #tpu.memory_space<hbm>>)
        tpu.yield
      }) : () -> ()
    } else {
    }
    %add3A_337 = arith.constant 64 : i32
    %add3A_338 = arith.addi %add3A_337, %arg1 : i32
    %lt3A_339 = arith.constant 125 : i32
    %lt3A_340 = arith.cmpi slt, %add3A_338, %lt3A_339 : i32
    %convert_element_type3A_341 = arith.extui %lt3A_340 : i1 to i32
    %cond3A_342 = arith.constant 0 : i32
    %cond3A_343 = arith.cmpi ne, %convert_element_type3A_341, %cond3A_342 : i32
    scf.if %cond3A_343 {
      %mul3A_365 = arith.constant 80 : i32
      %mul3A_366 = arith.muli %add3A_338, %mul3A_365 : i32
      "tpu.region"() ({
        %run_scoped3A_372 = tpu.sem_alloc : memref<!tpu.dma_semaphore, #tpu.memory_space<semaphore_mem>>
        %dma_start3A_373 = arith.constant 80 : i32
        %dma_start3A_374 = arith.constant 0 : i32
        %dma_start3A_375 = tpu.memref_slice %arg11[%dma_start3A_373, %dma_start3A_374] : memref<240x128xf32, #tpu.memory_space<vmem>> -> memref<80x128xf32, #tpu.memory_space<vmem>>
        %dma_start3A_376 = arith.constant 0 : i32
        %dma_start3A_377 = tpu.memref_slice %arg9[%mul3A_366, %dma_start3A_376] : memref<10000x128xf32, #tpu.memory_space<vmem_shared>> -> memref<80x128xf32, #tpu.memory_space<vmem_shared>>
        %dma_start3A_378 = arith.constant 80 : i32
        %dma_start3A_379 = arith.constant 0 : i32
        %dma_start3A_380 = tpu.memref_slice %arg11[%dma_start3A_378, %dma_start3A_379] : memref<240x128xf32, #tpu.memory_space<vmem>> -> memref<80x128xf32, #tpu.memory_space<vmem>>
        %dma_start3A_381 = arith.constant 0 : i32
        %dma_start3A_382 = tpu.memref_slice %arg9[%mul3A_366, %dma_start3A_381] : memref<10000x128xf32, #tpu.memory_space<vmem_shared>> -> memref<80x128xf32, #tpu.memory_space<vmem_shared>>
        tpu.enqueue_dma source(%dma_start3A_382 : memref<80x128xf32, #tpu.memory_space<vmem_shared>>) target(%dma_start3A_380 : memref<80x128xf32, #tpu.memory_space<vmem>>) target_semaphore(%run_scoped3A_372 : memref<!tpu.dma_semaphore, #tpu.memory_space<semaphore_mem>>)
        %dma_wait3A_383 = arith.constant 80 : i32
        %dma_wait3A_384 = arith.constant 0 : i32
        %dma_wait3A_385 = tpu.memref_slice %arg11[%dma_wait3A_383, %dma_wait3A_384] : memref<240x128xf32, #tpu.memory_space<vmem>> -> memref<80x128xf32, #tpu.memory_space<vmem>>
        %dma_wait3A_386 = arith.constant 0 : i32
        %dma_wait3A_387 = tpu.memref_slice %arg9[%mul3A_366, %dma_wait3A_386] : memref<10000x128xf32, #tpu.memory_space<vmem_shared>> -> memref<80x128xf32, #tpu.memory_space<vmem_shared>>
        %dma_wait3A_388 = arith.constant 80 : i32
        %dma_wait3A_389 = arith.constant 0 : i32
        %dma_wait3A_390 = tpu.memref_slice %arg11[%dma_wait3A_388, %dma_wait3A_389] : memref<240x128xf32, #tpu.memory_space<vmem>> -> memref<80x128xf32, #tpu.memory_space<vmem>>
        %dma_wait3A_391 = arith.constant 0 : i32
        %dma_wait3A_392 = tpu.memref_slice %arg9[%mul3A_366, %dma_wait3A_391] : memref<10000x128xf32, #tpu.memory_space<vmem_shared>> -> memref<80x128xf32, #tpu.memory_space<vmem_shared>>
        tpu.wait_dma2 semaphore(%run_scoped3A_372 : memref<!tpu.dma_semaphore, #tpu.memory_space<semaphore_mem>>) src(%dma_wait3A_392 : memref<80x128xf32, #tpu.memory_space<vmem_shared>>) dst(%dma_wait3A_390 : memref<80x128xf32, #tpu.memory_space<vmem>>)
        tpu.yield
      }) : () -> ()
      %mul3A_367 = arith.constant 10000 : i32
      %mul3A_368 = arith.muli %arg0, %mul3A_367 : i32
      %mul3A_369 = arith.constant 80 : i32
      %mul3A_370 = arith.muli %add3A_338, %mul3A_369 : i32
      %add3A_371 = arith.addi %mul3A_368, %mul3A_370 : i32
      "tpu.region"() ({
        %run_scoped3A_372 = tpu.sem_alloc : memref<!tpu.dma_semaphore, #tpu.memory_space<semaphore_mem>>
        %dma_start3A_373 = arith.constant 80 : i32
        %dma_start3A_374 = arith.constant 0 : i32
        %dma_start3A_375 = tpu.memref_slice %arg11[%dma_start3A_373, %dma_start3A_374] : memref<240x128xf32, #tpu.memory_space<vmem>> -> memref<80x128xf32, #tpu.memory_space<vmem>>
        %dma_start3A_376 = arith.constant 0 : i32
        %dma_start3A_377 = tpu.memref_slice %arg8[%add3A_371, %dma_start3A_376] : memref<20000x128xf32, #tpu.memory_space<hbm>> -> memref<80x128xf32, #tpu.memory_space<hbm>>
        %dma_start3A_378 = arith.constant 0 : i32
        %dma_start3A_379 = tpu.memref_slice %arg8[%add3A_371, %dma_start3A_378] : memref<20000x128xf32, #tpu.memory_space<hbm>> -> memref<80x128xf32, #tpu.memory_space<hbm>>
        %dma_start3A_380 = arith.constant 80 : i32
        %dma_start3A_381 = arith.constant 0 : i32
        %dma_start3A_382 = tpu.memref_slice %arg11[%dma_start3A_380, %dma_start3A_381] : memref<240x128xf32, #tpu.memory_space<vmem>> -> memref<80x128xf32, #tpu.memory_space<vmem>>
        tpu.enqueue_dma source(%dma_start3A_382 : memref<80x128xf32, #tpu.memory_space<vmem>>) target(%dma_start3A_379 : memref<80x128xf32, #tpu.memory_space<hbm>>) target_semaphore(%run_scoped3A_372 : memref<!tpu.dma_semaphore, #tpu.memory_space<semaphore_mem>>)
        %dma_wait3A_383 = arith.constant 80 : i32
        %dma_wait3A_384 = arith.constant 0 : i32
        %dma_wait3A_385 = tpu.memref_slice %arg11[%dma_wait3A_383, %dma_wait3A_384] : memref<240x128xf32, #tpu.memory_space<vmem>> -> memref<80x128xf32, #tpu.memory_space<vmem>>
        %dma_wait3A_386 = arith.constant 0 : i32
        %dma_wait3A_387 = tpu.memref_slice %arg8[%add3A_371, %dma_wait3A_386] : memref<20000x128xf32, #tpu.memory_space<hbm>> -> memref<80x128xf32, #tpu.memory_space<hbm>>
        %dma_wait3A_388 = arith.constant 0 : i32
        %dma_wait3A_389 = tpu.memref_slice %arg8[%add3A_371, %dma_wait3A_388] : memref<20000x128xf32, #tpu.memory_space<hbm>> -> memref<80x128xf32, #tpu.memory_space<hbm>>
        %dma_wait3A_390 = arith.constant 80 : i32
        %dma_wait3A_391 = arith.constant 0 : i32
        %dma_wait3A_392 = tpu.memref_slice %arg11[%dma_wait3A_390, %dma_wait3A_391] : memref<240x128xf32, #tpu.memory_space<vmem>> -> memref<80x128xf32, #tpu.memory_space<vmem>>
        tpu.wait_dma2 semaphore(%run_scoped3A_372 : memref<!tpu.dma_semaphore, #tpu.memory_space<semaphore_mem>>) src(%dma_wait3A_392 : memref<80x128xf32, #tpu.memory_space<vmem>>) dst(%dma_wait3A_389 : memref<80x128xf32, #tpu.memory_space<hbm>>)
        tpu.yield
      }) : () -> ()
    } else {
    }
    %add3A_344 = arith.constant 80 : i32
    %add3A_345 = arith.addi %add3A_344, %arg1 : i32
    %lt3A_346 = arith.constant 125 : i32
    %lt3A_347 = arith.cmpi slt, %add3A_345, %lt3A_346 : i32
    %convert_element_type3A_348 = arith.extui %lt3A_347 : i1 to i32
    %cond3A_349 = arith.constant 0 : i32
    %cond3A_350 = arith.cmpi ne, %convert_element_type3A_348, %cond3A_349 : i32
    scf.if %cond3A_350 {
      %mul3A_365 = arith.constant 80 : i32
      %mul3A_366 = arith.muli %add3A_345, %mul3A_365 : i32
      "tpu.region"() ({
        %run_scoped3A_372 = tpu.sem_alloc : memref<!tpu.dma_semaphore, #tpu.memory_space<semaphore_mem>>
        %dma_start3A_373 = arith.constant 80 : i32
        %dma_start3A_374 = arith.constant 0 : i32
        %dma_start3A_375 = tpu.memref_slice %arg11[%dma_start3A_373, %dma_start3A_374] : memref<240x128xf32, #tpu.memory_space<vmem>> -> memref<80x128xf32, #tpu.memory_space<vmem>>
        %dma_start3A_376 = arith.constant 0 : i32
        %dma_start3A_377 = tpu.memref_slice %arg9[%mul3A_366, %dma_start3A_376] : memref<10000x128xf32, #tpu.memory_space<vmem_shared>> -> memref<80x128xf32, #tpu.memory_space<vmem_shared>>
        %dma_start3A_378 = arith.constant 80 : i32
        %dma_start3A_379 = arith.constant 0 : i32
        %dma_start3A_380 = tpu.memref_slice %arg11[%dma_start3A_378, %dma_start3A_379] : memref<240x128xf32, #tpu.memory_space<vmem>> -> memref<80x128xf32, #tpu.memory_space<vmem>>
        %dma_start3A_381 = arith.constant 0 : i32
        %dma_start3A_382 = tpu.memref_slice %arg9[%mul3A_366, %dma_start3A_381] : memref<10000x128xf32, #tpu.memory_space<vmem_shared>> -> memref<80x128xf32, #tpu.memory_space<vmem_shared>>
        tpu.enqueue_dma source(%dma_start3A_382 : memref<80x128xf32, #tpu.memory_space<vmem_shared>>) target(%dma_start3A_380 : memref<80x128xf32, #tpu.memory_space<vmem>>) target_semaphore(%run_scoped3A_372 : memref<!tpu.dma_semaphore, #tpu.memory_space<semaphore_mem>>)
        %dma_wait3A_383 = arith.constant 80 : i32
        %dma_wait3A_384 = arith.constant 0 : i32
        %dma_wait3A_385 = tpu.memref_slice %arg11[%dma_wait3A_383, %dma_wait3A_384] : memref<240x128xf32, #tpu.memory_space<vmem>> -> memref<80x128xf32, #tpu.memory_space<vmem>>
        %dma_wait3A_386 = arith.constant 0 : i32
        %dma_wait3A_387 = tpu.memref_slice %arg9[%mul3A_366, %dma_wait3A_386] : memref<10000x128xf32, #tpu.memory_space<vmem_shared>> -> memref<80x128xf32, #tpu.memory_space<vmem_shared>>
        %dma_wait3A_388 = arith.constant 80 : i32
        %dma_wait3A_389 = arith.constant 0 : i32
        %dma_wait3A_390 = tpu.memref_slice %arg11[%dma_wait3A_388, %dma_wait3A_389] : memref<240x128xf32, #tpu.memory_space<vmem>> -> memref<80x128xf32, #tpu.memory_space<vmem>>
        %dma_wait3A_391 = arith.constant 0 : i32
        %dma_wait3A_392 = tpu.memref_slice %arg9[%mul3A_366, %dma_wait3A_391] : memref<10000x128xf32, #tpu.memory_space<vmem_shared>> -> memref<80x128xf32, #tpu.memory_space<vmem_shared>>
        tpu.wait_dma2 semaphore(%run_scoped3A_372 : memref<!tpu.dma_semaphore, #tpu.memory_space<semaphore_mem>>) src(%dma_wait3A_392 : memref<80x128xf32, #tpu.memory_space<vmem_shared>>) dst(%dma_wait3A_390 : memref<80x128xf32, #tpu.memory_space<vmem>>)
        tpu.yield
      }) : () -> ()
      %mul3A_367 = arith.constant 10000 : i32
      %mul3A_368 = arith.muli %arg0, %mul3A_367 : i32
      %mul3A_369 = arith.constant 80 : i32
      %mul3A_370 = arith.muli %add3A_345, %mul3A_369 : i32
      %add3A_371 = arith.addi %mul3A_368, %mul3A_370 : i32
      "tpu.region"() ({
        %run_scoped3A_372 = tpu.sem_alloc : memref<!tpu.dma_semaphore, #tpu.memory_space<semaphore_mem>>
        %dma_start3A_373 = arith.constant 80 : i32
        %dma_start3A_374 = arith.constant 0 : i32
        %dma_start3A_375 = tpu.memref_slice %arg11[%dma_start3A_373, %dma_start3A_374] : memref<240x128xf32, #tpu.memory_space<vmem>> -> memref<80x128xf32, #tpu.memory_space<vmem>>
        %dma_start3A_376 = arith.constant 0 : i32
        %dma_start3A_377 = tpu.memref_slice %arg8[%add3A_371, %dma_start3A_376] : memref<20000x128xf32, #tpu.memory_space<hbm>> -> memref<80x128xf32, #tpu.memory_space<hbm>>
        %dma_start3A_378 = arith.constant 0 : i32
        %dma_start3A_379 = tpu.memref_slice %arg8[%add3A_371, %dma_start3A_378] : memref<20000x128xf32, #tpu.memory_space<hbm>> -> memref<80x128xf32, #tpu.memory_space<hbm>>
        %dma_start3A_380 = arith.constant 80 : i32
        %dma_start3A_381 = arith.constant 0 : i32
        %dma_start3A_382 = tpu.memref_slice %arg11[%dma_start3A_380, %dma_start3A_381] : memref<240x128xf32, #tpu.memory_space<vmem>> -> memref<80x128xf32, #tpu.memory_space<vmem>>
        tpu.enqueue_dma source(%dma_start3A_382 : memref<80x128xf32, #tpu.memory_space<vmem>>) target(%dma_start3A_379 : memref<80x128xf32, #tpu.memory_space<hbm>>) target_semaphore(%run_scoped3A_372 : memref<!tpu.dma_semaphore, #tpu.memory_space<semaphore_mem>>)
        %dma_wait3A_383 = arith.constant 80 : i32
        %dma_wait3A_384 = arith.constant 0 : i32
        %dma_wait3A_385 = tpu.memref_slice %arg11[%dma_wait3A_383, %dma_wait3A_384] : memref<240x128xf32, #tpu.memory_space<vmem>> -> memref<80x128xf32, #tpu.memory_space<vmem>>
        %dma_wait3A_386 = arith.constant 0 : i32
        %dma_wait3A_387 = tpu.memref_slice %arg8[%add3A_371, %dma_wait3A_386] : memref<20000x128xf32, #tpu.memory_space<hbm>> -> memref<80x128xf32, #tpu.memory_space<hbm>>
        %dma_wait3A_388 = arith.constant 0 : i32
        %dma_wait3A_389 = tpu.memref_slice %arg8[%add3A_371, %dma_wait3A_388] : memref<20000x128xf32, #tpu.memory_space<hbm>> -> memref<80x128xf32, #tpu.memory_space<hbm>>
        %dma_wait3A_390 = arith.constant 80 : i32
        %dma_wait3A_391 = arith.constant 0 : i32
        %dma_wait3A_392 = tpu.memref_slice %arg11[%dma_wait3A_390, %dma_wait3A_391] : memref<240x128xf32, #tpu.memory_space<vmem>> -> memref<80x128xf32, #tpu.memory_space<vmem>>
        tpu.wait_dma2 semaphore(%run_scoped3A_372 : memref<!tpu.dma_semaphore, #tpu.memory_space<semaphore_mem>>) src(%dma_wait3A_392 : memref<80x128xf32, #tpu.memory_space<vmem>>) dst(%dma_wait3A_389 : memref<80x128xf32, #tpu.memory_space<hbm>>)
        tpu.yield
      }) : () -> ()
    } else {
    }
    %add3A_351 = arith.constant 96 : i32
    %add3A_352 = arith.addi %add3A_351, %arg1 : i32
    %lt3A_353 = arith.constant 125 : i32
    %lt3A_354 = arith.cmpi slt, %add3A_352, %lt3A_353 : i32
    %convert_element_type3A_355 = arith.extui %lt3A_354 : i1 to i32
    %cond3A_356 = arith.constant 0 : i32
    %cond3A_357 = arith.cmpi ne, %convert_element_type3A_355, %cond3A_356 : i32
    scf.if %cond3A_357 {
      %mul3A_365 = arith.constant 80 : i32
      %mul3A_366 = arith.muli %add3A_352, %mul3A_365 : i32
      "tpu.region"() ({
        %run_scoped3A_372 = tpu.sem_alloc : memref<!tpu.dma_semaphore, #tpu.memory_space<semaphore_mem>>
        %dma_start3A_373 = arith.constant 80 : i32
        %dma_start3A_374 = arith.constant 0 : i32
        %dma_start3A_375 = tpu.memref_slice %arg11[%dma_start3A_373, %dma_start3A_374] : memref<240x128xf32, #tpu.memory_space<vmem>> -> memref<80x128xf32, #tpu.memory_space<vmem>>
        %dma_start3A_376 = arith.constant 0 : i32
        %dma_start3A_377 = tpu.memref_slice %arg9[%mul3A_366, %dma_start3A_376] : memref<10000x128xf32, #tpu.memory_space<vmem_shared>> -> memref<80x128xf32, #tpu.memory_space<vmem_shared>>
        %dma_start3A_378 = arith.constant 80 : i32
        %dma_start3A_379 = arith.constant 0 : i32
        %dma_start3A_380 = tpu.memref_slice %arg11[%dma_start3A_378, %dma_start3A_379] : memref<240x128xf32, #tpu.memory_space<vmem>> -> memref<80x128xf32, #tpu.memory_space<vmem>>
        %dma_start3A_381 = arith.constant 0 : i32
        %dma_start3A_382 = tpu.memref_slice %arg9[%mul3A_366, %dma_start3A_381] : memref<10000x128xf32, #tpu.memory_space<vmem_shared>> -> memref<80x128xf32, #tpu.memory_space<vmem_shared>>
        tpu.enqueue_dma source(%dma_start3A_382 : memref<80x128xf32, #tpu.memory_space<vmem_shared>>) target(%dma_start3A_380 : memref<80x128xf32, #tpu.memory_space<vmem>>) target_semaphore(%run_scoped3A_372 : memref<!tpu.dma_semaphore, #tpu.memory_space<semaphore_mem>>)
        %dma_wait3A_383 = arith.constant 80 : i32
        %dma_wait3A_384 = arith.constant 0 : i32
        %dma_wait3A_385 = tpu.memref_slice %arg11[%dma_wait3A_383, %dma_wait3A_384] : memref<240x128xf32, #tpu.memory_space<vmem>> -> memref<80x128xf32, #tpu.memory_space<vmem>>
        %dma_wait3A_386 = arith.constant 0 : i32
        %dma_wait3A_387 = tpu.memref_slice %arg9[%mul3A_366, %dma_wait3A_386] : memref<10000x128xf32, #tpu.memory_space<vmem_shared>> -> memref<80x128xf32, #tpu.memory_space<vmem_shared>>
        %dma_wait3A_388 = arith.constant 80 : i32
        %dma_wait3A_389 = arith.constant 0 : i32
        %dma_wait3A_390 = tpu.memref_slice %arg11[%dma_wait3A_388, %dma_wait3A_389] : memref<240x128xf32, #tpu.memory_space<vmem>> -> memref<80x128xf32, #tpu.memory_space<vmem>>
        %dma_wait3A_391 = arith.constant 0 : i32
        %dma_wait3A_392 = tpu.memref_slice %arg9[%mul3A_366, %dma_wait3A_391] : memref<10000x128xf32, #tpu.memory_space<vmem_shared>> -> memref<80x128xf32, #tpu.memory_space<vmem_shared>>
        tpu.wait_dma2 semaphore(%run_scoped3A_372 : memref<!tpu.dma_semaphore, #tpu.memory_space<semaphore_mem>>) src(%dma_wait3A_392 : memref<80x128xf32, #tpu.memory_space<vmem_shared>>) dst(%dma_wait3A_390 : memref<80x128xf32, #tpu.memory_space<vmem>>)
        tpu.yield
      }) : () -> ()
      %mul3A_367 = arith.constant 10000 : i32
      %mul3A_368 = arith.muli %arg0, %mul3A_367 : i32
      %mul3A_369 = arith.constant 80 : i32
      %mul3A_370 = arith.muli %add3A_352, %mul3A_369 : i32
      %add3A_371 = arith.addi %mul3A_368, %mul3A_370 : i32
      "tpu.region"() ({
        %run_scoped3A_372 = tpu.sem_alloc : memref<!tpu.dma_semaphore, #tpu.memory_space<semaphore_mem>>
        %dma_start3A_373 = arith.constant 80 : i32
        %dma_start3A_374 = arith.constant 0 : i32
        %dma_start3A_375 = tpu.memref_slice %arg11[%dma_start3A_373, %dma_start3A_374] : memref<240x128xf32, #tpu.memory_space<vmem>> -> memref<80x128xf32, #tpu.memory_space<vmem>>
        %dma_start3A_376 = arith.constant 0 : i32
        %dma_start3A_377 = tpu.memref_slice %arg8[%add3A_371, %dma_start3A_376] : memref<20000x128xf32, #tpu.memory_space<hbm>> -> memref<80x128xf32, #tpu.memory_space<hbm>>
        %dma_start3A_378 = arith.constant 0 : i32
        %dma_start3A_379 = tpu.memref_slice %arg8[%add3A_371, %dma_start3A_378] : memref<20000x128xf32, #tpu.memory_space<hbm>> -> memref<80x128xf32, #tpu.memory_space<hbm>>
        %dma_start3A_380 = arith.constant 80 : i32
        %dma_start3A_381 = arith.constant 0 : i32
        %dma_start3A_382 = tpu.memref_slice %arg11[%dma_start3A_380, %dma_start3A_381] : memref<240x128xf32, #tpu.memory_space<vmem>> -> memref<80x128xf32, #tpu.memory_space<vmem>>
        tpu.enqueue_dma source(%dma_start3A_382 : memref<80x128xf32, #tpu.memory_space<vmem>>) target(%dma_start3A_379 : memref<80x128xf32, #tpu.memory_space<hbm>>) target_semaphore(%run_scoped3A_372 : memref<!tpu.dma_semaphore, #tpu.memory_space<semaphore_mem>>)
        %dma_wait3A_383 = arith.constant 80 : i32
        %dma_wait3A_384 = arith.constant 0 : i32
        %dma_wait3A_385 = tpu.memref_slice %arg11[%dma_wait3A_383, %dma_wait3A_384] : memref<240x128xf32, #tpu.memory_space<vmem>> -> memref<80x128xf32, #tpu.memory_space<vmem>>
        %dma_wait3A_386 = arith.constant 0 : i32
        %dma_wait3A_387 = tpu.memref_slice %arg8[%add3A_371, %dma_wait3A_386] : memref<20000x128xf32, #tpu.memory_space<hbm>> -> memref<80x128xf32, #tpu.memory_space<hbm>>
        %dma_wait3A_388 = arith.constant 0 : i32
        %dma_wait3A_389 = tpu.memref_slice %arg8[%add3A_371, %dma_wait3A_388] : memref<20000x128xf32, #tpu.memory_space<hbm>> -> memref<80x128xf32, #tpu.memory_space<hbm>>
        %dma_wait3A_390 = arith.constant 80 : i32
        %dma_wait3A_391 = arith.constant 0 : i32
        %dma_wait3A_392 = tpu.memref_slice %arg11[%dma_wait3A_390, %dma_wait3A_391] : memref<240x128xf32, #tpu.memory_space<vmem>> -> memref<80x128xf32, #tpu.memory_space<vmem>>
        tpu.wait_dma2 semaphore(%run_scoped3A_372 : memref<!tpu.dma_semaphore, #tpu.memory_space<semaphore_mem>>) src(%dma_wait3A_392 : memref<80x128xf32, #tpu.memory_space<vmem>>) dst(%dma_wait3A_389 : memref<80x128xf32, #tpu.memory_space<hbm>>)
        tpu.yield
      }) : () -> ()
    } else {
    }
    %add3A_358 = arith.constant 112 : i32
    %add3A_359 = arith.addi %add3A_358, %arg1 : i32
    %lt3A_360 = arith.constant 125 : i32
    %lt3A_361 = arith.cmpi slt, %add3A_359, %lt3A_360 : i32
    %convert_element_type3A_362 = arith.extui %lt3A_361 : i1 to i32
    %cond3A_363 = arith.constant 0 : i32
    %cond3A_364 = arith.cmpi ne, %convert_element_type3A_362, %cond3A_363 : i32
    scf.if %cond3A_364 {
      %mul3A_365 = arith.constant 80 : i32
      %mul3A_366 = arith.muli %add3A_359, %mul3A_365 : i32
      "tpu.region"() ({
        %run_scoped3A_372 = tpu.sem_alloc : memref<!tpu.dma_semaphore, #tpu.memory_space<semaphore_mem>>
        %dma_start3A_373 = arith.constant 80 : i32
        %dma_start3A_374 = arith.constant 0 : i32
        %dma_start3A_375 = tpu.memref_slice %arg11[%dma_start3A_373, %dma_start3A_374] : memref<240x128xf32, #tpu.memory_space<vmem>> -> memref<80x128xf32, #tpu.memory_space<vmem>>
        %dma_start3A_376 = arith.constant 0 : i32
        %dma_start3A_377 = tpu.memref_slice %arg9[%mul3A_366, %dma_start3A_376] : memref<10000x128xf32, #tpu.memory_space<vmem_shared>> -> memref<80x128xf32, #tpu.memory_space<vmem_shared>>
        %dma_start3A_378 = arith.constant 80 : i32
        %dma_start3A_379 = arith.constant 0 : i32
        %dma_start3A_380 = tpu.memref_slice %arg11[%dma_start3A_378, %dma_start3A_379] : memref<240x128xf32, #tpu.memory_space<vmem>> -> memref<80x128xf32, #tpu.memory_space<vmem>>
        %dma_start3A_381 = arith.constant 0 : i32
        %dma_start3A_382 = tpu.memref_slice %arg9[%mul3A_366, %dma_start3A_381] : memref<10000x128xf32, #tpu.memory_space<vmem_shared>> -> memref<80x128xf32, #tpu.memory_space<vmem_shared>>
        tpu.enqueue_dma source(%dma_start3A_382 : memref<80x128xf32, #tpu.memory_space<vmem_shared>>) target(%dma_start3A_380 : memref<80x128xf32, #tpu.memory_space<vmem>>) target_semaphore(%run_scoped3A_372 : memref<!tpu.dma_semaphore, #tpu.memory_space<semaphore_mem>>)
        %dma_wait3A_383 = arith.constant 80 : i32
        %dma_wait3A_384 = arith.constant 0 : i32
        %dma_wait3A_385 = tpu.memref_slice %arg11[%dma_wait3A_383, %dma_wait3A_384] : memref<240x128xf32, #tpu.memory_space<vmem>> -> memref<80x128xf32, #tpu.memory_space<vmem>>
        %dma_wait3A_386 = arith.constant 0 : i32
        %dma_wait3A_387 = tpu.memref_slice %arg9[%mul3A_366, %dma_wait3A_386] : memref<10000x128xf32, #tpu.memory_space<vmem_shared>> -> memref<80x128xf32, #tpu.memory_space<vmem_shared>>
        %dma_wait3A_388 = arith.constant 80 : i32
        %dma_wait3A_389 = arith.constant 0 : i32
        %dma_wait3A_390 = tpu.memref_slice %arg11[%dma_wait3A_388, %dma_wait3A_389] : memref<240x128xf32, #tpu.memory_space<vmem>> -> memref<80x128xf32, #tpu.memory_space<vmem>>
        %dma_wait3A_391 = arith.constant 0 : i32
        %dma_wait3A_392 = tpu.memref_slice %arg9[%mul3A_366, %dma_wait3A_391] : memref<10000x128xf32, #tpu.memory_space<vmem_shared>> -> memref<80x128xf32, #tpu.memory_space<vmem_shared>>
        tpu.wait_dma2 semaphore(%run_scoped3A_372 : memref<!tpu.dma_semaphore, #tpu.memory_space<semaphore_mem>>) src(%dma_wait3A_392 : memref<80x128xf32, #tpu.memory_space<vmem_shared>>) dst(%dma_wait3A_390 : memref<80x128xf32, #tpu.memory_space<vmem>>)
        tpu.yield
      }) : () -> ()
      %mul3A_367 = arith.constant 10000 : i32
      %mul3A_368 = arith.muli %arg0, %mul3A_367 : i32
      %mul3A_369 = arith.constant 80 : i32
      %mul3A_370 = arith.muli %add3A_359, %mul3A_369 : i32
      %add3A_371 = arith.addi %mul3A_368, %mul3A_370 : i32
      "tpu.region"() ({
        %run_scoped3A_372 = tpu.sem_alloc : memref<!tpu.dma_semaphore, #tpu.memory_space<semaphore_mem>>
        %dma_start3A_373 = arith.constant 80 : i32
        %dma_start3A_374 = arith.constant 0 : i32
        %dma_start3A_375 = tpu.memref_slice %arg11[%dma_start3A_373, %dma_start3A_374] : memref<240x128xf32, #tpu.memory_space<vmem>> -> memref<80x128xf32, #tpu.memory_space<vmem>>
        %dma_start3A_376 = arith.constant 0 : i32
        %dma_start3A_377 = tpu.memref_slice %arg8[%add3A_371, %dma_start3A_376] : memref<20000x128xf32, #tpu.memory_space<hbm>> -> memref<80x128xf32, #tpu.memory_space<hbm>>
        %dma_start3A_378 = arith.constant 0 : i32
        %dma_start3A_379 = tpu.memref_slice %arg8[%add3A_371, %dma_start3A_378] : memref<20000x128xf32, #tpu.memory_space<hbm>> -> memref<80x128xf32, #tpu.memory_space<hbm>>
        %dma_start3A_380 = arith.constant 80 : i32
        %dma_start3A_381 = arith.constant 0 : i32
        %dma_start3A_382 = tpu.memref_slice %arg11[%dma_start3A_380, %dma_start3A_381] : memref<240x128xf32, #tpu.memory_space<vmem>> -> memref<80x128xf32, #tpu.memory_space<vmem>>
        tpu.enqueue_dma source(%dma_start3A_382 : memref<80x128xf32, #tpu.memory_space<vmem>>) target(%dma_start3A_379 : memref<80x128xf32, #tpu.memory_space<hbm>>) target_semaphore(%run_scoped3A_372 : memref<!tpu.dma_semaphore, #tpu.memory_space<semaphore_mem>>)
        %dma_wait3A_383 = arith.constant 80 : i32
        %dma_wait3A_384 = arith.constant 0 : i32
        %dma_wait3A_385 = tpu.memref_slice %arg11[%dma_wait3A_383, %dma_wait3A_384] : memref<240x128xf32, #tpu.memory_space<vmem>> -> memref<80x128xf32, #tpu.memory_space<vmem>>
        %dma_wait3A_386 = arith.constant 0 : i32
        %dma_wait3A_387 = tpu.memref_slice %arg8[%add3A_371, %dma_wait3A_386] : memref<20000x128xf32, #tpu.memory_space<hbm>> -> memref<80x128xf32, #tpu.memory_space<hbm>>
        %dma_wait3A_388 = arith.constant 0 : i32
        %dma_wait3A_389 = tpu.memref_slice %arg8[%add3A_371, %dma_wait3A_388] : memref<20000x128xf32, #tpu.memory_space<hbm>> -> memref<80x128xf32, #tpu.memory_space<hbm>>
        %dma_wait3A_390 = arith.constant 80 : i32
        %dma_wait3A_391 = arith.constant 0 : i32
        %dma_wait3A_392 = tpu.memref_slice %arg11[%dma_wait3A_390, %dma_wait3A_391] : memref<240x128xf32, #tpu.memory_space<vmem>> -> memref<80x128xf32, #tpu.memory_space<vmem>>
        tpu.wait_dma2 semaphore(%run_scoped3A_372 : memref<!tpu.dma_semaphore, #tpu.memory_space<semaphore_mem>>) src(%dma_wait3A_392 : memref<80x128xf32, #tpu.memory_space<vmem>>) dst(%dma_wait3A_389 : memref<80x128xf32, #tpu.memory_space<hbm>>)
        tpu.yield
      }) : () -> ()
    } else {
    }
    return
  }
}

</mosaic_0001>

<sc_bundles>
// kernel: _sc_aggregate.3.cloned.1.call-start
scs
__scs_entry_jumppad:
0x0: {  	(pc) =	sbr.rel $0x88, $3  }
0x1: {  	(tag) =	ssettag $0x0;
	lr =	simm.s32 $0x1  }
0x2: {  	[smem:$0x3F9E] =	sst lr;
	_ =	strace $0xD0000000  }
0x3: {  	_ = 	snop  }
0x4: {  	_ = 	snop  }
0x5: {  	_ = 	snop  }
0x6: {  	_ = 	snop  }
0x7: {  	_ = 	snop  }
__scs_overlays_trampoline_lowered:
0x8: {  	[smem:$0x3FAD] =	sst s0  }
0x9: {  	[smem:$0x3FAE] =	sst s1  }
0xa: {  	[smem:$0x3FAF] =	sst s2  }
0xb: {  	[smem:$0x3FB0] =	sst s3  }
0xc: {  	[smem:$0x3FB1] =	sst s4  }
0xd: {  	[smem:$0x3FB2] =	sst s5  }
0xe: {  	[smem:$0x3FB3] =	sst s6  }
0xf: {  	[smem:$0x3FB4] =	sst s7  }
0x10: {  	[smem:$0x3FB5] =	sst s8  }
0x11: {  	[smem:$0x3FB6] =	sst s9;
	s0 =	simm.s32 @!p0 $0x0  }
0x12: {  	s1 =	sld [smem:$0x3F9C];
	s0 =	simm.s32 @p0 $0x1  }
0x13: {  	[smem:$0x3FB7] =	sst s0;
	s0 =	simm.s32 @!p1 $0x0  }
0x14: {  	s2 =	sld [smem:$0x3F9B];
	s0 =	simm.s32 @p1 $0x1  }
0x15: {  	[smem:$0x3FB8] =	sst s0;
	s0 =	simm.s32 @!p2 $0x0  }
0x16: {  	s3 =	sld [smem:$0x3FDB];
	s0 =	simm.s32 @p2 $0x1  }
0x17: {  	s4 =	simm.s32 $0x1BF5;
	[smem:$0x3FBA] =	sst s0  }
0x18: {  	s0 =	sld [smem:$0x3F9D];
	_ =	swait.ge [sflag:s4], $0x0  }
0x19: {  	s7 =	sld [smem:$0x3F9E]  }
0x1a: {  	s8 =	sadd.s32 $0xFFFFE003, lr  }
0x1b: {  	s9 =	sadd.s32 $0xFFFFFEF7, lr;
	s5 =	simm.s32 $0xFFFFFFFF;
	p2 =	slt.u32 s8, $0xFFFFF086  }
0x1c: {  	p1 =	slt.u32 s9, $0xF7A;
	s5 =	simm.s32 @!p2 $0x0  }
0x1d: {  	s5 =	simm.s32 @p1 $0x1;
	p0 =	seq.s32 s7, s2  }
0x1e: {  	s7 =	smul.u32 @!p0 $0xF7A, s2;
	p2 =	seq.s32 @!p0 s5, $0x0  }
0x1f: {  	s9 =	smul.u32 $0xF7A, s1;
	s8 =	simm.s32 @!p0 $0x1BF5;
	p2 =	por !p2, p0  }
0x20: {  	[sflag:s8] =	ssyncset.s32 @!p0 $0xFFFFF086;
	s6 =	sadd.s32 @!p0 s3, s7;
	s7 =	simm.s32 @!p0 $0x108  }
0x21: {  	s3 =	sadd.s32 s3, s9;
	s6 =	sadd.s32 @!p0 $0x88, s6;
	s7 =	simm.s32 @p2 $0x1082  }
0x22: {  	[simem:s7], [sflag:s8] =	dma.local @!p0 [hbm:s6], $0xF7A  }
0x23: {  	s9 =	sor.u32 $0xD0000000, s2;
	s6 =	simm.s32 $0x108;
	_ =	swait.ge @!p0 [sflag:s8], $0x0  }
0x24: {  	s3 =	sadd.s32 $0x88, s3;
	s6 =	simm.s32 @!p1 $0x1082;
	[sflag:s4] =	ssyncset.s32 $0xFFFFF086  }
0x25: {  	[simem:s6], [sflag:s4] =	dma.local [hbm:s3], $0xF7A  }
0x26: {  	[smem:$0x3F9E] =	sst s1;
	(tag) =	ssettag s2;
	_ =	strace s9  }
0x27: {  	s1 =	sld [smem:$0x3FAE]  }
0x28: {  	s2 =	sld [smem:$0x3FAF]  }
0x29: {  	s4 =	sld [smem:$0x3FB1]  }
0x2a: {  	p0 =	seq.s32 s5, $0x0;
	s5 =	sld [smem:$0x3FB2]  }
0x2b: {  	s6 =	sld [smem:$0x3FB3]  }
0x2c: {  	s7 =	sld [smem:$0x3FB4]  }
0x2d: {  	s3 =	simm.s32 $0x108;
	s8 =	sld [smem:$0x3FB5]  }
0x2e: {  	s3 =	simm.s32 @!p0 $0x1082;
	s9 =	sld [smem:$0x3FB6]  }
0x2f: {  	lr =	sadd.s32 s0, s3;
	s0 =	sld [smem:$0x3FAD]  }
0x30: {  	s3 =	sld [smem:$0x3FB0]  }
0x31: {  	[smem:$0x3FB9] =	sst s10  }
0x32: {  	s10 =	sld [smem:$0x3FB7];
	_ =	sdelay $0x3  }
0x33: {  	p0 =	seq.s32 s10, $0x1;
	s10 =	sld [smem:$0x3FB9];
	_ =	sdelay $0x3  }
0x34: {  	[smem:$0x3FB9] =	sst s10  }
0x35: {  	s10 =	sld [smem:$0x3FB8];
	_ =	sdelay $0x3  }
0x36: {  	p1 =	seq.s32 s10, $0x1;
	s10 =	sld [smem:$0x3FB9];
	_ =	sdelay $0x3  }
0x37: {  	[smem:$0x3FB9] =	sst s10  }
0x38: {  	s10 =	sld [smem:$0x3FBA]  }
0x39: {  	_ = 	snop;
	(pc) =	sbr.ind lr, $3  }
0x3a: {  	_ = 	snop  }
0x3b: {  	_ = 	snop  }
0x3c: {  	p2 =	seq.s32 s10, $0x1;
	s10 =	sld [smem:$0x3FB9]  }
0x3d: {  	_ =	shalt  }
0x3e: {  	_ =	shalt  }
0x3f: {  	_ =	shalt  }
0x40: {  	_ =	shalt  }
0x41: {  	_ =	shalt  }
0x42: {  	_ =	shalt  }
0x43: {  	_ =	shalt  }
0x44: {  	_ =	shalt  }
0x45: {  	_ =	shalt  }
0x46: {  	_ =	shalt  }
0x47: {  	_ =	shalt  }
0x48: {  	_ =	shalt  }
0x49: {  	_ =	shalt  }
0x4a: {  	_ =	shalt  }
0x4b: {  	_ =	shalt  }
0x4c: {  	_ =	shalt  }
0x4d: {  	_ =	shalt  }
0x4e: {  	_ =	shalt  }
0x4f: {  	_ =	shalt  }
0x50: {  	_ =	shalt  }
0x51: {  	_ =	shalt  }
0x52: {  	_ =	shalt  }
0x53: {  	_ =	shalt  }
0x54: {  	_ =	shalt  }
0x55: {  	_ =	shalt  }
0x56: {  	_ =	shalt  }
0x57: {  	_ =	shalt  }
0x58: {  	_ =	shalt  }
0x59: {  	_ =	shalt  }
0x5a: {  	_ =	shalt  }
0x5b: {  	_ =	shalt  }
0x5c: {  	_ =	shalt  }
0x5d: {  	_ =	shalt  }
0x5e: {  	_ =	shalt  }
0x5f: {  	_ =	shalt  }
0x60: {  	_ =	shalt  }
0x61: {  	_ =	shalt  }
0x62: {  	_ =	shalt  }
0x63: {  	_ =	shalt  }
0x64: {  	_ =	shalt  }
0x65: {  	_ =	shalt  }
0x66: {  	_ =	shalt  }
0x67: {  	_ =	shalt  }
0x68: {  	_ =	shalt  }
0x69: {  	_ =	shalt  }
0x6a: {  	_ =	shalt  }
0x6b: {  	_ =	shalt  }
0x6c: {  	_ =	shalt  }
0x6d: {  	_ =	shalt  }
0x6e: {  	_ =	shalt  }
0x6f: {  	_ =	shalt  }
0x70: {  	_ =	shalt  }
0x71: {  	_ =	shalt  }
0x72: {  	_ =	shalt  }
0x73: {  	_ =	shalt  }
0x74: {  	_ =	shalt  }
0x75: {  	_ =	shalt  }
0x76: {  	_ =	shalt  }
0x77: {  	_ =	shalt  }
0x78: {  	_ =	shalt  }
0x79: {  	_ =	shalt  }
0x7a: {  	_ =	shalt  }
0x7b: {  	_ =	shalt  }
0x7c: {  	_ =	shalt  }
0x7d: {  	_ =	shalt  }
0x7e: {  	_ =	shalt  }
0x7f: {  	_ =	shalt  }
0x80: {  	_ =	shalt  }
0x81: {  	_ =	shalt  }
0x82: {  	_ =	shalt  }
0x83: {  	_ =	shalt  }
0x84: {  	_ =	shalt  }
0x85: {  	_ =	shalt  }
0x86: {  	_ =	shalt  }
0x87: {  	_ =	shalt  }
.Lfunc_end0:
.L_simem_size_0:
called_computation_lowered:
.L_overlay_start_0:
0x88: {  	s2 =	sld [smem:$0x3FD9]  }
0x89: {  	s3 =	sld [smem:$0x3FFE];
	_ =	sdelay $0x1  }
0x8a: {  	s1 =	srdreg.scid  }
0x8b: {  	s0 =	sand.u32 $0x1, s1  }
0x8c: {  	s14 =	sshll.u32 s0, $0xA;
	s2 =	sadd.s32 s3, s2  }
0x8d: {  	s2 =	sadd.s32 s2, s14  }
0x8e: {  	[smem:$0x3FC5] =	sst s2  }
0x8f: {  	_ = 	snop  }
0x90: {  	s2 =	sld [smem:$0x3FD0];
	_ =	sdelay $0x1  }
0x91: {  	s15 =	sld [smem:$0x3FC9]  }
0x92: {  	s5 =	simm.s32 $0xA;
	s6 =	simm.s32 $0x10;
	s4 =	sld [smem:$0x3FC8]  }
0x93: {  	[smem:s6], [sflag:s5] =	dma.local [hbm:s2], $0x1  }
0x94: {  	_ =	swait.eq [sflag:s5], $0x1  }
0x95: {  	[sflag:s5] =	ssyncset.done $0x0  }
0x96: {  	s16 =	sld [smem:$0x10];
	[sflag:s5] =	ssyncadd.s32 $0xFFFFFFFF  }
0x97: {  	s17 =	sld [smem:$0x11];
	(tm) =	ssettm $0x1  }
0x98: {  	s18 =	sld [smem:$0x3FFB];
	_ =	sdelay $0x3  }
0x99: {  	_ =	strace s18  }
0x9a: {  	s6 =	sld [smem:$0x3FFC];
	_ =	sdelay $0x3  }
0x9b: {  	_ =	strace s6  }
0x9c: {  	s6 =	sld [smem:$0x3FFD];
	_ =	sdelay $0x3  }
0x9d: {  	_ =	strace s6  }
0x9e: {  	_ =	strace $0x8FFFFFFF  }
0x9f: {  	s19 =	sld [smem:$0x3FDB];
	_ =	sdelay $0x1  }
0xa0: {  	s7 =	simm.s32 $_scs_section_size  }
0xa1: {  	s8 =	simm.s32 $_size__tile_overlayer_lowered;
	s9 =	simm.s32 $_tile_overlayer_lowered  }
0xa2: {  	s22 =	simm.s32 $0x1BFF;
	s21 =	sshll.u32 s9, $0x1;
	s6 =	sadd.s32 s7, s19  }
0xa3: {  	s10 =	simm.s32 $0x0;
	s20 =	sshll.u32 s8, $0x1;
	s8 =	sadd.s32 s21, s6  }
0xa4: {  	[timem:s10], [sflag:s22] =	dma.local [hbm:s8], s20  }
0xa5: {  	_ =	swait.ge [sflag:s22], s20  }
0xa6: {  	s7 =	ssub.s32 $0x0, s20;
	[sflag:s22] =	ssyncset.done $0x0  }
0xa7: {  	[sflag:s22] =	ssyncadd.s32 s7;
	_ =	sdelay $0x1  }
0xa8: {  	s23 =	simm.s32 $0x1B8B  }
0xa9: {  	_ =	swait.ge [sflag:s23], $0x1  }
0xaa: {  	[sflag:s23] =	ssyncset.done $0x0  }
0xab: {  	s25 =	simm.s32 $0x1B8E;
	s24 =	sld [smem:$0x3FFE];
	[sflag:s23] =	ssyncadd.s32 $0xFFFFFFFF  }
0xac: {  	s26 =	simm.s32 $execute0_lowered;
	[smem:$0x3FD2] =	sst s25  }
0xad: {  	s8 =	sshll.u32 s26, $0x1;
	_ =	strace $0x80000046;
	[dreg:$0x1] =	wrdreg $0xFFFFFFFF  }
0xae: {  	s28 =	simm.s32 $_size_execute0_lowered;
	s6 =	sadd.s32 s6, s8;
	[dreg:$0x0] =	wrdreg $0x0  }
0xaf: {  	s8 =	sshll.u32 s28, $0x1;
	[dreg:$0x2] =	wrdreg s6  }
0xb0: {  	[dreg:$0x3] =	wrdreg s8  }
0xb1: {  	[dreg:$0x4] =	wrdreg $0xC0  }
0xb2: {  	_ =	task [dreg:s10], $0x5FFFF  }
0xb3: {  	[dreg:$0x1] =	wrdreg $0xFFFFFFFF  }
0xb4: {  	[dreg:$0x0] =	wrdreg $0x60  }
0xb5: {  	[dreg:$0x2] =	wrdreg s15  }
0xb6: {  	[dreg:$0x3] =	wrdreg s4  }
0xb7: {  	[dreg:$0x4] =	wrdreg s24  }
0xb8: {  	[dreg:$0x5] =	wrdreg s16  }
0xb9: {  	[dreg:$0x6] =	wrdreg s17  }
0xba: {  	[dreg:$0x7] =	wrdreg $0x0  }
0xbb: {  	[dreg:$0x8] =	wrdreg $0x9  }
0xbc: {  	_ =	task.clear_ibuf [dreg:s10], $0x9FFFF;
	_ =	strace $0x90000046  }
0xbd: {  	s29 =	simm.s32 $0x9;
	_ =	strace $0x80000048  }
0xbe: {  	_ =	swait.ge [sflag:s29], $0x1  }
0xbf: {  	[sflag:s29] =	ssyncadd.s32 $0xFFFFFFFF  }
0xc0: {  	_ =	strace $0x90000048  }
0xc1: {  	_ =	sfence  }
0xc2: {  	s30 =	sld [smem:$0x0];
	_ =	sdelay $0x2  }
0xc3: {  	s31 =	sshll.u32 s1, $0xD;
	s1 =	sshrl.u32 s1, $0x2  }
0xc4: {  	s3 =	sand.u32 $0x4000, s31;
	s1 =	sadd.s32 s1, s30  }
0xc5: {  	s0 =	sor.u32 s3, s0;
	s1 =	sshll.u32 s1, $0x11  }
0xc6: {  	s0 =	sor.u32 s1, s0  }
0xc7: {  	s0 =	sadd.s32 $0x8F2B, s0  }
0xc8: {  	[sflag:s0] =	ssyncadd.remote.s32 $0x1  }
0xc9: {  	_ =	sfence.sel $0xFFFF  }
0xca: {  	[dreg:$0x0] =	wrdreg $0xFFFFFFFF;
	(pc) =	sbr.abs _section_cstart, $3  }
0xcb: {  	[dreg:$0x1] =	wrdreg $0xFFFFFFFF  }
0xcc: {  	_ =	task.clear_ibuf [dreg:s10], $0x2FFFF;
	_ =	strace $0x9FFFFFFF  }
0xcd: {  	(tm) =	ssettm $0x7FFFFFFF  }
tec
execute0_lowered:
.L_overlay_start_1:
0x0: {  	(tag) =	ssettag $0x1  }
0x1: {  	s0 =	srdreg.scid;
	s21 =	stileid.u32  }
0x2: {  	s9 =	sand.u32 $0x1, s0;
	s13 =	smul.u32 $0x50, s21  }
0x3: {  	s11 =	sor.u32 $0x10, s21;
	s12 =	smul.u32 $0x2710, s9  }
0x4: {  	s8 =	sor.u32 $0x20, s21;
	s14 =	smul.u32 $0x50, s11  }
0x5: {  	s10 =	rddreg [dreg:$0x3];
	s7 =	sor.u32 $0x30, s21;
	s15 =	smul.u32 $0x50, s8  }
0x6: {  	s1 =	simm.s32 $0x0;
	s6 =	sor.u32 $0x40, s21;
	s25 =	smul.u32 $0x50, s7  }
0x7: {  	[smem:$0x7FF] =	sst s1;
	s5 =	sor.u32 $0x50, s21;
	s26 =	smul.u32 $0x50, s6  }
0x8: {  	s4 =	sor.u32 $0x60, s21;
	s0 =	ssub.s32 $0x2, s9;
	s18 =	smul.u32 $0x50, s5  }
0x9: {  	s24 =	sshll.u32 s9, $0x4;
	s22 =	smul.u32 $0x50, s4;
	s2 =	sshrl.u32 s0, $0x1  }
0xa: {  	s3 =	ssub.s32 s0, s2;
	s2 =	sor.u32 s21, s24;
	s0 =	sor.u32 $0x70, s21  }
0xb: {  	s13 =	sadd.s32 s13, s12;
	s14 =	sadd.s32 s12, s14;
	s15 =	sadd.s32 s12, s15  }
0xc: {  	s18 =	sadd.s32 s12, s18;
	s13 =	sshll.u32 s13, $0x4;
	s14 =	sshll.u32 s14, $0x4  }
0xd: {  	s15 =	sshll.u32 s15, $0x4;
	s23 =	smul.u32 $0x50, s0;
	s16 =	sadd.s32 s10, s13  }
0xe: {  	s18 =	sshll.u32 s18, $0x4;
	s17 =	sadd.s32 s10, s14;
	[dreg:$0x7] =	wrdreg s16  }
0xf: {  	s19 =	sadd.s32 s10, s15;
	[dreg:$0x8] =	wrdreg s17;
	s16 =	sadd.s32 s12, s25  }
0x10: {  	[dreg:$0x9] =	wrdreg s19;
	s17 =	sadd.s32 s12, s26;
	s19 =	sadd.s32 s12, s22  }
0x11: {  	s12 =	sadd.s32 s12, s23;
	s25 =	sadd.s32 s10, s18;
	s16 =	sshll.u32 s16, $0x4  }
0x12: {  	s17 =	sshll.u32 s17, $0x4;
	[dreg:$0xc] =	wrdreg s25;
	s20 =	sadd.s32 s10, s16  }
0x13: {  	s19 =	sshll.u32 s19, $0x4;
	s24 =	sadd.s32 s10, s17;
	[dreg:$0xa] =	wrdreg s20  }
0x14: {  	s12 =	sshll.u32 s12, $0x4;
	s26 =	sadd.s32 s10, s19;
	[dreg:$0xb] =	wrdreg s24  }
0x15: {  	s9 =	smul.u32 $0x271000, s9;
	s10 =	sadd.s32 s10, s12;
	[dreg:$0xd] =	wrdreg s26  }
0x16: {  	s8 =	smul.u32 $0xA000, s8;
	[dreg:$0xe] =	wrdreg s10  }
0x17: {  	s7 =	smul.u32 $0xA000, s7;
	s20 =	rddreg [dreg:$0x4]  }
0x18: {  	s13 =	sadd.s32 s20, s13;
	s25 =	sadd.s32 s20, s17;
	s17 =	rddreg [dreg:$0x0]  }
0x19: {  	s22 =	sadd.s32 s20, s14;
	s24 =	sadd.s32 s20, s16;
	s16 =	rddreg [dreg:$0x1]  }
0x1a: {  	s23 =	sadd.s32 s20, s15;
	s14 =	sadd.s32 s20, s19;
	s19 =	rddreg [dreg:$0x2]  }
0x1b: {  	s26 =	sadd.s32 s20, s18;
	s10 =	sadd.s32 s20, s12;
	s20 =	rddreg [dreg:$0x5]  }
0x1c: {  	s6 =	smul.u32 $0xA000, s6;
	[dreg:$0xf] =	wrdreg s13  }
0x1d: {  	p0 =	sgt.u32 s21, $0xC;
	s5 =	smul.u32 $0xA000, s5;
	[dreg:$0x10] =	wrdreg s22  }
0x1e: {  	s4 =	smul.u32 $0xA000, s4;
	s8 =	sshrl.u32 s8, $0x2;
	[dreg:$0x11] =	wrdreg s23  }
0x1f: {  	s7 =	sshrl.u32 s7, $0x2;
	s6 =	sshrl.u32 s6, $0x2;
	[dreg:$0x12] =	wrdreg s24  }
0x20: {  	s5 =	sshrl.u32 s5, $0x2;
	s0 =	smul.u32 $0xA000, s0;
	[dreg:$0x13] =	wrdreg s25  }
0x21: {  	s4 =	sshrl.u32 s4, $0x2;
	s15 =	smul.u32 $0x138800, s2;
	[dreg:$0x14] =	wrdreg s26  }
0x22: {  	s3 =	smax.u32 s3, $0x1;
	[dreg:$0x15] =	wrdreg s14;
	s23 =	smul.u32 $0x27100, s21  }
0x23: {  	s0 =	sshrl.u32 s0, $0x2;
	[dreg:$0x16] =	wrdreg s10;
	s24 =	smul.u32 $0xA000, s11  }
0x24: {  	s9 =	sadd.s32 s9, s16;
	s22 =	sadd.s32 $0x600, s19;
	s25 =	smul.u32 $0xA000, s21  }
0x25: {  	s26 =	sadd.s32 $0x20600, s19;
	s18 =	sshrl.u32 s15, $0x3;
	s9 =	sadd.s32 s23, s9  }
0x26: {  	s13 =	sadd.s32 $0x20C00, s19;
	s12 =	sadd.s32 s16, s18;
	[dreg:$0x17] =	wrdreg s9  }
0x27: {  	s15 =	sadd.s32 $0x26700, s12;
	_ =	strace $0x80000047;
	[dreg:$0x19] =	wrdreg s13  }
0x28: {  	s14 =	sshll.u32 s2, $0xB;
	s16 =	sadd.s32 $0x26C00, s12;
	[smem:$0x7F5] =	sst s15  }
0x29: {  	s19 =	sadd.s32 s4, s20;
	s4 =	sadd.s32 s22, s14;
	[smem:$0x7F6] =	sst s16  }
0x2a: {  	s30 =	sadd.s32 s6, s20;
	s18 =	sadd.s32 $0x10000, s4;
	[smem:$0x7F7] =	sst s3  }
0x2b: {  	s31 =	sadd.s32 s5, s20;
	s21 =	sadd.s32 $0x10, s4;
	[smem:$0x7F8] =	sst s18  }
0x2c: {  	s0 =	sadd.s32 s0, s20;
	s2 =	sshll.u32 s2, $0xE;
	[smem:$0x7F9] =	sst s21  }
0x2d: {  	s9 =	sshrl.u32 s24, $0x2;
	s24 =	sadd.s32 $0x20, s4;
	[smem:$0x7FA] =	sst s4  }
0x2e: {  	s11 =	simm.s32 $0x7;
	s10 =	sshrl.u32 s25, $0x2;
	[smem:$0x7FB] =	sst s24  }
0x2f: {  	s5 =	simm.s32 $0x6;
	s28 =	sadd.s32 s10, s20;
	[dreg:$0x18] =	wrdreg s26  }
0x30: {  	s6 =	simm.s32 $0x1C880;
	s23 =	sadd.s32 s8, s20;
	[dreg:$0x1a] =	wrdreg s28  }
0x31: {  	s14 =	simm.s32 $0x17800;
	s25 =	sadd.s32 s7, s20;
	[dreg:$0x1c] =	wrdreg s23  }
0x32: {  	s7 =	simm.s32 $0x2;
	s8 =	simm.s32 $0x3;
	[dreg:$0x1d] =	wrdreg s25  }
0x33: {  	s10 =	simm.s32 $0x17880;
	s12 =	simm.s32 $0x17700;
	[dreg:$0x1e] =	wrdreg s30  }
0x34: {  	s29 =	sadd.s32 s9, s20;
	s13 =	simm.s32 $0x17780;
	[dreg:$0x1f] =	wrdreg s31  }
0x35: {  	s15 =	simm.s32 $0x4;
	s16 =	simm.s32 $0x50;
	[smem:$0x7FC] =	sst s19  }
0x36: {  	s18 =	simm.s32 $0x5;
	s24 =	simm.s32 $0x1A080;
	[smem:$0x7FD] =	sst s0  }
0x37: {  	s4 =	simm.s32 $0x1;
	s9 =	simm.s32 $0x0;
	[dreg:$0x1b] =	wrdreg s29  }
.LBB2_1:
0x38: {  	[smem:$0x7F4] =	sst s9  }
0x39: {  	[tilespmem:s10], [sflag:$0x7] =	stream.linear.gather [hbm4b:s26+s1], $0x2800, $0x38;
	[tilespmem:$0x1F080] =	vst v63  }
0x3a: {  	_ =	swait.ge [sflag:s11], $0x2800  }
0x3b: {  	[sflag:s11] =	ssyncset.done $0x0  }
0x3c: {  	[sflag:s11] =	ssyncadd.s32 $0xFFFFD800  }
0x3d: {  	[spmem:s28] =	stream.linear.scatter [tilespmem:s10], [sflag:$0x7], $0x2800, $0x38;
	[tilespmem:$0x1F080] =	vst v63  }
0x3e: {  	_ =	swait.ge [sflag:s11], $0x2800  }
0x3f: {  	[sflag:s11] =	ssyncset.done $0x0  }
0x40: {  	[sflag:s11] =	ssyncadd.s32 $0xFFFFD800  }
0x41: {  	[spmem:s29] =	stream.linear.scatter [tilespmem:s10], [sflag:$0x7], $0x2800, $0x38;
	[tilespmem:$0x1F080] =	vst v63  }
0x42: {  	_ =	swait.ge [sflag:s11], $0x2800  }
0x43: {  	[sflag:s11] =	ssyncset.done $0x0  }
0x44: {  	[sflag:s11] =	ssyncadd.s32 $0xFFFFD800  }
0x45: {  	[spmem:s23] =	stream.linear.scatter [tilespmem:s10], [sflag:$0x7], $0x2800, $0x38;
	[tilespmem:$0x1F080] =	vst v63  }
0x46: {  	_ =	swait.ge [sflag:s11], $0x2800  }
0x47: {  	[sflag:s11] =	ssyncset.done $0x0  }
0x48: {  	[sflag:s11] =	ssyncadd.s32 $0xFFFFD800  }
0x49: {  	[spmem:s25] =	stream.linear.scatter [tilespmem:s10], [sflag:$0x7], $0x2800, $0x38;
	[tilespmem:$0x1F080] =	vst v63  }
0x4a: {  	_ =	swait.ge [sflag:s11], $0x2800  }
0x4b: {  	[sflag:s11] =	ssyncset.done $0x0  }
0x4c: {  	[sflag:s11] =	ssyncadd.s32 $0xFFFFD800  }
0x4d: {  	[spmem:s30] =	stream.linear.scatter [tilespmem:s10], [sflag:$0x7], $0x2800, $0x38;
	[tilespmem:$0x1F080] =	vst v63  }
0x4e: {  	_ =	swait.ge [sflag:s11], $0x2800  }
0x4f: {  	[sflag:s11] =	ssyncset.done $0x0  }
0x50: {  	[sflag:s11] =	ssyncadd.s32 $0xFFFFD800  }
0x51: {  	[spmem:s31] =	stream.linear.scatter [tilespmem:s10], [sflag:$0x7], $0x2800, $0x38;
	[tilespmem:$0x1F080] =	vst v63  }
0x52: {  	_ =	swait.ge [sflag:s11], $0x2800  }
0x53: {  	[sflag:s11] =	ssyncset.done $0x0  }
0x54: {  	[sflag:s11] =	ssyncadd.s32 $0xFFFFD800  }
0x55: {  	[spmem:s19] =	stream.linear.scatter [tilespmem:s10], [sflag:$0x7], $0x2800, $0x38;
	[tilespmem:$0x1F080] =	vst v63  }
0x56: {  	_ =	swait.ge [sflag:s11], $0x2800  }
0x57: {  	[sflag:s11] =	ssyncset.done $0x0  }
0x58: {  	s3 =	simm.s32 @!p0 $0x17880;
	[sflag:s11] =	ssyncadd.s32 $0xFFFFD800  }
0x59: {  	[spmem:s0] =	stream.linear.scatter @!p0 [tilespmem:s3], [sflag:$0x7], $0x2800, $0x38;
	[tilespmem:$0x1F080] =	vst v63  }
0x5a: {  	s3 =	simm.s32 @!p0 $0x7  }
0x5b: {  	_ =	swait.ge @!p0 [sflag:s3], $0x2800  }
0x5c: {  	s26 =	sld [smem:$0x7F8]  }
0x5d: {  	[sflag:s3] =	ssyncset.done @!p0 $0x0  }
0x5e: {  	s25 =	simm.s32 $0x13880;
	[sflag:s3] =	ssyncadd.s32 @!p0 $0xFFFFD800  }
0x5f: {  	[tilespmem:s25], [sflag:$0x7] =	stream.linear.gather [hbm4b:s26+s1], $0x3E80, $0x38;
	[tilespmem:$0x1F080] =	vst v63  }
0x60: {  	_ =	swait.ge [sflag:s11], $0x3E80  }
0x61: {  	[sflag:s11] =	ssyncset.done $0x0  }
0x62: {  	[sflag:s11] =	ssyncadd.s32 $0xFFFFC180  }
0x63: {  	[bflag:$0x0] =	sbarrier.arrive $0xFFFF  }
0x64: {  	s29 =	sld [smem:$0x7FA];
	_ =	sdelay $0x1  }
0x65: {  	s30 =	sld [smem:$0x7F9]  }
0x66: {  	[tilespmem:s12], [sflag:$0x4] =	stream.linear.gather [hbm4b:s29+s1], $0x80, $0x38;
	[tilespmem:$0x1F080] =	vst v63  }
0x67: {  	s31 =	sld [smem:$0x7FB]  }
0x68: {  	[tilespmem:s13], [sflag:$0x5] =	stream.linear.gather [hbm4b:s30+s1], $0x80, $0x38;
	[tilespmem:$0x1F080] =	vst v63  }
0x69: {  	_ = 	snop  }
0x6a: {  	[tilespmem:s14], [sflag:$0x6] =	stream.linear.gather [hbm4b:s31+s1], $0x80, $0x38;
	[tilespmem:$0x1F080] =	vst v63  }
0x6b: {  	_ =	swait.ge [sflag:s15], $0x80  }
0x6c: {  	[sflag:s15] =	ssyncset.done $0x0  }
0x6d: {  	[sflag:s15] =	ssyncadd.s32 $0xFFFFFF80  }
0x6e: {  	[tilespmem:s10], [sflag:$0x1] =	stream.indirect.gather [hbm4b:s17+s16], $0x80, s12, s16, $0xb8;
	[tilespmem:$0x1F080] =	vst v63  }
0x6f: {  	s21 =	simm.s32 $0x180;
	_ =	swait.ge [sflag:s18], $0x80  }
0x70: {  	s9 =	sand.u32 $0xFC00, s21;
	[sflag:s18] =	ssyncset.done $0x0  }
0x71: {  	s21 =	sand.u32 $0x380, s21;
	s23 =	sadd.s32 s2, s9;
	[sflag:s18] =	ssyncadd.s32 $0xFFFFFF80  }
0x72: {  	[tilespmem:s24], [sflag:$0x2] =	stream.indirect.gather [hbm4b:s17+s16], $0x80, s13, s16, $0xb8;
	[tilespmem:$0x1F080] =	vst v63  }
0x73: {  	s21 =	sor.u32 s21, s23;
	_ =	swait.ge [sflag:s4], $0x2800  }
0x74: {  	s21 =	sshrl.u32 s21, $0x3;
	[sflag:s4] =	ssyncset.done $0x0  }
0x75: {  	s21 =	sadd.s32 s22, s21;
	[sflag:s4] =	ssyncadd.s32 $0xFFFFD800  }
0x76: {  	[tilespmem:s12], [sflag:$0x4] =	stream.linear.gather [hbm4b:s21+s1], $0x80, $0x38;
	[tilespmem:$0x1F080] =	vst v63  }
0x77: {  	_ =	swait.ge [sflag:s5], $0x80  }
0x78: {  	[sflag:s5] =	ssyncset.done $0x0  }
0x79: {  	[sflag:s5] =	ssyncadd.s32 $0xFFFFFF80  }
0x7a: {  	[tilespmem:s6], [sflag:$0x3] =	stream.indirect.gather [hbm4b:s17+s16], $0x80, s14, s16, $0xb8;
	[tilespmem:$0x1F080] =	vst v63  }
0x7b: {  	_ = 	snop  }
0x7c: {  	[spmem:s20] =	stream.indirect.scatter.add.f32 [tilespmem:s10], [sflag:$0x7], $0x80, s25, s16, $0xb8;
	[tilespmem:$0x1F080] =	vst v63  }
0x7d: {  	_ =	swait.ge [sflag:s11], $0x2800  }
0x7e: {  	[sflag:s11] =	ssyncset.done $0x0  }
0x7f: {  	s19 =	rddreg [dreg:$0x17];
	[sflag:s11] =	ssyncadd.s32 $0xFFFFD800  }
0x80: {  	[tilespmem:s10], [sflag:$0x7] =	stream.linear.gather [hbm4b:s19+s1], $0x2800, $0x38;
	[tilespmem:$0x1F080] =	vst v63  }
0x81: {  	_ =	swait.ge [sflag:s11], $0x2800  }
0x82: {  	[sflag:s11] =	ssyncset.done $0x0  }
0x83: {  	[sflag:s11] =	ssyncadd.s32 $0xFFFFD800  }
0x84: {  	[spmem:s20] =	stream.indirect.scatter.add.f32 [tilespmem:s10], [sflag:$0x7], $0x80, s25, s16, $0xb8;
	[tilespmem:$0x1F080] =	vst v63  }
0x85: {  	s21 =	simm.s32 $0x200;
	_ =	swait.ge [sflag:s11], $0x2800  }
0x86: {  	s23 =	sand.u32 $0xFC00, s21;
	[sflag:s11] =	ssyncset.done $0x0  }
0x87: {  	s3 =	sand.u32 $0x380, s21;
	s21 =	sadd.s32 s2, s23;
	[sflag:s11] =	ssyncadd.s32 $0xFFFFD800  }
0x88: {  	s3 =	sor.u32 s3, s21;
	_ =	swait.ge [sflag:s7], $0x2800  }
0x89: {  	s3 =	sshrl.u32 s3, $0x3;
	[sflag:s7] =	ssyncset.done $0x0  }
0x8a: {  	s3 =	sadd.s32 s22, s3;
	[sflag:s7] =	ssyncadd.s32 $0xFFFFD800  }
0x8b: {  	[tilespmem:s13], [sflag:$0x5] =	stream.linear.gather [hbm4b:s3+s1], $0x80, $0x38;
	[tilespmem:$0x1F080] =	vst v63  }
0x8c: {  	_ =	swait.ge [sflag:s15], $0x80  }
0x8d: {  	[sflag:s15] =	ssyncset.done $0x0  }
0x8e: {  	[sflag:s15] =	ssyncadd.s32 $0xFFFFFF80  }
0x8f: {  	[tilespmem:s10], [sflag:$0x1] =	stream.indirect.gather [hbm4b:s17+s16], $0x80, s12, s16, $0xb8;
	[tilespmem:$0x1F080] =	vst v63  }
0x90: {  	s25 =	simm.s32 $0x13900  }
0x91: {  	[spmem:s20] =	stream.indirect.scatter.add.f32 [tilespmem:s24], [sflag:$0x7], $0x80, s25, s16, $0xb8;
	[tilespmem:$0x1F080] =	vst v63  }
0x92: {  	_ =	swait.ge [sflag:s11], $0x2800  }
0x93: {  	[sflag:s11] =	ssyncset.done $0x0  }
0x94: {  	s29 =	sadd.s32 $0x500, s19;
	[sflag:s11] =	ssyncadd.s32 $0xFFFFD800  }
0x95: {  	[tilespmem:s24], [sflag:$0x7] =	stream.linear.gather [hbm4b:s29+s1], $0x2800, $0x38;
	[tilespmem:$0x1F080] =	vst v63  }
0x96: {  	_ =	swait.ge [sflag:s11], $0x2800  }
0x97: {  	[sflag:s11] =	ssyncset.done $0x0  }
0x98: {  	[sflag:s11] =	ssyncadd.s32 $0xFFFFD800  }
0x99: {  	[spmem:s20] =	stream.indirect.scatter.add.f32 [tilespmem:s24], [sflag:$0x7], $0x80, s25, s16, $0xb8;
	[tilespmem:$0x1F080] =	vst v63  }
0x9a: {  	p1 =	por $0x0, $0x0;
	s3 =	simm.s32 $0x280;
	_ =	swait.ge [sflag:s11], $0x2800  }
0x9b: {  	s21 =	sand.u32 @!p1 $0xFC00, s3;
	[sflag:s11] =	ssyncset.done $0x0  }
0x9c: {  	s3 =	sand.u32 @!p1 $0x380, s3;
	s21 =	sadd.s32 @!p1 s2, s21;
	[sflag:s11] =	ssyncadd.s32 $0xFFFFD800  }
0x9d: {  	s3 =	sor.u32 @!p1 s3, s21;
	_ =	swait.ge [sflag:s8], $0x2800  }
0x9e: {  	s23 =	simm.s32 @!p1 $0x0;
	s3 =	sshrl.u32 @!p1 s3, $0x3;
	[sflag:s8] =	ssyncset.done $0x0  }
0x9f: {  	s21 =	simm.s32 @!p1 $0x17800;
	s3 =	sadd.s32 @!p1 s22, s3;
	[sflag:s8] =	ssyncadd.s32 $0xFFFFD800  }
0xa0: {  	[tilespmem:s21], [sflag:$0x6] =	stream.linear.gather @!p1 [hbm4b:s3+s23], $0x80, $0x38;
	[tilespmem:$0x1F080] =	vst v63  }
0xa1: {  	_ =	swait.ge [sflag:s18], $0x80  }
0xa2: {  	[sflag:s18] =	ssyncset.done $0x0  }
0xa3: {  	[sflag:s18] =	ssyncadd.s32 $0xFFFFFF80  }
0xa4: {  	[tilespmem:s24], [sflag:$0x2] =	stream.indirect.gather [hbm4b:s17+s16], $0x80, s13, s16, $0xb8;
	[tilespmem:$0x1F080] =	vst v63  }
0xa5: {  	s30 =	simm.s32 $0x13980  }
0xa6: {  	[spmem:s20] =	stream.indirect.scatter.add.f32 [tilespmem:s6], [sflag:$0x7], $0x80, s30, s16, $0xb8;
	[tilespmem:$0x1F080] =	vst v63  }
0xa7: {  	_ =	swait.ge [sflag:s11], $0x2800  }
0xa8: {  	[sflag:s11] =	ssyncset.done $0x0  }
0xa9: {  	s31 =	sadd.s32 $0xA00, s19;
	[sflag:s11] =	ssyncadd.s32 $0xFFFFD800  }
0xaa: {  	[tilespmem:s6], [sflag:$0x7] =	stream.linear.gather [hbm4b:s31+s1], $0x2800, $0x38;
	[tilespmem:$0x1F080] =	vst v63  }
0xab: {  	_ =	swait.ge [sflag:s11], $0x2800  }
0xac: {  	s28 =	simm.s32 $0x300;
	[sflag:s11] =	ssyncset.done $0x0  }
0xad: {  	s26 =	sand.u32 $0xFC00, s28;
	s28 =	sand.u32 $0x380, s28;
	[sflag:s11] =	ssyncadd.s32 $0xFFFFD800  }
0xae: {  	[spmem:s20] =	stream.indirect.scatter.add.f32 [tilespmem:s6], [sflag:$0x7], $0x80, s30, s16, $0xb8;
	[tilespmem:$0x1F080] =	vst v63  }
0xaf: {  	s25 =	simm.s32 $0x580;
	s21 =	simm.s32 $0x400;
	_ =	swait.ge [sflag:s11], $0x2800  }
0xb0: {  	s23 =	simm.s32 $0x13A00;
	s3 =	sadd.s32 $0xF00, s19;
	[sflag:s11] =	ssyncset.done $0x0  }
.LBB2_2:
0xb1: {  	s29 =	sadd.s32 s2, s26  }
0xb2: {  	[sflag:s11] =	ssyncadd.s32 $0xFFFFD800;
	s26 =	smov.u32 s25;
	s25 =	sadd.s32 $0x180, s25  }
0xb3: {  	p1 =	sne.s32 s25, $0x4000;
	_ =	swait.ge [sflag:s4], $0x2800;
	s28 =	sor.u32 s28, s29  }
0xb4: {  	[sflag:s4] =	ssyncset.done $0x0;
	s28 =	sshrl.u32 s28, $0x3  }
0xb5: {  	[sflag:s4] =	ssyncadd.s32 $0xFFFFD800;
	s28 =	sadd.s32 s22, s28  }
0xb6: {  	[tilespmem:s12], [sflag:$0x4] =	stream.linear.gather [hbm4b:s28+s1], $0x80, $0x38;
	[tilespmem:$0x1F080] =	vst v63  }
0xb7: {  	_ =	swait.ge [sflag:s5], $0x80  }
0xb8: {  	[sflag:s5] =	ssyncset.done $0x0  }
0xb9: {  	[sflag:s5] =	ssyncadd.s32 $0xFFFFFF80  }
0xba: {  	[tilespmem:s6], [sflag:$0x3] =	stream.indirect.gather [hbm4b:s17+s16], $0x80, s14, s16, $0xb8;
	[tilespmem:$0x1F080] =	vst v63  }
0xbb: {  	_ = 	snop  }
0xbc: {  	[spmem:s20] =	stream.indirect.scatter.add.f32 [tilespmem:s10], [sflag:$0x7], $0x80, s23, s16, $0xb8;
	[tilespmem:$0x1F080] =	vst v63  }
0xbd: {  	_ =	swait.ge [sflag:s11], $0x2800  }
0xbe: {  	[sflag:s11] =	ssyncset.done $0x0  }
0xbf: {  	[sflag:s11] =	ssyncadd.s32 $0xFFFFD800  }
0xc0: {  	[tilespmem:s10], [sflag:$0x7] =	stream.linear.gather [hbm4b:s3+s1], $0x2800, $0x38;
	[tilespmem:$0x1F080] =	vst v63  }
0xc1: {  	_ =	swait.ge [sflag:s11], $0x2800  }
0xc2: {  	[sflag:s11] =	ssyncset.done $0x0  }
0xc3: {  	[sflag:s11] =	ssyncadd.s32 $0xFFFFD800  }
0xc4: {  	[spmem:s20] =	stream.indirect.scatter.add.f32 [tilespmem:s10], [sflag:$0x7], $0x80, s23, s16, $0xb8;
	[tilespmem:$0x1F080] =	vst v63  }
0xc5: {  	s28 =	sadd.s32 $0xFFFFFF80, s21;
	_ =	swait.ge [sflag:s11], $0x2800  }
0xc6: {  	s29 =	sand.u32 $0xFC00, s28;
	s28 =	sand.u32 $0x380, s28;
	[sflag:s11] =	ssyncset.done $0x0  }
0xc7: {  	s29 =	sadd.s32 s2, s29;
	[sflag:s11] =	ssyncadd.s32 $0xFFFFD800  }
0xc8: {  	s28 =	sor.u32 s28, s29;
	_ =	swait.ge [sflag:s7], $0x2800  }
0xc9: {  	s28 =	sshrl.u32 s28, $0x3;
	[sflag:s7] =	ssyncset.done $0x0  }
0xca: {  	s28 =	sadd.s32 s22, s28;
	[sflag:s7] =	ssyncadd.s32 $0xFFFFD800  }
0xcb: {  	[tilespmem:s13], [sflag:$0x5] =	stream.linear.gather [hbm4b:s28+s1], $0x80, $0x38;
	[tilespmem:$0x1F080] =	vst v63  }
0xcc: {  	_ =	swait.ge [sflag:s15], $0x80  }
0xcd: {  	[sflag:s15] =	ssyncset.done $0x0  }
0xce: {  	[sflag:s15] =	ssyncadd.s32 $0xFFFFFF80  }
0xcf: {  	[tilespmem:s10], [sflag:$0x1] =	stream.indirect.gather [hbm4b:s17+s16], $0x80, s12, s16, $0xb8;
	[tilespmem:$0x1F080] =	vst v63  }
0xd0: {  	s28 =	sadd.s32 $0x80, s23  }
0xd1: {  	[spmem:s20] =	stream.indirect.scatter.add.f32 [tilespmem:s24], [sflag:$0x7], $0x80, s28, s16, $0xb8;
	[tilespmem:$0x1F080] =	vst v63  }
0xd2: {  	_ =	swait.ge [sflag:s11], $0x2800  }
0xd3: {  	[sflag:s11] =	ssyncset.done $0x0  }
0xd4: {  	s29 =	sadd.s32 $0x500, s3;
	[sflag:s11] =	ssyncadd.s32 $0xFFFFD800  }
0xd5: {  	[tilespmem:s24], [sflag:$0x7] =	stream.linear.gather [hbm4b:s29+s1], $0x2800, $0x38;
	[tilespmem:$0x1F080] =	vst v63  }
0xd6: {  	_ =	swait.ge [sflag:s11], $0x2800  }
0xd7: {  	[sflag:s11] =	ssyncset.done $0x0  }
0xd8: {  	[sflag:s11] =	ssyncadd.s32 $0xFFFFD800  }
0xd9: {  	[spmem:s20] =	stream.indirect.scatter.add.f32 [tilespmem:s24], [sflag:$0x7], $0x80, s28, s16, $0xb8;
	[tilespmem:$0x1F080] =	vst v63  }
0xda: {  	p2 =	seq.s32 s21, $0x3E80;
	_ =	swait.ge [sflag:s11], $0x2800  }
0xdb: {  	s29 =	sand.u32 @!p2 $0x380, s21;
	s28 =	sand.u32 @!p2 $0xFC00, s21;
	[sflag:s11] =	ssyncset.done $0x0  }
0xdc: {  	s21 =	smov.u32 s26;
	s28 =	sadd.s32 @!p2 s2, s28;
	[sflag:s11] =	ssyncadd.s32 $0xFFFFD800  }
0xdd: {  	s26 =	sor.u32 @!p2 s29, s28;
	_ =	swait.ge [sflag:s8], $0x2800  }
0xde: {  	s28 =	simm.s32 @!p2 $0x17800;
	s26 =	sshrl.u32 @!p2 s26, $0x3;
	[sflag:s8] =	ssyncset.done $0x0  }
0xdf: {  	s29 =	simm.s32 @!p2 $0x0;
	s26 =	sadd.s32 @!p2 s22, s26;
	[sflag:s8] =	ssyncadd.s32 $0xFFFFD800  }
0xe0: {  	[tilespmem:s28], [sflag:$0x6] =	stream.linear.gather @!p2 [hbm4b:s26+s29], $0x80, $0x38;
	[tilespmem:$0x1F080] =	vst v63  }
0xe1: {  	_ =	swait.ge [sflag:s18], $0x80  }
0xe2: {  	[sflag:s18] =	ssyncset.done $0x0  }
0xe3: {  	[sflag:s18] =	ssyncadd.s32 $0xFFFFFF80  }
0xe4: {  	[tilespmem:s24], [sflag:$0x2] =	stream.indirect.gather [hbm4b:s17+s16], $0x80, s13, s16, $0xb8;
	[tilespmem:$0x1F080] =	vst v63  }
0xe5: {  	s26 =	sadd.s32 $0x100, s23  }
0xe6: {  	[spmem:s20] =	stream.indirect.scatter.add.f32 [tilespmem:s6], [sflag:$0x7], $0x80, s26, s16, $0xb8;
	[tilespmem:$0x1F080] =	vst v63  }
0xe7: {  	_ =	swait.ge [sflag:s11], $0x2800  }
0xe8: {  	[sflag:s11] =	ssyncset.done $0x0  }
0xe9: {  	s28 =	sadd.s32 $0xA00, s3;
	[sflag:s11] =	ssyncadd.s32 $0xFFFFD800  }
0xea: {  	[tilespmem:s6], [sflag:$0x7] =	stream.linear.gather [hbm4b:s28+s1], $0x2800, $0x38;
	[tilespmem:$0x1F080] =	vst v63  }
0xeb: {  	_ =	swait.ge [sflag:s11], $0x2800  }
.Ltmp0:
0xec: {  	[sflag:s11] =	ssyncset.done $0x0;
	(pc) =	sbr.rel @p1 .LBB2_2-.Ltmp0, $4  }
0xed: {  	s23 =	sadd.s32 $0x180, s23;
	[sflag:s11] =	ssyncadd.s32 $0xFFFFD800  }
0xee: {  	[spmem:s20] =	stream.indirect.scatter.add.f32 [tilespmem:s6], [sflag:$0x7], $0x80, s26, s16, $0xb8;
	[tilespmem:$0x1F080] =	vst v63  }
0xef: {  	s3 =	sadd.s32 $0xF00, s3;
	s28 =	sadd.s32 $0xFFFFFF00, s21;
	_ =	swait.ge [sflag:s11], $0x2800  }
0xf0: {  	s26 =	sand.u32 $0xFC00, s28;
	s28 =	sand.u32 $0x380, s28;
	[sflag:s11] =	ssyncset.done $0x0  }
0xf1: {  	s25 =	sadd.s32 s2, s26;
	[sflag:s11] =	ssyncadd.s32 $0xFFFFD800  }
0xf2: {  	_ =	swait.ge [sflag:s4], $0x2800;
	s25 =	sor.u32 s28, s25  }
0xf3: {  	[sflag:s4] =	ssyncset.done $0x0;
	s25 =	sshrl.u32 s25, $0x3  }
0xf4: {  	[sflag:s4] =	ssyncadd.s32 $0xFFFFD800;
	s25 =	sadd.s32 s22, s25  }
0xf5: {  	[tilespmem:s12], [sflag:$0x4] =	stream.linear.gather [hbm4b:s25+s1], $0x80, $0x38;
	[tilespmem:$0x1F080] =	vst v63  }
0xf6: {  	_ =	swait.ge [sflag:s5], $0x80  }
0xf7: {  	[sflag:s5] =	ssyncset.done $0x0  }
0xf8: {  	[sflag:s5] =	ssyncadd.s32 $0xFFFFFF80  }
0xf9: {  	[tilespmem:s6], [sflag:$0x3] =	stream.indirect.gather [hbm4b:s17+s16], $0x80, s14, s16, $0xb8;
	[tilespmem:$0x1F080] =	vst v63  }
0xfa: {  	_ = 	snop  }
0xfb: {  	[spmem:s20] =	stream.indirect.scatter.add.f32 [tilespmem:s10], [sflag:$0x7], $0x80, s23, s16, $0xb8;
	[tilespmem:$0x1F080] =	vst v63  }
0xfc: {  	_ =	swait.ge [sflag:s11], $0x2800  }
0xfd: {  	[sflag:s11] =	ssyncset.done $0x0  }
0xfe: {  	[sflag:s11] =	ssyncadd.s32 $0xFFFFD800  }
0xff: {  	[tilespmem:s10], [sflag:$0x7] =	stream.linear.gather [hbm4b:s3+s1], $0x2800, $0x38;
	[tilespmem:$0x1F080] =	vst v63  }
0x100: {  	_ =	swait.ge [sflag:s11], $0x2800  }
0x101: {  	[sflag:s11] =	ssyncset.done $0x0  }
0x102: {  	[sflag:s11] =	ssyncadd.s32 $0xFFFFD800  }
0x103: {  	[spmem:s20] =	stream.indirect.scatter.add.f32 [tilespmem:s10], [sflag:$0x7], $0x80, s23, s16, $0xb8;
	[tilespmem:$0x1F080] =	vst v63  }
0x104: {  	s0 =	sadd.s32 $0xFFFFFF80, s21;
	_ =	swait.ge [sflag:s11], $0x2800  }
0x105: {  	s9 =	sand.u32 $0xFC00, s0;
	[sflag:s11] =	ssyncset.done $0x0  }
0x106: {  	s26 =	sadd.s32 s2, s9;
	s25 =	sand.u32 $0x380, s0;
	[sflag:s11] =	ssyncadd.s32 $0xFFFFD800  }
0x107: {  	s25 =	sor.u32 s25, s26;
	_ =	swait.ge [sflag:s7], $0x2800  }
0x108: {  	s25 =	sshrl.u32 s25, $0x3;
	[sflag:s7] =	ssyncset.done $0x0  }
0x109: {  	s25 =	sadd.s32 s22, s25;
	[sflag:s7] =	ssyncadd.s32 $0xFFFFD800  }
0x10a: {  	[tilespmem:s13], [sflag:$0x5] =	stream.linear.gather [hbm4b:s25+s1], $0x80, $0x38;
	[tilespmem:$0x1F080] =	vst v63  }
0x10b: {  	_ =	swait.ge [sflag:s15], $0x80  }
0x10c: {  	[sflag:s15] =	ssyncset.done $0x0  }
0x10d: {  	[sflag:s15] =	ssyncadd.s32 $0xFFFFFF80  }
0x10e: {  	[tilespmem:s10], [sflag:$0x1] =	stream.indirect.gather [hbm4b:s17+s16], $0x80, s12, s16, $0xb8;
	[tilespmem:$0x1F080] =	vst v63  }
0x10f: {  	s19 =	sadd.s32 $0x80, s23  }
0x110: {  	[spmem:s20] =	stream.indirect.scatter.add.f32 [tilespmem:s24], [sflag:$0x7], $0x80, s19, s16, $0xb8;
	[tilespmem:$0x1F080] =	vst v63  }
0x111: {  	_ =	swait.ge [sflag:s11], $0x2800  }
0x112: {  	[sflag:s11] =	ssyncset.done $0x0  }
0x113: {  	s0 =	sadd.s32 $0x500, s3;
	[sflag:s11] =	ssyncadd.s32 $0xFFFFD800  }
0x114: {  	[tilespmem:s24], [sflag:$0x7] =	stream.linear.gather [hbm4b:s0+s1], $0x2800, $0x38;
	[tilespmem:$0x1F080] =	vst v63  }
0x115: {  	_ =	swait.ge [sflag:s11], $0x2800  }
0x116: {  	[sflag:s11] =	ssyncset.done $0x0  }
0x117: {  	[sflag:s11] =	ssyncadd.s32 $0xFFFFD800  }
0x118: {  	[spmem:s20] =	stream.indirect.scatter.add.f32 [tilespmem:s24], [sflag:$0x7], $0x80, s19, s16, $0xb8;
	[tilespmem:$0x1F080] =	vst v63  }
0x119: {  	p1 =	seq.s32 s21, $0x3E80;
	_ =	swait.ge [sflag:s11], $0x2800  }
0x11a: {  	s25 =	sand.u32 @!p1 $0xFC00, s21;
	[sflag:s11] =	ssyncset.done $0x0  }
0x11b: {  	s21 =	sand.u32 @!p1 $0x380, s21;
	s25 =	sadd.s32 @!p1 s2, s25;
	[sflag:s11] =	ssyncadd.s32 $0xFFFFD800  }
0x11c: {  	s21 =	sor.u32 @!p1 s21, s25;
	_ =	swait.ge [sflag:s8], $0x2800  }
0x11d: {  	s26 =	simm.s32 @!p1 $0x0;
	s21 =	sshrl.u32 @!p1 s21, $0x3;
	[sflag:s8] =	ssyncset.done $0x0  }
0x11e: {  	s25 =	simm.s32 @!p1 $0x17800;
	s21 =	sadd.s32 @!p1 s22, s21;
	[sflag:s8] =	ssyncadd.s32 $0xFFFFD800  }
0x11f: {  	[tilespmem:s25], [sflag:$0x6] =	stream.linear.gather @!p1 [hbm4b:s21+s26], $0x80, $0x38;
	[tilespmem:$0x1F080] =	vst v63  }
0x120: {  	_ =	swait.ge [sflag:s18], $0x80  }
0x121: {  	[sflag:s18] =	ssyncset.done $0x0  }
0x122: {  	[sflag:s18] =	ssyncadd.s32 $0xFFFFFF80  }
0x123: {  	[tilespmem:s24], [sflag:$0x2] =	stream.indirect.gather [hbm4b:s17+s16], $0x80, s13, s16, $0xb8;
	[tilespmem:$0x1F080] =	vst v63  }
0x124: {  	s9 =	sadd.s32 $0x100, s23  }
0x125: {  	[spmem:s20] =	stream.indirect.scatter.add.f32 [tilespmem:s6], [sflag:$0x7], $0x80, s9, s16, $0xb8;
	[tilespmem:$0x1F080] =	vst v63  }
0x126: {  	_ =	swait.ge [sflag:s11], $0x2800  }
0x127: {  	[sflag:s11] =	ssyncset.done $0x0  }
0x128: {  	s19 =	sadd.s32 $0xA00, s3;
	[sflag:s11] =	ssyncadd.s32 $0xFFFFD800  }
0x129: {  	[tilespmem:s6], [sflag:$0x7] =	stream.linear.gather [hbm4b:s19+s1], $0x2800, $0x38;
	[tilespmem:$0x1F080] =	vst v63  }
0x12a: {  	_ =	swait.ge [sflag:s11], $0x2800  }
0x12b: {  	[sflag:s11] =	ssyncset.done $0x0  }
0x12c: {  	[sflag:s11] =	ssyncadd.s32 $0xFFFFD800  }
0x12d: {  	[spmem:s20] =	stream.indirect.scatter.add.f32 [tilespmem:s6], [sflag:$0x7], $0x80, s9, s16, $0xb8;
	[tilespmem:$0x1F080] =	vst v63  }
0x12e: {  	_ =	swait.ge [sflag:s11], $0x2800  }
0x12f: {  	[sflag:s11] =	ssyncset.done $0x0  }
0x130: {  	[sflag:s11] =	ssyncadd.s32 $0xFFFFD800  }
0x131: {  	_ =	swait.ge [sflag:s4], $0x2800  }
0x132: {  	[sflag:s4] =	ssyncset.done $0x0  }
0x133: {  	s23 =	simm.s32 $0x17600;
	[sflag:s4] =	ssyncadd.s32 $0xFFFFD800  }
0x134: {  	[spmem:s20] =	stream.indirect.scatter.add.f32 [tilespmem:s10], [sflag:$0x7], $0x80, s23, s16, $0xb8;
	[tilespmem:$0x1F080] =	vst v63  }
0x135: {  	_ =	swait.ge [sflag:s11], $0x2800  }
0x136: {  	s0 =	sld [smem:$0x7F5]  }
0x137: {  	[sflag:s11] =	ssyncset.done $0x0  }
0x138: {  	[sflag:s11] =	ssyncadd.s32 $0xFFFFD800  }
0x139: {  	[tilespmem:s10], [sflag:$0x7] =	stream.linear.gather [hbm4b:s0+s1], $0x2800, $0x38;
	[tilespmem:$0x1F080] =	vst v63  }
0x13a: {  	_ =	swait.ge [sflag:s11], $0x2800  }
0x13b: {  	[sflag:s11] =	ssyncset.done $0x0  }
0x13c: {  	[sflag:s11] =	ssyncadd.s32 $0xFFFFD800  }
0x13d: {  	[spmem:s20] =	stream.indirect.scatter.add.f32 [tilespmem:s10], [sflag:$0x7], $0x80, s23, s16, $0xb8;
	[tilespmem:$0x1F080] =	vst v63  }
0x13e: {  	_ =	swait.ge [sflag:s11], $0x2800  }
0x13f: {  	[sflag:s11] =	ssyncset.done $0x0  }
0x140: {  	[sflag:s11] =	ssyncadd.s32 $0xFFFFD800  }
0x141: {  	_ =	swait.ge [sflag:s7], $0x2800  }
0x142: {  	[sflag:s7] =	ssyncset.done $0x0  }
0x143: {  	s25 =	simm.s32 $0x17680;
	[sflag:s7] =	ssyncadd.s32 $0xFFFFD800  }
0x144: {  	[spmem:s20] =	stream.indirect.scatter.add.f32 [tilespmem:s24], [sflag:$0x7], $0x80, s25, s16, $0xb8;
	[tilespmem:$0x1F080] =	vst v63  }
0x145: {  	_ =	swait.ge [sflag:s11], $0x2800  }
0x146: {  	s26 =	sld [smem:$0x7F6]  }
0x147: {  	[sflag:s11] =	ssyncset.done $0x0  }
0x148: {  	[sflag:s11] =	ssyncadd.s32 $0xFFFFD800  }
0x149: {  	[tilespmem:s24], [sflag:$0x7] =	stream.linear.gather [hbm4b:s26+s1], $0x2800, $0x38;
	[tilespmem:$0x1F080] =	vst v63  }
0x14a: {  	_ =	swait.ge [sflag:s11], $0x2800  }
0x14b: {  	[sflag:s11] =	ssyncset.done $0x0  }
0x14c: {  	[sflag:s11] =	ssyncadd.s32 $0xFFFFD800  }
0x14d: {  	[spmem:s20] =	stream.indirect.scatter.add.f32 [tilespmem:s24], [sflag:$0x7], $0x80, s25, s16, $0xb8;
	[tilespmem:$0x1F080] =	vst v63  }
0x14e: {  	_ =	swait.ge [sflag:s11], $0x2800  }
0x14f: {  	[sflag:s11] =	ssyncset.done $0x0  }
0x150: {  	[sflag:s11] =	ssyncadd.s32 $0xFFFFD800  }
0x151: {  	[bflag:$0x0] =	sbarrier.arrive $0xFFFF  }
0x152: {  	s28 =	rddreg [dreg:$0x1a]  }
0x153: {  	[tilespmem:s10], [sflag:$0x7] =	stream.linear.gather [spmem:s28], $0x2800, $0x38;
	[tilespmem:$0x1F080] =	vst v63  }
0x154: {  	_ =	swait.ge [sflag:s11], $0x2800  }
0x155: {  	[sflag:s11] =	ssyncset.done $0x0  }
0x156: {  	s0 =	rddreg [dreg:$0x7];
	[sflag:s11] =	ssyncadd.s32 $0xFFFFD800  }
0x157: {  	[hbm4b:s0+s1] =	stream.linear.scatter [tilespmem:s10], [sflag:$0x7], $0x2800, $0x38;
	[tilespmem:$0x1F080] =	vst v63  }
0x158: {  	_ =	swait.ge [sflag:s11], $0x2800  }
0x159: {  	[sflag:s11] =	ssyncset.done $0x0  }
0x15a: {  	s29 =	rddreg [dreg:$0x1b];
	[sflag:s11] =	ssyncadd.s32 $0xFFFFD800  }
0x15b: {  	[tilespmem:s10], [sflag:$0x7] =	stream.linear.gather [spmem:s29], $0x2800, $0x38;
	[tilespmem:$0x1F080] =	vst v63  }
0x15c: {  	_ =	swait.ge [sflag:s11], $0x2800  }
0x15d: {  	[sflag:s11] =	ssyncset.done $0x0  }
0x15e: {  	s9 =	rddreg [dreg:$0x8];
	[sflag:s11] =	ssyncadd.s32 $0xFFFFD800  }
0x15f: {  	[hbm4b:s9+s1] =	stream.linear.scatter [tilespmem:s10], [sflag:$0x7], $0x2800, $0x38;
	[tilespmem:$0x1F080] =	vst v63  }
0x160: {  	_ =	swait.ge [sflag:s11], $0x2800  }
0x161: {  	[sflag:s11] =	ssyncset.done $0x0  }
0x162: {  	s26 =	rddreg [dreg:$0x1c];
	[sflag:s11] =	ssyncadd.s32 $0xFFFFD800  }
0x163: {  	[tilespmem:s10], [sflag:$0x7] =	stream.linear.gather [spmem:s26], $0x2800, $0x38;
	[tilespmem:$0x1F080] =	vst v63  }
0x164: {  	_ =	swait.ge [sflag:s11], $0x2800  }
0x165: {  	[sflag:s11] =	ssyncset.done $0x0  }
0x166: {  	s19 =	rddreg [dreg:$0x9];
	[sflag:s11] =	ssyncadd.s32 $0xFFFFD800  }
0x167: {  	[hbm4b:s19+s1] =	stream.linear.scatter [tilespmem:s10], [sflag:$0x7], $0x2800, $0x38;
	[tilespmem:$0x1F080] =	vst v63  }
0x168: {  	_ =	swait.ge [sflag:s11], $0x2800  }
0x169: {  	[sflag:s11] =	ssyncset.done $0x0  }
0x16a: {  	s9 =	rddreg [dreg:$0x1d];
	[sflag:s11] =	ssyncadd.s32 $0xFFFFD800  }
0x16b: {  	[tilespmem:s10], [sflag:$0x7] =	stream.linear.gather [spmem:s9], $0x2800, $0x38;
	[tilespmem:$0x1F080] =	vst v63  }
0x16c: {  	_ =	swait.ge [sflag:s11], $0x2800  }
0x16d: {  	[sflag:s11] =	ssyncset.done $0x0  }
0x16e: {  	s21 =	rddreg [dreg:$0xa];
	[sflag:s11] =	ssyncadd.s32 $0xFFFFD800  }
0x16f: {  	[hbm4b:s21+s1] =	stream.linear.scatter [tilespmem:s10], [sflag:$0x7], $0x2800, $0x38;
	[tilespmem:$0x1F080] =	vst v63  }
0x170: {  	_ =	swait.ge [sflag:s11], $0x2800  }
0x171: {  	[sflag:s11] =	ssyncset.done $0x0  }
0x172: {  	s30 =	rddreg [dreg:$0x1e];
	[sflag:s11] =	ssyncadd.s32 $0xFFFFD800  }
0x173: {  	[tilespmem:s10], [sflag:$0x7] =	stream.linear.gather [spmem:s30], $0x2800, $0x38;
	[tilespmem:$0x1F080] =	vst v63  }
0x174: {  	_ =	swait.ge [sflag:s11], $0x2800  }
0x175: {  	[sflag:s11] =	ssyncset.done $0x0  }
0x176: {  	s23 =	rddreg [dreg:$0xb];
	[sflag:s11] =	ssyncadd.s32 $0xFFFFD800  }
0x177: {  	[hbm4b:s23+s1] =	stream.linear.scatter [tilespmem:s10], [sflag:$0x7], $0x2800, $0x38;
	[tilespmem:$0x1F080] =	vst v63  }
0x178: {  	_ =	swait.ge [sflag:s11], $0x2800  }
0x179: {  	[sflag:s11] =	ssyncset.done $0x0  }
0x17a: {  	s31 =	rddreg [dreg:$0x1f];
	[sflag:s11] =	ssyncadd.s32 $0xFFFFD800  }
0x17b: {  	[tilespmem:s10], [sflag:$0x7] =	stream.linear.gather [spmem:s31], $0x2800, $0x38;
	[tilespmem:$0x1F080] =	vst v63  }
0x17c: {  	_ =	swait.ge [sflag:s11], $0x2800  }
0x17d: {  	[sflag:s11] =	ssyncset.done $0x0  }
0x17e: {  	s25 =	rddreg [dreg:$0xc];
	[sflag:s11] =	ssyncadd.s32 $0xFFFFD800  }
0x17f: {  	[hbm4b:s25+s1] =	stream.linear.scatter [tilespmem:s10], [sflag:$0x7], $0x2800, $0x38;
	[tilespmem:$0x1F080] =	vst v63  }
0x180: {  	_ =	swait.ge [sflag:s11], $0x2800  }
0x181: {  	s19 =	sld [smem:$0x7FC]  }
0x182: {  	[sflag:s11] =	ssyncset.done $0x0  }
0x183: {  	[sflag:s11] =	ssyncadd.s32 $0xFFFFD800  }
0x184: {  	[tilespmem:s10], [sflag:$0x7] =	stream.linear.gather [spmem:s19], $0x2800, $0x38;
	[tilespmem:$0x1F080] =	vst v63  }
0x185: {  	_ =	swait.ge [sflag:s11], $0x2800  }
0x186: {  	[sflag:s11] =	ssyncset.done $0x0  }
0x187: {  	s0 =	rddreg [dreg:$0xd];
	[sflag:s11] =	ssyncadd.s32 $0xFFFFD800  }
0x188: {  	[hbm4b:s0+s1] =	stream.linear.scatter [tilespmem:s10], [sflag:$0x7], $0x2800, $0x38;
	[tilespmem:$0x1F080] =	vst v63  }
0x189: {  	_ =	swait.ge [sflag:s11], $0x2800  }
0x18a: {  	s0 =	sld [smem:$0x7FD]  }
0x18b: {  	[sflag:s11] =	ssyncset.done $0x0  }
0x18c: {  	s3 =	simm.s32 @!p0 $0x17880;
	s21 =	simm.s32 @!p0 $0x7;
	[sflag:s11] =	ssyncadd.s32 $0xFFFFD800  }
0x18d: {  	[tilespmem:s3], [sflag:$0x7] =	stream.linear.gather @!p0 [spmem:s0], $0x2800, $0x38;
	[tilespmem:$0x1F080] =	vst v63  }
0x18e: {  	_ =	swait.ge @!p0 [sflag:s21], $0x2800  }
0x18f: {  	[sflag:s21] =	ssyncset.done @!p0 $0x0  }
0x190: {  	s23 =	simm.s32 @!p0 $0x0;
	s25 =	rddreg [dreg:$0xe];
	[sflag:s21] =	ssyncadd.s32 @!p0 $0xFFFFD800  }
0x191: {  	[hbm4b:s25+s23] =	stream.linear.scatter @!p0 [tilespmem:s3], [sflag:$0x7], $0x2800, $0x38;
	[tilespmem:$0x1F080] =	vst v63  }
0x192: {  	_ =	swait.ge @!p0 [sflag:s21], $0x2800  }
0x193: {  	[sflag:s21] =	ssyncset.done @!p0 $0x0  }
0x194: {  	s23 =	smov.u32 s26;
	s26 =	rddreg [dreg:$0x18];
	[sflag:s21] =	ssyncadd.s32 @!p0 $0xFFFFD800  }
0x195: {  	[tilespmem:s24], [sflag:$0x7] =	stream.linear.gather [hbm4b:s26+s1], $0x2800, $0x38;
	[tilespmem:$0x1F080] =	vst v63  }
0x196: {  	_ =	swait.ge [sflag:s11], $0x2800  }
0x197: {  	[sflag:s11] =	ssyncset.done $0x0  }
0x198: {  	[sflag:s11] =	ssyncadd.s32 $0xFFFFD800  }
0x199: {  	[spmem:s28] =	stream.linear.scatter [tilespmem:s24], [sflag:$0x7], $0x2800, $0x38;
	[tilespmem:$0x1F080] =	vst v63  }
0x19a: {  	_ =	swait.ge [sflag:s11], $0x2800  }
0x19b: {  	[sflag:s11] =	ssyncset.done $0x0  }
0x19c: {  	[sflag:s11] =	ssyncadd.s32 $0xFFFFD800  }
0x19d: {  	[spmem:s29] =	stream.linear.scatter [tilespmem:s24], [sflag:$0x7], $0x2800, $0x38;
	[tilespmem:$0x1F080] =	vst v63  }
0x19e: {  	_ =	swait.ge [sflag:s11], $0x2800  }
0x19f: {  	[sflag:s11] =	ssyncset.done $0x0  }
0x1a0: {  	[sflag:s11] =	ssyncadd.s32 $0xFFFFD800  }
0x1a1: {  	[spmem:s23] =	stream.linear.scatter [tilespmem:s24], [sflag:$0x7], $0x2800, $0x38;
	[tilespmem:$0x1F080] =	vst v63  }
0x1a2: {  	_ =	swait.ge [sflag:s11], $0x2800  }
0x1a3: {  	[sflag:s11] =	ssyncset.done $0x0  }
0x1a4: {  	[sflag:s11] =	ssyncadd.s32 $0xFFFFD800  }
0x1a5: {  	[spmem:s9] =	stream.linear.scatter [tilespmem:s24], [sflag:$0x7], $0x2800, $0x38;
	[tilespmem:$0x1F080] =	vst v63  }
0x1a6: {  	_ =	swait.ge [sflag:s11], $0x2800  }
0x1a7: {  	[sflag:s11] =	ssyncset.done $0x0  }
0x1a8: {  	[sflag:s11] =	ssyncadd.s32 $0xFFFFD800  }
0x1a9: {  	[spmem:s30] =	stream.linear.scatter [tilespmem:s24], [sflag:$0x7], $0x2800, $0x38;
	[tilespmem:$0x1F080] =	vst v63  }
0x1aa: {  	_ =	swait.ge [sflag:s11], $0x2800  }
0x1ab: {  	[sflag:s11] =	ssyncset.done $0x0  }
0x1ac: {  	[sflag:s11] =	ssyncadd.s32 $0xFFFFD800  }
0x1ad: {  	[spmem:s31] =	stream.linear.scatter [tilespmem:s24], [sflag:$0x7], $0x2800, $0x38;
	[tilespmem:$0x1F080] =	vst v63  }
0x1ae: {  	_ =	swait.ge [sflag:s11], $0x2800  }
0x1af: {  	[sflag:s11] =	ssyncset.done $0x0  }
0x1b0: {  	[sflag:s11] =	ssyncadd.s32 $0xFFFFD800  }
0x1b1: {  	[spmem:s19] =	stream.linear.scatter [tilespmem:s24], [sflag:$0x7], $0x2800, $0x38;
	[tilespmem:$0x1F080] =	vst v63  }
0x1b2: {  	_ =	swait.ge [sflag:s11], $0x2800  }
0x1b3: {  	[sflag:s11] =	ssyncset.done $0x0  }
0x1b4: {  	s3 =	simm.s32 @!p0 $0x1A080;
	[sflag:s11] =	ssyncadd.s32 $0xFFFFD800  }
0x1b5: {  	[spmem:s0] =	stream.linear.scatter @!p0 [tilespmem:s3], [sflag:$0x7], $0x2800, $0x38;
	[tilespmem:$0x1F080] =	vst v63  }
0x1b6: {  	_ =	swait.ge @!p0 [sflag:s21], $0x2800  }
0x1b7: {  	[sflag:s21] =	ssyncset.done @!p0 $0x0  }
0x1b8: {  	s25 =	rddreg [dreg:$0x19];
	[sflag:s21] =	ssyncadd.s32 @!p0 $0xFFFFD800;
	s21 =	simm.s32 $0x0  }
0x1b9: {  	[tilespmem:s10], [sflag:$0x7] =	stream.linear.gather [hbm4b:s25+s21], $0x2800, $0x38;
	[tilespmem:$0x1F080] =	vst v63  }
0x1ba: {  	_ =	swait.ge [sflag:s11], $0x2800  }
0x1bb: {  	[sflag:s11] =	ssyncset.done $0x0  }
0x1bc: {  	[sflag:s11] =	ssyncadd.s32 $0xFFFFD800  }
0x1bd: {  	s25 =	simm.s32 $0x13880;
	[bflag:$0x0] =	sbarrier.arrive $0xFFFF  }
0x1be: {  	[spmem:s20] =	stream.indirect.scatter.add.f32 [tilespmem:s10], [sflag:$0x7], $0x80, s25, s16, $0xb8;
	[tilespmem:$0x1F080] =	vst v63  }
0x1bf: {  	s3 =	simm.s32 $0x200;
	_ =	swait.ge [sflag:s11], $0x2800  }
.LBB2_4:
0x1c0: {  	s21 =	sshra.s32 s3, $0x2;
	[sflag:s11] =	ssyncset.done $0x0;
	p1 =	sne.s32 s3, $0xF800  }
.Ltmp1:
0x1c1: {  	s21 =	sadd.s32 $0x13880, s21;
	[sflag:s11] =	ssyncadd.s32 $0xFFFFD800;
	(pc) =	sbr.rel @p1 .LBB2_4-.Ltmp1, $3  }
0x1c2: {  	[spmem:s20] =	stream.indirect.scatter.add.f32 [tilespmem:s10], [sflag:$0x7], $0x80, s21, s16, $0xb8;
	[tilespmem:$0x1F080] =	vst v63  }
0x1c3: {  	s3 =	sadd.s32 $0x200, s3;
	_ =	sdelay $0x1  }
0x1c4: {  	_ =	swait.ge [sflag:s11], $0x2800  }
0x1c5: {  	[sflag:s11] =	ssyncset.done $0x0  }
0x1c6: {  	[sflag:s11] =	ssyncadd.s32 $0xFFFFD800  }
0x1c7: {  	[bflag:$0x0] =	sbarrier.arrive $0xFFFF  }
0x1c8: {  	[tilespmem:s24], [sflag:$0x7] =	stream.linear.gather [spmem:s28], $0x2800, $0x38;
	[tilespmem:$0x1F080] =	vst v63  }
0x1c9: {  	_ =	swait.ge [sflag:s11], $0x2800  }
0x1ca: {  	[sflag:s11] =	ssyncset.done $0x0  }
0x1cb: {  	s3 =	rddreg [dreg:$0xf];
	[sflag:s11] =	ssyncadd.s32 $0xFFFFD800  }
0x1cc: {  	[hbm4b:s3+s1] =	stream.linear.scatter [tilespmem:s24], [sflag:$0x7], $0x2800, $0x38;
	[tilespmem:$0x1F080] =	vst v63  }
0x1cd: {  	_ =	swait.ge [sflag:s11], $0x2800  }
0x1ce: {  	[sflag:s11] =	ssyncset.done $0x0  }
0x1cf: {  	[sflag:s11] =	ssyncadd.s32 $0xFFFFD800  }
0x1d0: {  	[tilespmem:s24], [sflag:$0x7] =	stream.linear.gather [spmem:s29], $0x2800, $0x38;
	[tilespmem:$0x1F080] =	vst v63  }
0x1d1: {  	_ =	swait.ge [sflag:s11], $0x2800  }
0x1d2: {  	[sflag:s11] =	ssyncset.done $0x0  }
0x1d3: {  	s21 =	rddreg [dreg:$0x10];
	[sflag:s11] =	ssyncadd.s32 $0xFFFFD800  }
0x1d4: {  	[hbm4b:s21+s1] =	stream.linear.scatter [tilespmem:s24], [sflag:$0x7], $0x2800, $0x38;
	[tilespmem:$0x1F080] =	vst v63  }
0x1d5: {  	_ =	swait.ge [sflag:s11], $0x2800  }
0x1d6: {  	[sflag:s11] =	ssyncset.done $0x0  }
0x1d7: {  	[sflag:s11] =	ssyncadd.s32 $0xFFFFD800  }
0x1d8: {  	[tilespmem:s24], [sflag:$0x7] =	stream.linear.gather [spmem:s23], $0x2800, $0x38;
	[tilespmem:$0x1F080] =	vst v63  }
0x1d9: {  	_ =	swait.ge [sflag:s11], $0x2800  }
0x1da: {  	[sflag:s11] =	ssyncset.done $0x0  }
0x1db: {  	s25 =	rddreg [dreg:$0x11];
	[sflag:s11] =	ssyncadd.s32 $0xFFFFD800  }
0x1dc: {  	[hbm4b:s25+s1] =	stream.linear.scatter [tilespmem:s24], [sflag:$0x7], $0x2800, $0x38;
	[tilespmem:$0x1F080] =	vst v63  }
0x1dd: {  	_ =	swait.ge [sflag:s11], $0x2800  }
0x1de: {  	[sflag:s11] =	ssyncset.done $0x0  }
0x1df: {  	[sflag:s11] =	ssyncadd.s32 $0xFFFFD800  }
0x1e0: {  	[tilespmem:s24], [sflag:$0x7] =	stream.linear.gather [spmem:s9], $0x2800, $0x38;
	[tilespmem:$0x1F080] =	vst v63  }
0x1e1: {  	_ =	swait.ge [sflag:s11], $0x2800  }
0x1e2: {  	[sflag:s11] =	ssyncset.done $0x0  }
0x1e3: {  	s9 =	rddreg [dreg:$0x12];
	[sflag:s11] =	ssyncadd.s32 $0xFFFFD800  }
0x1e4: {  	[hbm4b:s9+s1] =	stream.linear.scatter [tilespmem:s24], [sflag:$0x7], $0x2800, $0x38;
	[tilespmem:$0x1F080] =	vst v63  }
0x1e5: {  	_ =	swait.ge [sflag:s11], $0x2800  }
0x1e6: {  	[sflag:s11] =	ssyncset.done $0x0  }
0x1e7: {  	[sflag:s11] =	ssyncadd.s32 $0xFFFFD800  }
0x1e8: {  	[tilespmem:s24], [sflag:$0x7] =	stream.linear.gather [spmem:s30], $0x2800, $0x38;
	[tilespmem:$0x1F080] =	vst v63  }
0x1e9: {  	_ =	swait.ge [sflag:s11], $0x2800  }
0x1ea: {  	[sflag:s11] =	ssyncset.done $0x0  }
0x1eb: {  	s21 =	rddreg [dreg:$0x13];
	[sflag:s11] =	ssyncadd.s32 $0xFFFFD800  }
0x1ec: {  	[hbm4b:s21+s1] =	stream.linear.scatter [tilespmem:s24], [sflag:$0x7], $0x2800, $0x38;
	[tilespmem:$0x1F080] =	vst v63  }
0x1ed: {  	_ =	swait.ge [sflag:s11], $0x2800  }
0x1ee: {  	[sflag:s11] =	ssyncset.done $0x0  }
0x1ef: {  	[sflag:s11] =	ssyncadd.s32 $0xFFFFD800  }
0x1f0: {  	[tilespmem:s24], [sflag:$0x7] =	stream.linear.gather [spmem:s31], $0x2800, $0x38;
	[tilespmem:$0x1F080] =	vst v63  }
0x1f1: {  	_ =	swait.ge [sflag:s11], $0x2800  }
0x1f2: {  	[sflag:s11] =	ssyncset.done $0x0  }
0x1f3: {  	s23 =	rddreg [dreg:$0x14];
	[sflag:s11] =	ssyncadd.s32 $0xFFFFD800  }
0x1f4: {  	[hbm4b:s23+s1] =	stream.linear.scatter [tilespmem:s24], [sflag:$0x7], $0x2800, $0x38;
	[tilespmem:$0x1F080] =	vst v63  }
0x1f5: {  	_ =	swait.ge [sflag:s11], $0x2800  }
0x1f6: {  	[sflag:s11] =	ssyncset.done $0x0  }
0x1f7: {  	[sflag:s11] =	ssyncadd.s32 $0xFFFFD800  }
0x1f8: {  	[tilespmem:s24], [sflag:$0x7] =	stream.linear.gather [spmem:s19], $0x2800, $0x38;
	[tilespmem:$0x1F080] =	vst v63  }
0x1f9: {  	_ =	swait.ge [sflag:s11], $0x2800  }
0x1fa: {  	[sflag:s11] =	ssyncset.done $0x0  }
0x1fb: {  	s25 =	rddreg [dreg:$0x15];
	[sflag:s11] =	ssyncadd.s32 $0xFFFFD800  }
0x1fc: {  	[hbm4b:s25+s1] =	stream.linear.scatter [tilespmem:s24], [sflag:$0x7], $0x2800, $0x38;
	[tilespmem:$0x1F080] =	vst v63  }
0x1fd: {  	_ =	swait.ge [sflag:s11], $0x2800  }
0x1fe: {  	[sflag:s11] =	ssyncset.done $0x0  }
0x1ff: {  	s3 =	simm.s32 @!p0 $0x1A080;
	s21 =	simm.s32 @!p0 $0x7;
	[sflag:s11] =	ssyncadd.s32 $0xFFFFD800  }
0x200: {  	[tilespmem:s3], [sflag:$0x7] =	stream.linear.gather @!p0 [spmem:s0], $0x2800, $0x38;
	[tilespmem:$0x1F080] =	vst v63  }
0x201: {  	_ =	swait.ge @!p0 [sflag:s21], $0x2800  }
0x202: {  	[sflag:s21] =	ssyncset.done @!p0 $0x0  }
0x203: {  	s23 =	simm.s32 @!p0 $0x0;
	s25 =	rddreg [dreg:$0x16];
	[sflag:s21] =	ssyncadd.s32 @!p0 $0xFFFFD800  }
0x204: {  	[hbm4b:s25+s23] =	stream.linear.scatter @!p0 [tilespmem:s3], [sflag:$0x7], $0x2800, $0x38;
	[tilespmem:$0x1F080] =	vst v63  }
0x205: {  	s25 =	rddreg [dreg:$0x1d]  }
0x206: {  	s23 =	rddreg [dreg:$0x1c];
	_ =	swait.ge @!p0 [sflag:s21], $0x2800  }
0x207: {  	s3 =	sld [smem:$0x7F4];
	_ =	sdelay $0x2  }
0x208: {  	s9 =	sadd.s32 $0x1, s3;
	s3 =	sld [smem:$0x7F7];
	_ =	sdelay $0x2  }
0x209: {  	p1 =	sne.s32 s9, s3  }
.Ltmp2:
0x20a: {  	_ = 	snop;
	(pc) =	sbr.rel @p1 .LBB2_1-.Ltmp2, $3  }
0x20b: {  	_ =	sdelay $0x1  }
0x20c: {  	[sflag:s21] =	ssyncset.done @!p0 $0x0  }
0x20d: {  	[sflag:s21] =	ssyncadd.s32 @!p0 $0xFFFFD800  }
0x20e: {  	_ =	sfence.sel $0x180000  }
0x20f: {  	[bflag:$0x0] =	sbarrier.arrive $0xFFFF  }
0x210: {  	_ =	strace $0x90000047  }
0x211: {  	s0 =	stileid.u32;
	[bflag:$0x2] =	sbarrier.arrive $0xFFFF  }
0x212: {  	p0 =	sne.s32 s0, $0x0;
	s0 =	rddreg [dreg:$0x6]  }
0x213: {  	s0 =	sadd.s32 @!p0 $0x100000, s0  }
0x214: {  	[sflag:s0] =	ssyncadd.tile.s32 @!p0 $0x1;
	_ =	shalt  }
.Lfunc_end2:
_tile_overlayer_lowered:
.L_overlay_start_2:
0x215: {  	(tag) =	ssettag $0x2  }
0x216: {  	s0 =	rddreg [dreg:$0x0];
	s2 =	stileid.u32  }
0x217: {  	s1 =	rddreg [dreg:$0x1];
	p0 =	sne.s32 s2, $0x0  }
0x218: {  	s3 =	rddreg [dreg:$0x2];
	[bflag:$0x3] =	sbarrier.arrive $0xFFFF;
	s2 =	simm.s32 @!p0 $0x1C07  }
0x219: {  	[timem:s3], [sflag:s2] =	dma.local @!p0 [hbm:s0], s1  }
0x21a: {  	s0 =	simm.s32 @!p0 $0x7  }
0x21b: {  	_ =	swait.ge @!p0 [sflag:s0], s1  }
0x21c: {  	s1 =	ssub.s32 @!p0 $0x0, s1;
	[sflag:s0] =	ssyncset.done @!p0 $0x0  }
0x21d: {  	[sflag:s0] =	ssyncadd.s32 @!p0 s1  }
0x21e: {  	[bflag:$0x3] =	sbarrier.arrive $0xFFFF  }
0x21f: {  	_ =	shalt  }

</sc_bundles>
